<compile_context>
chip_gen: v7x
topology: tpu7x:2x2x1
jax: 0.10.2.dev20260603
libtpu: 0.0.44.dev20260713+nightly
codegen_flags: <defaults>
</compile_context>

<pallas_src>
import functools

import jax
import jax.numpy as jnp
from jax import lax
from jax.experimental import pallas as pl
from jax.experimental.pallas import tpu as pltpu
from jax.experimental.pallas import tpu_sc as plsc

SEQ = 200
D = 128
BATCH = 4096
NUM_WORKERS = 32
ROWS_PER_W = BATCH // NUM_WORKERS
CH_A = 128
CH_B = SEQ - CH_A
NBUF = 5

_mesh = plsc.VectorSubcoreMesh(core_axis_name="c", subcore_axis_name="s")


@functools.partial(
    pl.kernel,
    out_type=jax.ShapeDtypeStruct((BATCH * SEQ, D), jnp.float32),
    mesh=_mesh,
    scratch_types=[
        pltpu.VMEM_SHARED((SEQ, D), jnp.float32),
        [pltpu.VMEM((SEQ,), jnp.int32)] * NBUF,
        pltpu.VMEM((NBUF, SEQ, D), jnp.float32),
        pltpu.SemaphoreType.DMA,
        [pltpu.SemaphoreType.DMA] * NBUF,
        [pltpu.SemaphoreType.DMA] * NBUF,
        [pltpu.SemaphoreType.DMA] * NBUF,
    ],
)
def _emb(idx_hbm, tok_hbm, pos_hbm, out_hbm, pos_sh, idx_v, rows_v,
         sem_g, sem_o, sem_p, sem_i):
    wid = lax.axis_index("s") * 2 + lax.axis_index("c")
    wbase = wid * ROWS_PER_W * SEQ

    @pl.when(lax.axis_index("s") == 0)
    def _seed():
        pltpu.sync_copy(pos_hbm, rows_v.at[0])
        pltpu.sync_copy(rows_v.at[0], pos_sh)

    plsc.subcore_barrier()

    def issue_fetch(r, b):
        pltpu.async_copy(idx_hbm.at[pl.ds(wbase + r * SEQ, SEQ)], idx_v[b], sem_i[b])

    def wait_fetch(b):
        pltpu.make_async_copy(idx_hbm.at[pl.ds(wbase, SEQ)], idx_v[b], sem_i[b]).wait()

    def issue_prefill(b):
        pltpu.async_copy(pos_sh, rows_v.at[b], sem_p[b])

    def wait_prefill(b):
        pltpu.make_async_copy(pos_sh, rows_v.at[b], sem_p[b]).wait()

    def issue_gather(b):
        pltpu.async_copy(
            tok_hbm.at[idx_v[b].at[pl.ds(0, CH_A)]],
            rows_v.at[b, pl.ds(0, CH_A)], sem_g, add=True)
        pltpu.async_copy(
            tok_hbm.at[idx_v[b].at[pl.ds(CH_A, CH_B)]],
            rows_v.at[b, pl.ds(CH_A, CH_B)], sem_g, add=True)

    def wait_gather(b):
        pltpu.make_async_copy(
            tok_hbm.at[idx_v[b].at[pl.ds(0, CH_A)]],
            rows_v.at[b, pl.ds(0, CH_A)], sem_g).wait()
        pltpu.make_async_copy(
            tok_hbm.at[idx_v[b].at[pl.ds(0, CH_B)]],
            rows_v.at[b, pl.ds(CH_A, CH_B)], sem_g).wait()

    def issue_out(r, b):
        pltpu.async_copy(rows_v.at[b], out_hbm.at[pl.ds(wbase + r * SEQ, SEQ)], sem_o[b])

    def wait_out(b):
        pltpu.make_async_copy(rows_v.at[b], out_hbm.at[pl.ds(wbase, SEQ)], sem_o[b]).wait()

    def body(r, b, wait_o=True, prefill=True, gather=True):
        wait_gather(b)
        issue_out(r, b)
        if gather:
            b3 = (b + 3) % NBUF
            wait_prefill(b3)
            wait_fetch(b3)
            issue_gather(b3)
        if prefill:
            b4 = (b + 4) % NBUF
            if wait_o:
                wait_out(b4)
            issue_prefill(b4)
            issue_fetch(r + 4, b4)

    for b in range(4):
        issue_prefill(b)
        issue_fetch(b, b)
    for r in range(3):
        wait_prefill(r)
        wait_fetch(r)
        issue_gather(r)

    body(0, 0, wait_o=False)
    body(1, 1)
    body(2, 2)
    body(3, 3)
    body(4, 4)

    @pl.loop(NBUF, ROWS_PER_W - 8, step=NBUF)
    def _ring(r0):
        for k in range(NBUF):
            body(r0 + k, k)

    body(ROWS_PER_W - 8, 0)
    body(ROWS_PER_W - 7, 1)
    body(ROWS_PER_W - 6, 2)
    body(ROWS_PER_W - 5, 3)
    body(ROWS_PER_W - 4, 4, prefill=False)
    body(ROWS_PER_W - 3, 0, prefill=False, gather=False)
    body(ROWS_PER_W - 2, 1, prefill=False, gather=False)
    body(ROWS_PER_W - 1, 2, prefill=False, gather=False)

    for b in range(NBUF):
        wait_out(b)


def kernel(inputs, token_table, pos_table):
    b, l = inputs.shape
    flat_idx = inputs.reshape(b * l)
    out = _emb(flat_idx, token_table, pos_table)
    return out.reshape(b, l, token_table.shape[1])

# --- scband reference (transcript-rebuilt; emitter-appended) ---
"""Pipeline reference for scband-positional-embedding-50775103373715 (READ-ONLY COPY).

The authoritative reference and input builder live on the scoring server;
editing this copy changes nothing except your own understanding.
"""

import jax, jax.numpy as jnp
import numpy as np

SEQ_LEN = 200
VOCAB = 100000
EMBED = 128
BATCH = 4096

def setup_inputs(seed: int = 0) -> dict:
    key = jax.random.key(seed)
    k_idx, k_tok, k_pos = jax.random.split(key, 3)
    inputs = jax.random.randint(k_idx, (BATCH, SEQ_LEN), 0, VOCAB, dtype=jnp.int64 if jax.config.jax_enable_x64 else jnp.int32)
    token_table = jax.random.normal(k_tok, (VOCAB, EMBED), dtype=jnp.float32) * 0.02
    pos_table = jax.random.normal(k_pos, (SEQ_LEN, EMBED), dtype=jnp.float32) * 0.02
    return {"inputs": inputs, "token_table": token_table, "pos_table": pos_table}

def reference(inputs, token_table, pos_table):
    # token embedding lookup (Embedding with mask_zero only affects mask propagation,
    # not the returned embeddings; row 0 is still looked up normally)
    embedded_tokens = jnp.take(token_table, inputs, axis=0)          # [B, L, D]
    length = inputs.shape[-1]
    positions = jnp.arange(length)
    embedded_positions = jnp.take(pos_table, positions, axis=0)     # [L, D]
    return embedded_tokens + embedded_positions[None, :, :]

if __name__ == "__main__":
    import jax
    _d = setup_inputs()
    print(jax.jit(kernel)(*tuple(_d.values())))

</pallas_src>

<mosaic_0001>
#map = affine_map<(d0, d1) -> (0)>
#map1 = affine_map<(d0, d1) -> (0, 0)>
module attributes {stable_mosaic.version = 14 : i64} {
  func.func @_emb(%arg0: i32, %arg1: i32, %arg2: memref<819200xi32, #tpu.memory_space<hbm>>, %arg3: memref<100000x128xf32, #tpu.memory_space<hbm>>, %arg4: memref<200x128xf32, #tpu.memory_space<hbm>>, %arg5: memref<819200x128xf32, #tpu.memory_space<hbm>>, %arg6: memref<200x128xf32, #tpu.memory_space<vmem_shared>>, %arg7: memref<200xi32, #tpu.memory_space<vmem>>, %arg8: memref<200xi32, #tpu.memory_space<vmem>>, %arg9: memref<200xi32, #tpu.memory_space<vmem>>, %arg10: memref<200xi32, #tpu.memory_space<vmem>>, %arg11: memref<200xi32, #tpu.memory_space<vmem>>, %arg12: memref<5x200x128xf32, #tpu.memory_space<vmem>>, %arg13: memref<!tpu.dma_semaphore, #tpu.memory_space<semaphore_mem>>, %arg14: memref<!tpu.dma_semaphore, #tpu.memory_space<semaphore_mem>>, %arg15: memref<!tpu.dma_semaphore, #tpu.memory_space<semaphore_mem>>, %arg16: memref<!tpu.dma_semaphore, #tpu.memory_space<semaphore_mem>>, %arg17: memref<!tpu.dma_semaphore, #tpu.memory_space<semaphore_mem>>, %arg18: memref<!tpu.dma_semaphore, #tpu.memory_space<semaphore_mem>>, %arg19: memref<!tpu.dma_semaphore, #tpu.memory_space<semaphore_mem>>, %arg20: memref<!tpu.dma_semaphore, #tpu.memory_space<semaphore_mem>>, %arg21: memref<!tpu.dma_semaphore, #tpu.memory_space<semaphore_mem>>, %arg22: memref<!tpu.dma_semaphore, #tpu.memory_space<semaphore_mem>>, %arg23: memref<!tpu.dma_semaphore, #tpu.memory_space<semaphore_mem>>, %arg24: memref<!tpu.dma_semaphore, #tpu.memory_space<semaphore_mem>>, %arg25: memref<!tpu.dma_semaphore, #tpu.memory_space<semaphore_mem>>, %arg26: memref<!tpu.dma_semaphore, #tpu.memory_space<semaphore_mem>>, %arg27: memref<!tpu.dma_semaphore, #tpu.memory_space<semaphore_mem>>, %arg28: memref<!tpu.dma_semaphore, #tpu.memory_space<semaphore_mem>>) attributes {dimension_semantics = [#tpu.dimension_semantics<core_parallel>, #tpu.dimension_semantics<subcore_parallel>], iteration_bounds = array<i64: 2, 16>, scalar_prefetch = 0 : i64, scratch_operands = 23 : i64, tpu.core_type = #tpu.core_type<sc_vector_subcore>, window_params = [{transform_indices = #map}, {transform_indices = #map1}, {transform_indices = #map1}, {transform_indices = #map1}]} {
    %mul3A = arith.constant 2 : i32
    %mul3A_0 = arith.muli %arg1, %mul3A : i32
    %add3A = arith.addi %mul3A_0, %arg0 : i32
    %mul3A_1 = arith.constant 128 : i32
    %mul3A_2 = arith.muli %add3A, %mul3A_1 : i32
    %mul3A_3 = arith.constant 200 : i32
    %mul3A_4 = arith.muli %mul3A_2, %mul3A_3 : i32
    %eq3A = arith.constant 0 : i32
    %eq3A_5 = arith.cmpi eq, %arg1, %eq3A : i32
    %convert_element_type3A = arith.extui %eq3A_5 : i1 to i32
    %cond3A = arith.constant 0 : i32
    %cond3A_6 = arith.cmpi ne, %convert_element_type3A, %cond3A : i32
    scf.if %cond3A_6 {
      %run_scoped3A = arith.constant 0 : i32
      "tpu.region"() ({
        %run_scoped3A_1206 = tpu.sem_alloc : memref<!tpu.dma_semaphore, #tpu.memory_space<semaphore_mem>>
        %dma_start3A_1207 = arith.constant 0 : i32
        %dma_start3A_1208 = arith.constant 0 : i32
        %dma_start3A_1209 = tpu.memref_slice %arg12[%run_scoped3A, %dma_start3A_1207, %dma_start3A_1208] : memref<5x200x128xf32, #tpu.memory_space<vmem>> -> memref<1x200x128xf32, #tpu.memory_space<vmem>>
        %dma_start3A_1210 = tpu.memref_squeeze %dma_start3A_1209 : memref<1x200x128xf32, #tpu.memory_space<vmem>> -> memref<200x128xf32, #tpu.memory_space<vmem>>
        %dma_start3A_1211 = arith.constant 0 : i32
        %dma_start3A_1212 = arith.constant 0 : i32
        %dma_start3A_1213 = tpu.memref_slice %arg12[%run_scoped3A, %dma_start3A_1211, %dma_start3A_1212] : memref<5x200x128xf32, #tpu.memory_space<vmem>> -> memref<1x200x128xf32, #tpu.memory_space<vmem>>
        %dma_start3A_1214 = tpu.memref_squeeze %dma_start3A_1213 : memref<1x200x128xf32, #tpu.memory_space<vmem>> -> memref<200x128xf32, #tpu.memory_space<vmem>>
        tpu.enqueue_dma source(%arg4 : memref<200x128xf32, #tpu.memory_space<hbm>>) target(%dma_start3A_1214 : memref<200x128xf32, #tpu.memory_space<vmem>>) target_semaphore(%run_scoped3A_1206 : memref<!tpu.dma_semaphore, #tpu.memory_space<semaphore_mem>>)
        %dma_wait3A_1215 = arith.constant 0 : i32
        %dma_wait3A_1216 = arith.constant 0 : i32
        %dma_wait3A_1217 = tpu.memref_slice %arg12[%run_scoped3A, %dma_wait3A_1215, %dma_wait3A_1216] : memref<5x200x128xf32, #tpu.memory_space<vmem>> -> memref<1x200x128xf32, #tpu.memory_space<vmem>>
        %dma_wait3A_1218 = tpu.memref_squeeze %dma_wait3A_1217 : memref<1x200x128xf32, #tpu.memory_space<vmem>> -> memref<200x128xf32, #tpu.memory_space<vmem>>
        %dma_wait3A_1219 = arith.constant 0 : i32
        %dma_wait3A_1220 = arith.constant 0 : i32
        %dma_wait3A_1221 = tpu.memref_slice %arg12[%run_scoped3A, %dma_wait3A_1219, %dma_wait3A_1220] : memref<5x200x128xf32, #tpu.memory_space<vmem>> -> memref<1x200x128xf32, #tpu.memory_space<vmem>>
        %dma_wait3A_1222 = tpu.memref_squeeze %dma_wait3A_1221 : memref<1x200x128xf32, #tpu.memory_space<vmem>> -> memref<200x128xf32, #tpu.memory_space<vmem>>
        tpu.wait_dma2 semaphore(%run_scoped3A_1206 : memref<!tpu.dma_semaphore, #tpu.memory_space<semaphore_mem>>) src(%arg4 : memref<200x128xf32, #tpu.memory_space<hbm>>) dst(%dma_wait3A_1222 : memref<200x128xf32, #tpu.memory_space<vmem>>)
        tpu.yield
      }) : () -> ()
      %run_scoped3A_1205 = arith.constant 0 : i32
      "tpu.region"() ({
        %run_scoped3A_1206 = tpu.sem_alloc : memref<!tpu.dma_semaphore, #tpu.memory_space<semaphore_mem>>
        %dma_start3A_1207 = arith.constant 0 : i32
        %dma_start3A_1208 = arith.constant 0 : i32
        %dma_start3A_1209 = tpu.memref_slice %arg12[%run_scoped3A_1205, %dma_start3A_1207, %dma_start3A_1208] : memref<5x200x128xf32, #tpu.memory_space<vmem>> -> memref<1x200x128xf32, #tpu.memory_space<vmem>>
        %dma_start3A_1210 = tpu.memref_squeeze %dma_start3A_1209 : memref<1x200x128xf32, #tpu.memory_space<vmem>> -> memref<200x128xf32, #tpu.memory_space<vmem>>
        %dma_start3A_1211 = arith.constant 0 : i32
        %dma_start3A_1212 = arith.constant 0 : i32
        %dma_start3A_1213 = tpu.memref_slice %arg12[%run_scoped3A_1205, %dma_start3A_1211, %dma_start3A_1212] : memref<5x200x128xf32, #tpu.memory_space<vmem>> -> memref<1x200x128xf32, #tpu.memory_space<vmem>>
        %dma_start3A_1214 = tpu.memref_squeeze %dma_start3A_1213 : memref<1x200x128xf32, #tpu.memory_space<vmem>> -> memref<200x128xf32, #tpu.memory_space<vmem>>
        tpu.enqueue_dma source(%dma_start3A_1214 : memref<200x128xf32, #tpu.memory_space<vmem>>) target(%arg6 : memref<200x128xf32, #tpu.memory_space<vmem_shared>>) target_semaphore(%run_scoped3A_1206 : memref<!tpu.dma_semaphore, #tpu.memory_space<semaphore_mem>>)
        %dma_wait3A_1215 = arith.constant 0 : i32
        %dma_wait3A_1216 = arith.constant 0 : i32
        %dma_wait3A_1217 = tpu.memref_slice %arg12[%run_scoped3A_1205, %dma_wait3A_1215, %dma_wait3A_1216] : memref<5x200x128xf32, #tpu.memory_space<vmem>> -> memref<1x200x128xf32, #tpu.memory_space<vmem>>
        %dma_wait3A_1218 = tpu.memref_squeeze %dma_wait3A_1217 : memref<1x200x128xf32, #tpu.memory_space<vmem>> -> memref<200x128xf32, #tpu.memory_space<vmem>>
        %dma_wait3A_1219 = arith.constant 0 : i32
        %dma_wait3A_1220 = arith.constant 0 : i32
        %dma_wait3A_1221 = tpu.memref_slice %arg12[%run_scoped3A_1205, %dma_wait3A_1219, %dma_wait3A_1220] : memref<5x200x128xf32, #tpu.memory_space<vmem>> -> memref<1x200x128xf32, #tpu.memory_space<vmem>>
        %dma_wait3A_1222 = tpu.memref_squeeze %dma_wait3A_1221 : memref<1x200x128xf32, #tpu.memory_space<vmem>> -> memref<200x128xf32, #tpu.memory_space<vmem>>
        tpu.wait_dma2 semaphore(%run_scoped3A_1206 : memref<!tpu.dma_semaphore, #tpu.memory_space<semaphore_mem>>) src(%dma_wait3A_1222 : memref<200x128xf32, #tpu.memory_space<vmem>>) dst(%arg6 : memref<200x128xf32, #tpu.memory_space<vmem_shared>>)
        tpu.yield
      }) : () -> ()
    } else {
    }
    %barrier3A = arith.constant 0 : index
    tpu.barrier barrier_id(%barrier3A)
    %dma_start3A = arith.constant 0 : i32
    %dma_start3A_7 = arith.constant 0 : i32
    %dma_start3A_8 = arith.constant 0 : i32
    %dma_start3A_9 = tpu.memref_slice %arg12[%dma_start3A, %dma_start3A_7, %dma_start3A_8] : memref<5x200x128xf32, #tpu.memory_space<vmem>> -> memref<1x200x128xf32, #tpu.memory_space<vmem>>
    %dma_start3A_10 = tpu.memref_squeeze %dma_start3A_9 : memref<1x200x128xf32, #tpu.memory_space<vmem>> -> memref<200x128xf32, #tpu.memory_space<vmem>>
    %dma_start3A_11 = arith.constant 0 : i32
    %dma_start3A_12 = arith.constant 0 : i32
    %dma_start3A_13 = tpu.memref_slice %arg12[%dma_start3A, %dma_start3A_11, %dma_start3A_12] : memref<5x200x128xf32, #tpu.memory_space<vmem>> -> memref<1x200x128xf32, #tpu.memory_space<vmem>>
    %dma_start3A_14 = tpu.memref_squeeze %dma_start3A_13 : memref<1x200x128xf32, #tpu.memory_space<vmem>> -> memref<200x128xf32, #tpu.memory_space<vmem>>
    tpu.enqueue_dma source(%arg6 : memref<200x128xf32, #tpu.memory_space<vmem_shared>>) target(%dma_start3A_14 : memref<200x128xf32, #tpu.memory_space<vmem>>) target_semaphore(%arg19 : memref<!tpu.dma_semaphore, #tpu.memory_space<semaphore_mem>>)
    %add3A_15 = arith.constant 0 : i32
    %add3A_16 = arith.addi %mul3A_4, %add3A_15 : i32
    %dma_start3A_17 = tpu.memref_slice %arg2[%add3A_16] : memref<819200xi32, #tpu.memory_space<hbm>> -> memref<200xi32, #tpu.memory_space<hbm>>
    %dma_start3A_18 = tpu.memref_slice %arg2[%add3A_16] : memref<819200xi32, #tpu.memory_space<hbm>> -> memref<200xi32, #tpu.memory_space<hbm>>
    tpu.enqueue_dma source(%dma_start3A_18 : memref<200xi32, #tpu.memory_space<hbm>>) target(%arg7 : memref<200xi32, #tpu.memory_space<vmem>>) target_semaphore(%arg24 : memref<!tpu.dma_semaphore, #tpu.memory_space<semaphore_mem>>)
    %dma_start3A_19 = arith.constant 1 : i32
    %dma_start3A_20 = arith.constant 0 : i32
    %dma_start3A_21 = arith.constant 0 : i32
    %dma_start3A_22 = tpu.memref_slice %arg12[%dma_start3A_19, %dma_start3A_20, %dma_start3A_21] : memref<5x200x128xf32, #tpu.memory_space<vmem>> -> memref<1x200x128xf32, #tpu.memory_space<vmem>>
    %dma_start3A_23 = tpu.memref_squeeze %dma_start3A_22 : memref<1x200x128xf32, #tpu.memory_space<vmem>> -> memref<200x128xf32, #tpu.memory_space<vmem>>
    %dma_start3A_24 = arith.constant 0 : i32
    %dma_start3A_25 = arith.constant 0 : i32
    %dma_start3A_26 = tpu.memref_slice %arg12[%dma_start3A_19, %dma_start3A_24, %dma_start3A_25] : memref<5x200x128xf32, #tpu.memory_space<vmem>> -> memref<1x200x128xf32, #tpu.memory_space<vmem>>
    %dma_start3A_27 = tpu.memref_squeeze %dma_start3A_26 : memref<1x200x128xf32, #tpu.memory_space<vmem>> -> memref<200x128xf32, #tpu.memory_space<vmem>>
    tpu.enqueue_dma source(%arg6 : memref<200x128xf32, #tpu.memory_space<vmem_shared>>) target(%dma_start3A_27 : memref<200x128xf32, #tpu.memory_space<vmem>>) target_semaphore(%arg20 : memref<!tpu.dma_semaphore, #tpu.memory_space<semaphore_mem>>)
    %add3A_28 = arith.constant 200 : i32
    %add3A_29 = arith.addi %mul3A_4, %add3A_28 : i32
    %dma_start3A_30 = tpu.memref_slice %arg2[%add3A_29] : memref<819200xi32, #tpu.memory_space<hbm>> -> memref<200xi32, #tpu.memory_space<hbm>>
    %dma_start3A_31 = tpu.memref_slice %arg2[%add3A_29] : memref<819200xi32, #tpu.memory_space<hbm>> -> memref<200xi32, #tpu.memory_space<hbm>>
    tpu.enqueue_dma source(%dma_start3A_31 : memref<200xi32, #tpu.memory_space<hbm>>) target(%arg8 : memref<200xi32, #tpu.memory_space<vmem>>) target_semaphore(%arg25 : memref<!tpu.dma_semaphore, #tpu.memory_space<semaphore_mem>>)
    %dma_start3A_32 = arith.constant 2 : i32
    %dma_start3A_33 = arith.constant 0 : i32
    %dma_start3A_34 = arith.constant 0 : i32
    %dma_start3A_35 = tpu.memref_slice %arg12[%dma_start3A_32, %dma_start3A_33, %dma_start3A_34] : memref<5x200x128xf32, #tpu.memory_space<vmem>> -> memref<1x200x128xf32, #tpu.memory_space<vmem>>
    %dma_start3A_36 = tpu.memref_squeeze %dma_start3A_35 : memref<1x200x128xf32, #tpu.memory_space<vmem>> -> memref<200x128xf32, #tpu.memory_space<vmem>>
    %dma_start3A_37 = arith.constant 0 : i32
    %dma_start3A_38 = arith.constant 0 : i32
    %dma_start3A_39 = tpu.memref_slice %arg12[%dma_start3A_32, %dma_start3A_37, %dma_start3A_38] : memref<5x200x128xf32, #tpu.memory_space<vmem>> -> memref<1x200x128xf32, #tpu.memory_space<vmem>>
    %dma_start3A_40 = tpu.memref_squeeze %dma_start3A_39 : memref<1x200x128xf32, #tpu.memory_space<vmem>> -> memref<200x128xf32, #tpu.memory_space<vmem>>
    tpu.enqueue_dma source(%arg6 : memref<200x128xf32, #tpu.memory_space<vmem_shared>>) target(%dma_start3A_40 : memref<200x128xf32, #tpu.memory_space<vmem>>) target_semaphore(%arg21 : memref<!tpu.dma_semaphore, #tpu.memory_space<semaphore_mem>>)
    %add3A_41 = arith.constant 400 : i32
    %add3A_42 = arith.addi %mul3A_4, %add3A_41 : i32
    %dma_start3A_43 = tpu.memref_slice %arg2[%add3A_42] : memref<819200xi32, #tpu.memory_space<hbm>> -> memref<200xi32, #tpu.memory_space<hbm>>
    %dma_start3A_44 = tpu.memref_slice %arg2[%add3A_42] : memref<819200xi32, #tpu.memory_space<hbm>> -> memref<200xi32, #tpu.memory_space<hbm>>
    tpu.enqueue_dma source(%dma_start3A_44 : memref<200xi32, #tpu.memory_space<hbm>>) target(%arg9 : memref<200xi32, #tpu.memory_space<vmem>>) target_semaphore(%arg26 : memref<!tpu.dma_semaphore, #tpu.memory_space<semaphore_mem>>)
    %dma_start3A_45 = arith.constant 3 : i32
    %dma_start3A_46 = arith.constant 0 : i32
    %dma_start3A_47 = arith.constant 0 : i32
    %dma_start3A_48 = tpu.memref_slice %arg12[%dma_start3A_45, %dma_start3A_46, %dma_start3A_47] : memref<5x200x128xf32, #tpu.memory_space<vmem>> -> memref<1x200x128xf32, #tpu.memory_space<vmem>>
    %dma_start3A_49 = tpu.memref_squeeze %dma_start3A_48 : memref<1x200x128xf32, #tpu.memory_space<vmem>> -> memref<200x128xf32, #tpu.memory_space<vmem>>
    %dma_start3A_50 = arith.constant 0 : i32
    %dma_start3A_51 = arith.constant 0 : i32
    %dma_start3A_52 = tpu.memref_slice %arg12[%dma_start3A_45, %dma_start3A_50, %dma_start3A_51] : memref<5x200x128xf32, #tpu.memory_space<vmem>> -> memref<1x200x128xf32, #tpu.memory_space<vmem>>
    %dma_start3A_53 = tpu.memref_squeeze %dma_start3A_52 : memref<1x200x128xf32, #tpu.memory_space<vmem>> -> memref<200x128xf32, #tpu.memory_space<vmem>>
    tpu.enqueue_dma source(%arg6 : memref<200x128xf32, #tpu.memory_space<vmem_shared>>) target(%dma_start3A_53 : memref<200x128xf32, #tpu.memory_space<vmem>>) target_semaphore(%arg22 : memref<!tpu.dma_semaphore, #tpu.memory_space<semaphore_mem>>)
    %add3A_54 = arith.constant 600 : i32
    %add3A_55 = arith.addi %mul3A_4, %add3A_54 : i32
    %dma_start3A_56 = tpu.memref_slice %arg2[%add3A_55] : memref<819200xi32, #tpu.memory_space<hbm>> -> memref<200xi32, #tpu.memory_space<hbm>>
    %dma_start3A_57 = tpu.memref_slice %arg2[%add3A_55] : memref<819200xi32, #tpu.memory_space<hbm>> -> memref<200xi32, #tpu.memory_space<hbm>>
    tpu.enqueue_dma source(%dma_start3A_57 : memref<200xi32, #tpu.memory_space<hbm>>) target(%arg10 : memref<200xi32, #tpu.memory_space<vmem>>) target_semaphore(%arg27 : memref<!tpu.dma_semaphore, #tpu.memory_space<semaphore_mem>>)
    %dma_wait3A = arith.constant 0 : i32
    %dma_wait3A_58 = arith.constant 0 : i32
    %dma_wait3A_59 = arith.constant 0 : i32
    %dma_wait3A_60 = tpu.memref_slice %arg12[%dma_wait3A, %dma_wait3A_58, %dma_wait3A_59] : memref<5x200x128xf32, #tpu.memory_space<vmem>> -> memref<1x200x128xf32, #tpu.memory_space<vmem>>
    %dma_wait3A_61 = tpu.memref_squeeze %dma_wait3A_60 : memref<1x200x128xf32, #tpu.memory_space<vmem>> -> memref<200x128xf32, #tpu.memory_space<vmem>>
    %dma_wait3A_62 = arith.constant 0 : i32
    %dma_wait3A_63 = arith.constant 0 : i32
    %dma_wait3A_64 = tpu.memref_slice %arg12[%dma_wait3A, %dma_wait3A_62, %dma_wait3A_63] : memref<5x200x128xf32, #tpu.memory_space<vmem>> -> memref<1x200x128xf32, #tpu.memory_space<vmem>>
    %dma_wait3A_65 = tpu.memref_squeeze %dma_wait3A_64 : memref<1x200x128xf32, #tpu.memory_space<vmem>> -> memref<200x128xf32, #tpu.memory_space<vmem>>
    tpu.wait_dma2 semaphore(%arg19 : memref<!tpu.dma_semaphore, #tpu.memory_space<semaphore_mem>>) src(%arg6 : memref<200x128xf32, #tpu.memory_space<vmem_shared>>) dst(%dma_wait3A_65 : memref<200x128xf32, #tpu.memory_space<vmem>>)
    %dma_wait3A_66 = tpu.memref_slice %arg2[%mul3A_4] : memref<819200xi32, #tpu.memory_space<hbm>> -> memref<200xi32, #tpu.memory_space<hbm>>
    %dma_wait3A_67 = tpu.memref_slice %arg2[%mul3A_4] : memref<819200xi32, #tpu.memory_space<hbm>> -> memref<200xi32, #tpu.memory_space<hbm>>
    tpu.wait_dma2 semaphore(%arg24 : memref<!tpu.dma_semaphore, #tpu.memory_space<semaphore_mem>>) src(%dma_wait3A_67 : memref<200xi32, #tpu.memory_space<hbm>>) dst(%arg7 : memref<200xi32, #tpu.memory_space<vmem>>)
    %dma_start3A_68 = arith.constant 0 : i32
    %dma_start3A_69 = arith.constant 0 : i32
    %dma_start3A_70 = arith.constant 0 : i32
    %dma_start3A_71 = tpu.memref_slice %arg12[%dma_start3A_68, %dma_start3A_69, %dma_start3A_70] : memref<5x200x128xf32, #tpu.memory_space<vmem>> -> memref<1x128x128xf32, #tpu.memory_space<vmem>>
    %dma_start3A_72 = tpu.memref_squeeze %dma_start3A_71 : memref<1x128x128xf32, #tpu.memory_space<vmem>> -> memref<128x128xf32, #tpu.memory_space<vmem>>
    %dma_start3A_73 = arith.constant 0 : i32
    %dma_start3A_74 = tpu.memref_slice %arg7[%dma_start3A_73] : memref<200xi32, #tpu.memory_space<vmem>> -> memref<128xi32, #tpu.memory_space<vmem>>
    %dma_start3A_75 = arith.constant 0 : i32
    %dma_start3A_76 = arith.constant 0 : i32
    %dma_start3A_77 = tpu.memref_slice %arg3[%dma_start3A_75, %dma_start3A_76] : memref<100000x128xf32, #tpu.memory_space<hbm>> -> memref<100000x128xf32, #tpu.memory_space<hbm>>
    tpu.enqueue_indirect_dma source(%dma_start3A_77 : memref<100000x128xf32, #tpu.memory_space<hbm>>) target(%dma_start3A_72 : memref<128x128xf32, #tpu.memory_space<vmem>>) offsets(%dma_start3A_74 : memref<128xi32, #tpu.memory_space<vmem>>) semaphore(%arg13 : memref<!tpu.dma_semaphore, #tpu.memory_space<semaphore_mem>>) {add = true}
    %dma_start3A_78 = arith.constant 0 : i32
    %dma_start3A_79 = arith.constant 128 : i32
    %dma_start3A_80 = arith.constant 0 : i32
    %dma_start3A_81 = tpu.memref_slice %arg12[%dma_start3A_78, %dma_start3A_79, %dma_start3A_80] : memref<5x200x128xf32, #tpu.memory_space<vmem>> -> memref<1x72x128xf32, #tpu.memory_space<vmem>>
    %dma_start3A_82 = tpu.memref_squeeze %dma_start3A_81 : memref<1x72x128xf32, #tpu.memory_space<vmem>> -> memref<72x128xf32, #tpu.memory_space<vmem>>
    %dma_start3A_83 = arith.constant 128 : i32
    %dma_start3A_84 = tpu.memref_slice %arg7[%dma_start3A_83] : memref<200xi32, #tpu.memory_space<vmem>> -> memref<72xi32, #tpu.memory_space<vmem>>
    %dma_start3A_85 = arith.constant 0 : i32
    %dma_start3A_86 = arith.constant 0 : i32
    %dma_start3A_87 = tpu.memref_slice %arg3[%dma_start3A_85, %dma_start3A_86] : memref<100000x128xf32, #tpu.memory_space<hbm>> -> memref<100000x128xf32, #tpu.memory_space<hbm>>
    tpu.enqueue_indirect_dma source(%dma_start3A_87 : memref<100000x128xf32, #tpu.memory_space<hbm>>) target(%dma_start3A_82 : memref<72x128xf32, #tpu.memory_space<vmem>>) offsets(%dma_start3A_84 : memref<72xi32, #tpu.memory_space<vmem>>) semaphore(%arg13 : memref<!tpu.dma_semaphore, #tpu.memory_space<semaphore_mem>>) {add = true}
    %dma_wait3A_88 = arith.constant 1 : i32
    %dma_wait3A_89 = arith.constant 0 : i32
    %dma_wait3A_90 = arith.constant 0 : i32
    %dma_wait3A_91 = tpu.memref_slice %arg12[%dma_wait3A_88, %dma_wait3A_89, %dma_wait3A_90] : memref<5x200x128xf32, #tpu.memory_space<vmem>> -> memref<1x200x128xf32, #tpu.memory_space<vmem>>
    %dma_wait3A_92 = tpu.memref_squeeze %dma_wait3A_91 : memref<1x200x128xf32, #tpu.memory_space<vmem>> -> memref<200x128xf32, #tpu.memory_space<vmem>>
    %dma_wait3A_93 = arith.constant 0 : i32
    %dma_wait3A_94 = arith.constant 0 : i32
    %dma_wait3A_95 = tpu.memref_slice %arg12[%dma_wait3A_88, %dma_wait3A_93, %dma_wait3A_94] : memref<5x200x128xf32, #tpu.memory_space<vmem>> -> memref<1x200x128xf32, #tpu.memory_space<vmem>>
    %dma_wait3A_96 = tpu.memref_squeeze %dma_wait3A_95 : memref<1x200x128xf32, #tpu.memory_space<vmem>> -> memref<200x128xf32, #tpu.memory_space<vmem>>
    tpu.wait_dma2 semaphore(%arg20 : memref<!tpu.dma_semaphore, #tpu.memory_space<semaphore_mem>>) src(%arg6 : memref<200x128xf32, #tpu.memory_space<vmem_shared>>) dst(%dma_wait3A_96 : memref<200x128xf32, #tpu.memory_space<vmem>>)
    %dma_wait3A_97 = tpu.memref_slice %arg2[%mul3A_4] : memref<819200xi32, #tpu.memory_space<hbm>> -> memref<200xi32, #tpu.memory_space<hbm>>
    %dma_wait3A_98 = tpu.memref_slice %arg2[%mul3A_4] : memref<819200xi32, #tpu.memory_space<hbm>> -> memref<200xi32, #tpu.memory_space<hbm>>
    tpu.wait_dma2 semaphore(%arg25 : memref<!tpu.dma_semaphore, #tpu.memory_space<semaphore_mem>>) src(%dma_wait3A_98 : memref<200xi32, #tpu.memory_space<hbm>>) dst(%arg8 : memref<200xi32, #tpu.memory_space<vmem>>)
    %dma_start3A_99 = arith.constant 1 : i32
    %dma_start3A_100 = arith.constant 0 : i32
    %dma_start3A_101 = arith.constant 0 : i32
    %dma_start3A_102 = tpu.memref_slice %arg12[%dma_start3A_99, %dma_start3A_100, %dma_start3A_101] : memref<5x200x128xf32, #tpu.memory_space<vmem>> -> memref<1x128x128xf32, #tpu.memory_space<vmem>>
    %dma_start3A_103 = tpu.memref_squeeze %dma_start3A_102 : memref<1x128x128xf32, #tpu.memory_space<vmem>> -> memref<128x128xf32, #tpu.memory_space<vmem>>
    %dma_start3A_104 = arith.constant 0 : i32
    %dma_start3A_105 = tpu.memref_slice %arg8[%dma_start3A_104] : memref<200xi32, #tpu.memory_space<vmem>> -> memref<128xi32, #tpu.memory_space<vmem>>
    %dma_start3A_106 = arith.constant 0 : i32
    %dma_start3A_107 = arith.constant 0 : i32
    %dma_start3A_108 = tpu.memref_slice %arg3[%dma_start3A_106, %dma_start3A_107] : memref<100000x128xf32, #tpu.memory_space<hbm>> -> memref<100000x128xf32, #tpu.memory_space<hbm>>
    tpu.enqueue_indirect_dma source(%dma_start3A_108 : memref<100000x128xf32, #tpu.memory_space<hbm>>) target(%dma_start3A_103 : memref<128x128xf32, #tpu.memory_space<vmem>>) offsets(%dma_start3A_105 : memref<128xi32, #tpu.memory_space<vmem>>) semaphore(%arg13 : memref<!tpu.dma_semaphore, #tpu.memory_space<semaphore_mem>>) {add = true}
    %dma_start3A_109 = arith.constant 1 : i32
    %dma_start3A_110 = arith.constant 128 : i32
    %dma_start3A_111 = arith.constant 0 : i32
    %dma_start3A_112 = tpu.memref_slice %arg12[%dma_start3A_109, %dma_start3A_110, %dma_start3A_111] : memref<5x200x128xf32, #tpu.memory_space<vmem>> -> memref<1x72x128xf32, #tpu.memory_space<vmem>>
    %dma_start3A_113 = tpu.memref_squeeze %dma_start3A_112 : memref<1x72x128xf32, #tpu.memory_space<vmem>> -> memref<72x128xf32, #tpu.memory_space<vmem>>
    %dma_start3A_114 = arith.constant 128 : i32
    %dma_start3A_115 = tpu.memref_slice %arg8[%dma_start3A_114] : memref<200xi32, #tpu.memory_space<vmem>> -> memref<72xi32, #tpu.memory_space<vmem>>
    %dma_start3A_116 = arith.constant 0 : i32
    %dma_start3A_117 = arith.constant 0 : i32
    %dma_start3A_118 = tpu.memref_slice %arg3[%dma_start3A_116, %dma_start3A_117] : memref<100000x128xf32, #tpu.memory_space<hbm>> -> memref<100000x128xf32, #tpu.memory_space<hbm>>
    tpu.enqueue_indirect_dma source(%dma_start3A_118 : memref<100000x128xf32, #tpu.memory_space<hbm>>) target(%dma_start3A_113 : memref<72x128xf32, #tpu.memory_space<vmem>>) offsets(%dma_start3A_115 : memref<72xi32, #tpu.memory_space<vmem>>) semaphore(%arg13 : memref<!tpu.dma_semaphore, #tpu.memory_space<semaphore_mem>>) {add = true}
    %dma_wait3A_119 = arith.constant 2 : i32
    %dma_wait3A_120 = arith.constant 0 : i32
    %dma_wait3A_121 = arith.constant 0 : i32
    %dma_wait3A_122 = tpu.memref_slice %arg12[%dma_wait3A_119, %dma_wait3A_120, %dma_wait3A_121] : memref<5x200x128xf32, #tpu.memory_space<vmem>> -> memref<1x200x128xf32, #tpu.memory_space<vmem>>
    %dma_wait3A_123 = tpu.memref_squeeze %dma_wait3A_122 : memref<1x200x128xf32, #tpu.memory_space<vmem>> -> memref<200x128xf32, #tpu.memory_space<vmem>>
    %dma_wait3A_124 = arith.constant 0 : i32
    %dma_wait3A_125 = arith.constant 0 : i32
    %dma_wait3A_126 = tpu.memref_slice %arg12[%dma_wait3A_119, %dma_wait3A_124, %dma_wait3A_125] : memref<5x200x128xf32, #tpu.memory_space<vmem>> -> memref<1x200x128xf32, #tpu.memory_space<vmem>>
    %dma_wait3A_127 = tpu.memref_squeeze %dma_wait3A_126 : memref<1x200x128xf32, #tpu.memory_space<vmem>> -> memref<200x128xf32, #tpu.memory_space<vmem>>
    tpu.wait_dma2 semaphore(%arg21 : memref<!tpu.dma_semaphore, #tpu.memory_space<semaphore_mem>>) src(%arg6 : memref<200x128xf32, #tpu.memory_space<vmem_shared>>) dst(%dma_wait3A_127 : memref<200x128xf32, #tpu.memory_space<vmem>>)
    %dma_wait3A_128 = tpu.memref_slice %arg2[%mul3A_4] : memref<819200xi32, #tpu.memory_space<hbm>> -> memref<200xi32, #tpu.memory_space<hbm>>
    %dma_wait3A_129 = tpu.memref_slice %arg2[%mul3A_4] : memref<819200xi32, #tpu.memory_space<hbm>> -> memref<200xi32, #tpu.memory_space<hbm>>
    tpu.wait_dma2 semaphore(%arg26 : memref<!tpu.dma_semaphore, #tpu.memory_space<semaphore_mem>>) src(%dma_wait3A_129 : memref<200xi32, #tpu.memory_space<hbm>>) dst(%arg9 : memref<200xi32, #tpu.memory_space<vmem>>)
    %dma_start3A_130 = arith.constant 2 : i32
    %dma_start3A_131 = arith.constant 0 : i32
    %dma_start3A_132 = arith.constant 0 : i32
    %dma_start3A_133 = tpu.memref_slice %arg12[%dma_start3A_130, %dma_start3A_131, %dma_start3A_132] : memref<5x200x128xf32, #tpu.memory_space<vmem>> -> memref<1x128x128xf32, #tpu.memory_space<vmem>>
    %dma_start3A_134 = tpu.memref_squeeze %dma_start3A_133 : memref<1x128x128xf32, #tpu.memory_space<vmem>> -> memref<128x128xf32, #tpu.memory_space<vmem>>
    %dma_start3A_135 = arith.constant 0 : i32
    %dma_start3A_136 = tpu.memref_slice %arg9[%dma_start3A_135] : memref<200xi32, #tpu.memory_space<vmem>> -> memref<128xi32, #tpu.memory_space<vmem>>
    %dma_start3A_137 = arith.constant 0 : i32
    %dma_start3A_138 = arith.constant 0 : i32
    %dma_start3A_139 = tpu.memref_slice %arg3[%dma_start3A_137, %dma_start3A_138] : memref<100000x128xf32, #tpu.memory_space<hbm>> -> memref<100000x128xf32, #tpu.memory_space<hbm>>
    tpu.enqueue_indirect_dma source(%dma_start3A_139 : memref<100000x128xf32, #tpu.memory_space<hbm>>) target(%dma_start3A_134 : memref<128x128xf32, #tpu.memory_space<vmem>>) offsets(%dma_start3A_136 : memref<128xi32, #tpu.memory_space<vmem>>) semaphore(%arg13 : memref<!tpu.dma_semaphore, #tpu.memory_space<semaphore_mem>>) {add = true}
    %dma_start3A_140 = arith.constant 2 : i32
    %dma_start3A_141 = arith.constant 128 : i32
    %dma_start3A_142 = arith.constant 0 : i32
    %dma_start3A_143 = tpu.memref_slice %arg12[%dma_start3A_140, %dma_start3A_141, %dma_start3A_142] : memref<5x200x128xf32, #tpu.memory_space<vmem>> -> memref<1x72x128xf32, #tpu.memory_space<vmem>>
    %dma_start3A_144 = tpu.memref_squeeze %dma_start3A_143 : memref<1x72x128xf32, #tpu.memory_space<vmem>> -> memref<72x128xf32, #tpu.memory_space<vmem>>
    %dma_start3A_145 = arith.constant 128 : i32
    %dma_start3A_146 = tpu.memref_slice %arg9[%dma_start3A_145] : memref<200xi32, #tpu.memory_space<vmem>> -> memref<72xi32, #tpu.memory_space<vmem>>
    %dma_start3A_147 = arith.constant 0 : i32
    %dma_start3A_148 = arith.constant 0 : i32
    %dma_start3A_149 = tpu.memref_slice %arg3[%dma_start3A_147, %dma_start3A_148] : memref<100000x128xf32, #tpu.memory_space<hbm>> -> memref<100000x128xf32, #tpu.memory_space<hbm>>
    tpu.enqueue_indirect_dma source(%dma_start3A_149 : memref<100000x128xf32, #tpu.memory_space<hbm>>) target(%dma_start3A_144 : memref<72x128xf32, #tpu.memory_space<vmem>>) offsets(%dma_start3A_146 : memref<72xi32, #tpu.memory_space<vmem>>) semaphore(%arg13 : memref<!tpu.dma_semaphore, #tpu.memory_space<semaphore_mem>>) {add = true}
    %dma_wait3A_150 = arith.constant 0 : i32
    %dma_wait3A_151 = arith.constant 0 : i32
    %dma_wait3A_152 = arith.constant 0 : i32
    %dma_wait3A_153 = tpu.memref_slice %arg12[%dma_wait3A_150, %dma_wait3A_151, %dma_wait3A_152] : memref<5x200x128xf32, #tpu.memory_space<vmem>> -> memref<1x128x128xf32, #tpu.memory_space<vmem>>
    %dma_wait3A_154 = tpu.memref_squeeze %dma_wait3A_153 : memref<1x128x128xf32, #tpu.memory_space<vmem>> -> memref<128x128xf32, #tpu.memory_space<vmem>>
    %dma_wait3A_155 = arith.constant 0 : i32
    %dma_wait3A_156 = tpu.memref_slice %arg7[%dma_wait3A_155] : memref<200xi32, #tpu.memory_space<vmem>> -> memref<128xi32, #tpu.memory_space<vmem>>
    %dma_wait3A_157 = arith.constant 0 : i32
    %dma_wait3A_158 = arith.constant 0 : i32
    %dma_wait3A_159 = tpu.memref_slice %arg3[%dma_wait3A_157, %dma_wait3A_158] : memref<100000x128xf32, #tpu.memory_space<hbm>> -> memref<100000x128xf32, #tpu.memory_space<hbm>>
    tpu.wait_indirect_dma semaphore(%arg13 : memref<!tpu.dma_semaphore, #tpu.memory_space<semaphore_mem>>) src(%dma_wait3A_159 : memref<100000x128xf32, #tpu.memory_space<hbm>>) dst(%dma_wait3A_154 : memref<128x128xf32, #tpu.memory_space<vmem>>)
    %dma_wait3A_160 = arith.constant 0 : i32
    %dma_wait3A_161 = arith.constant 128 : i32
    %dma_wait3A_162 = arith.constant 0 : i32
    %dma_wait3A_163 = tpu.memref_slice %arg12[%dma_wait3A_160, %dma_wait3A_161, %dma_wait3A_162] : memref<5x200x128xf32, #tpu.memory_space<vmem>> -> memref<1x72x128xf32, #tpu.memory_space<vmem>>
    %dma_wait3A_164 = tpu.memref_squeeze %dma_wait3A_163 : memref<1x72x128xf32, #tpu.memory_space<vmem>> -> memref<72x128xf32, #tpu.memory_space<vmem>>
    %dma_wait3A_165 = arith.constant 0 : i32
    %dma_wait3A_166 = tpu.memref_slice %arg7[%dma_wait3A_165] : memref<200xi32, #tpu.memory_space<vmem>> -> memref<72xi32, #tpu.memory_space<vmem>>
    %dma_wait3A_167 = arith.constant 0 : i32
    %dma_wait3A_168 = arith.constant 0 : i32
    %dma_wait3A_169 = tpu.memref_slice %arg3[%dma_wait3A_167, %dma_wait3A_168] : memref<100000x128xf32, #tpu.memory_space<hbm>> -> memref<100000x128xf32, #tpu.memory_space<hbm>>
    tpu.wait_indirect_dma semaphore(%arg13 : memref<!tpu.dma_semaphore, #tpu.memory_space<semaphore_mem>>) src(%dma_wait3A_169 : memref<100000x128xf32, #tpu.memory_space<hbm>>) dst(%dma_wait3A_164 : memref<72x128xf32, #tpu.memory_space<vmem>>)
    %add3A_170 = arith.constant 0 : i32
    %add3A_171 = arith.addi %mul3A_4, %add3A_170 : i32
    %dma_start3A_172 = arith.constant 0 : i32
    %dma_start3A_173 = arith.constant 0 : i32
    %dma_start3A_174 = arith.constant 0 : i32
    %dma_start3A_175 = tpu.memref_slice %arg12[%dma_start3A_172, %dma_start3A_173, %dma_start3A_174] : memref<5x200x128xf32, #tpu.memory_space<vmem>> -> memref<1x200x128xf32, #tpu.memory_space<vmem>>
    %dma_start3A_176 = tpu.memref_squeeze %dma_start3A_175 : memref<1x200x128xf32, #tpu.memory_space<vmem>> -> memref<200x128xf32, #tpu.memory_space<vmem>>
    %dma_start3A_177 = arith.constant 0 : i32
    %dma_start3A_178 = tpu.memref_slice %arg5[%add3A_171, %dma_start3A_177] : memref<819200x128xf32, #tpu.memory_space<hbm>> -> memref<200x128xf32, #tpu.memory_space<hbm>>
    %dma_start3A_179 = arith.constant 0 : i32
    %dma_start3A_180 = tpu.memref_slice %arg5[%add3A_171, %dma_start3A_179] : memref<819200x128xf32, #tpu.memory_space<hbm>> -> memref<200x128xf32, #tpu.memory_space<hbm>>
    %dma_start3A_181 = arith.constant 0 : i32
    %dma_start3A_182 = arith.constant 0 : i32
    %dma_start3A_183 = tpu.memref_slice %arg12[%dma_start3A_172, %dma_start3A_181, %dma_start3A_182] : memref<5x200x128xf32, #tpu.memory_space<vmem>> -> memref<1x200x128xf32, #tpu.memory_space<vmem>>
    %dma_start3A_184 = tpu.memref_squeeze %dma_start3A_183 : memref<1x200x128xf32, #tpu.memory_space<vmem>> -> memref<200x128xf32, #tpu.memory_space<vmem>>
    tpu.enqueue_dma source(%dma_start3A_184 : memref<200x128xf32, #tpu.memory_space<vmem>>) target(%dma_start3A_180 : memref<200x128xf32, #tpu.memory_space<hbm>>) target_semaphore(%arg14 : memref<!tpu.dma_semaphore, #tpu.memory_space<semaphore_mem>>)
    %dma_wait3A_185 = arith.constant 3 : i32
    %dma_wait3A_186 = arith.constant 0 : i32
    %dma_wait3A_187 = arith.constant 0 : i32
    %dma_wait3A_188 = tpu.memref_slice %arg12[%dma_wait3A_185, %dma_wait3A_186, %dma_wait3A_187] : memref<5x200x128xf32, #tpu.memory_space<vmem>> -> memref<1x200x128xf32, #tpu.memory_space<vmem>>
    %dma_wait3A_189 = tpu.memref_squeeze %dma_wait3A_188 : memref<1x200x128xf32, #tpu.memory_space<vmem>> -> memref<200x128xf32, #tpu.memory_space<vmem>>
    %dma_wait3A_190 = arith.constant 0 : i32
    %dma_wait3A_191 = arith.constant 0 : i32
    %dma_wait3A_192 = tpu.memref_slice %arg12[%dma_wait3A_185, %dma_wait3A_190, %dma_wait3A_191] : memref<5x200x128xf32, #tpu.memory_space<vmem>> -> memref<1x200x128xf32, #tpu.memory_space<vmem>>
    %dma_wait3A_193 = tpu.memref_squeeze %dma_wait3A_192 : memref<1x200x128xf32, #tpu.memory_space<vmem>> -> memref<200x128xf32, #tpu.memory_space<vmem>>
    tpu.wait_dma2 semaphore(%arg22 : memref<!tpu.dma_semaphore, #tpu.memory_space<semaphore_mem>>) src(%arg6 : memref<200x128xf32, #tpu.memory_space<vmem_shared>>) dst(%dma_wait3A_193 : memref<200x128xf32, #tpu.memory_space<vmem>>)
    %dma_wait3A_194 = tpu.memref_slice %arg2[%mul3A_4] : memref<819200xi32, #tpu.memory_space<hbm>> -> memref<200xi32, #tpu.memory_space<hbm>>
    %dma_wait3A_195 = tpu.memref_slice %arg2[%mul3A_4] : memref<819200xi32, #tpu.memory_space<hbm>> -> memref<200xi32, #tpu.memory_space<hbm>>
    tpu.wait_dma2 semaphore(%arg27 : memref<!tpu.dma_semaphore, #tpu.memory_space<semaphore_mem>>) src(%dma_wait3A_195 : memref<200xi32, #tpu.memory_space<hbm>>) dst(%arg10 : memref<200xi32, #tpu.memory_space<vmem>>)
    %dma_start3A_196 = arith.constant 3 : i32
    %dma_start3A_197 = arith.constant 0 : i32
    %dma_start3A_198 = arith.constant 0 : i32
    %dma_start3A_199 = tpu.memref_slice %arg12[%dma_start3A_196, %dma_start3A_197, %dma_start3A_198] : memref<5x200x128xf32, #tpu.memory_space<vmem>> -> memref<1x128x128xf32, #tpu.memory_space<vmem>>
    %dma_start3A_200 = tpu.memref_squeeze %dma_start3A_199 : memref<1x128x128xf32, #tpu.memory_space<vmem>> -> memref<128x128xf32, #tpu.memory_space<vmem>>
    %dma_start3A_201 = arith.constant 0 : i32
    %dma_start3A_202 = tpu.memref_slice %arg10[%dma_start3A_201] : memref<200xi32, #tpu.memory_space<vmem>> -> memref<128xi32, #tpu.memory_space<vmem>>
    %dma_start3A_203 = arith.constant 0 : i32
    %dma_start3A_204 = arith.constant 0 : i32
    %dma_start3A_205 = tpu.memref_slice %arg3[%dma_start3A_203, %dma_start3A_204] : memref<100000x128xf32, #tpu.memory_space<hbm>> -> memref<100000x128xf32, #tpu.memory_space<hbm>>
    tpu.enqueue_indirect_dma source(%dma_start3A_205 : memref<100000x128xf32, #tpu.memory_space<hbm>>) target(%dma_start3A_200 : memref<128x128xf32, #tpu.memory_space<vmem>>) offsets(%dma_start3A_202 : memref<128xi32, #tpu.memory_space<vmem>>) semaphore(%arg13 : memref<!tpu.dma_semaphore, #tpu.memory_space<semaphore_mem>>) {add = true}
    %dma_start3A_206 = arith.constant 3 : i32
    %dma_start3A_207 = arith.constant 128 : i32
    %dma_start3A_208 = arith.constant 0 : i32
    %dma_start3A_209 = tpu.memref_slice %arg12[%dma_start3A_206, %dma_start3A_207, %dma_start3A_208] : memref<5x200x128xf32, #tpu.memory_space<vmem>> -> memref<1x72x128xf32, #tpu.memory_space<vmem>>
    %dma_start3A_210 = tpu.memref_squeeze %dma_start3A_209 : memref<1x72x128xf32, #tpu.memory_space<vmem>> -> memref<72x128xf32, #tpu.memory_space<vmem>>
    %dma_start3A_211 = arith.constant 128 : i32
    %dma_start3A_212 = tpu.memref_slice %arg10[%dma_start3A_211] : memref<200xi32, #tpu.memory_space<vmem>> -> memref<72xi32, #tpu.memory_space<vmem>>
    %dma_start3A_213 = arith.constant 0 : i32
    %dma_start3A_214 = arith.constant 0 : i32
    %dma_start3A_215 = tpu.memref_slice %arg3[%dma_start3A_213, %dma_start3A_214] : memref<100000x128xf32, #tpu.memory_space<hbm>> -> memref<100000x128xf32, #tpu.memory_space<hbm>>
    tpu.enqueue_indirect_dma source(%dma_start3A_215 : memref<100000x128xf32, #tpu.memory_space<hbm>>) target(%dma_start3A_210 : memref<72x128xf32, #tpu.memory_space<vmem>>) offsets(%dma_start3A_212 : memref<72xi32, #tpu.memory_space<vmem>>) semaphore(%arg13 : memref<!tpu.dma_semaphore, #tpu.memory_space<semaphore_mem>>) {add = true}
    %dma_start3A_216 = arith.constant 4 : i32
    %dma_start3A_217 = arith.constant 0 : i32
    %dma_start3A_218 = arith.constant 0 : i32
    %dma_start3A_219 = tpu.memref_slice %arg12[%dma_start3A_216, %dma_start3A_217, %dma_start3A_218] : memref<5x200x128xf32, #tpu.memory_space<vmem>> -> memref<1x200x128xf32, #tpu.memory_space<vmem>>
    %dma_start3A_220 = tpu.memref_squeeze %dma_start3A_219 : memref<1x200x128xf32, #tpu.memory_space<vmem>> -> memref<200x128xf32, #tpu.memory_space<vmem>>
    %dma_start3A_221 = arith.constant 0 : i32
    %dma_start3A_222 = arith.constant 0 : i32
    %dma_start3A_223 = tpu.memref_slice %arg12[%dma_start3A_216, %dma_start3A_221, %dma_start3A_222] : memref<5x200x128xf32, #tpu.memory_space<vmem>> -> memref<1x200x128xf32, #tpu.memory_space<vmem>>
    %dma_start3A_224 = tpu.memref_squeeze %dma_start3A_223 : memref<1x200x128xf32, #tpu.memory_space<vmem>> -> memref<200x128xf32, #tpu.memory_space<vmem>>
    tpu.enqueue_dma source(%arg6 : memref<200x128xf32, #tpu.memory_space<vmem_shared>>) target(%dma_start3A_224 : memref<200x128xf32, #tpu.memory_space<vmem>>) target_semaphore(%arg23 : memref<!tpu.dma_semaphore, #tpu.memory_space<semaphore_mem>>)
    %add3A_225 = arith.constant 800 : i32
    %add3A_226 = arith.addi %mul3A_4, %add3A_225 : i32
    %dma_start3A_227 = tpu.memref_slice %arg2[%add3A_226] : memref<819200xi32, #tpu.memory_space<hbm>> -> memref<200xi32, #tpu.memory_space<hbm>>
    %dma_start3A_228 = tpu.memref_slice %arg2[%add3A_226] : memref<819200xi32, #tpu.memory_space<hbm>> -> memref<200xi32, #tpu.memory_space<hbm>>
    tpu.enqueue_dma source(%dma_start3A_228 : memref<200xi32, #tpu.memory_space<hbm>>) target(%arg11 : memref<200xi32, #tpu.memory_space<vmem>>) target_semaphore(%arg28 : memref<!tpu.dma_semaphore, #tpu.memory_space<semaphore_mem>>)
    %dma_wait3A_229 = arith.constant 1 : i32
    %dma_wait3A_230 = arith.constant 0 : i32
    %dma_wait3A_231 = arith.constant 0 : i32
    %dma_wait3A_232 = tpu.memref_slice %arg12[%dma_wait3A_229, %dma_wait3A_230, %dma_wait3A_231] : memref<5x200x128xf32, #tpu.memory_space<vmem>> -> memref<1x128x128xf32, #tpu.memory_space<vmem>>
    %dma_wait3A_233 = tpu.memref_squeeze %dma_wait3A_232 : memref<1x128x128xf32, #tpu.memory_space<vmem>> -> memref<128x128xf32, #tpu.memory_space<vmem>>
    %dma_wait3A_234 = arith.constant 0 : i32
    %dma_wait3A_235 = tpu.memref_slice %arg8[%dma_wait3A_234] : memref<200xi32, #tpu.memory_space<vmem>> -> memref<128xi32, #tpu.memory_space<vmem>>
    %dma_wait3A_236 = arith.constant 0 : i32
    %dma_wait3A_237 = arith.constant 0 : i32
    %dma_wait3A_238 = tpu.memref_slice %arg3[%dma_wait3A_236, %dma_wait3A_237] : memref<100000x128xf32, #tpu.memory_space<hbm>> -> memref<100000x128xf32, #tpu.memory_space<hbm>>
    tpu.wait_indirect_dma semaphore(%arg13 : memref<!tpu.dma_semaphore, #tpu.memory_space<semaphore_mem>>) src(%dma_wait3A_238 : memref<100000x128xf32, #tpu.memory_space<hbm>>) dst(%dma_wait3A_233 : memref<128x128xf32, #tpu.memory_space<vmem>>)
    %dma_wait3A_239 = arith.constant 1 : i32
    %dma_wait3A_240 = arith.constant 128 : i32
    %dma_wait3A_241 = arith.constant 0 : i32
    %dma_wait3A_242 = tpu.memref_slice %arg12[%dma_wait3A_239, %dma_wait3A_240, %dma_wait3A_241] : memref<5x200x128xf32, #tpu.memory_space<vmem>> -> memref<1x72x128xf32, #tpu.memory_space<vmem>>
    %dma_wait3A_243 = tpu.memref_squeeze %dma_wait3A_242 : memref<1x72x128xf32, #tpu.memory_space<vmem>> -> memref<72x128xf32, #tpu.memory_space<vmem>>
    %dma_wait3A_244 = arith.constant 0 : i32
    %dma_wait3A_245 = tpu.memref_slice %arg8[%dma_wait3A_244] : memref<200xi32, #tpu.memory_space<vmem>> -> memref<72xi32, #tpu.memory_space<vmem>>
    %dma_wait3A_246 = arith.constant 0 : i32
    %dma_wait3A_247 = arith.constant 0 : i32
    %dma_wait3A_248 = tpu.memref_slice %arg3[%dma_wait3A_246, %dma_wait3A_247] : memref<100000x128xf32, #tpu.memory_space<hbm>> -> memref<100000x128xf32, #tpu.memory_space<hbm>>
    tpu.wait_indirect_dma semaphore(%arg13 : memref<!tpu.dma_semaphore, #tpu.memory_space<semaphore_mem>>) src(%dma_wait3A_248 : memref<100000x128xf32, #tpu.memory_space<hbm>>) dst(%dma_wait3A_243 : memref<72x128xf32, #tpu.memory_space<vmem>>)
    %add3A_249 = arith.constant 200 : i32
    %add3A_250 = arith.addi %mul3A_4, %add3A_249 : i32
    %dma_start3A_251 = arith.constant 1 : i32
    %dma_start3A_252 = arith.constant 0 : i32
    %dma_start3A_253 = arith.constant 0 : i32
    %dma_start3A_254 = tpu.memref_slice %arg12[%dma_start3A_251, %dma_start3A_252, %dma_start3A_253] : memref<5x200x128xf32, #tpu.memory_space<vmem>> -> memref<1x200x128xf32, #tpu.memory_space<vmem>>
    %dma_start3A_255 = tpu.memref_squeeze %dma_start3A_254 : memref<1x200x128xf32, #tpu.memory_space<vmem>> -> memref<200x128xf32, #tpu.memory_space<vmem>>
    %dma_start3A_256 = arith.constant 0 : i32
    %dma_start3A_257 = tpu.memref_slice %arg5[%add3A_250, %dma_start3A_256] : memref<819200x128xf32, #tpu.memory_space<hbm>> -> memref<200x128xf32, #tpu.memory_space<hbm>>
    %dma_start3A_258 = arith.constant 0 : i32
    %dma_start3A_259 = tpu.memref_slice %arg5[%add3A_250, %dma_start3A_258] : memref<819200x128xf32, #tpu.memory_space<hbm>> -> memref<200x128xf32, #tpu.memory_space<hbm>>
    %dma_start3A_260 = arith.constant 0 : i32
    %dma_start3A_261 = arith.constant 0 : i32
    %dma_start3A_262 = tpu.memref_slice %arg12[%dma_start3A_251, %dma_start3A_260, %dma_start3A_261] : memref<5x200x128xf32, #tpu.memory_space<vmem>> -> memref<1x200x128xf32, #tpu.memory_space<vmem>>
    %dma_start3A_263 = tpu.memref_squeeze %dma_start3A_262 : memref<1x200x128xf32, #tpu.memory_space<vmem>> -> memref<200x128xf32, #tpu.memory_space<vmem>>
    tpu.enqueue_dma source(%dma_start3A_263 : memref<200x128xf32, #tpu.memory_space<vmem>>) target(%dma_start3A_259 : memref<200x128xf32, #tpu.memory_space<hbm>>) target_semaphore(%arg15 : memref<!tpu.dma_semaphore, #tpu.memory_space<semaphore_mem>>)
    %dma_wait3A_264 = arith.constant 4 : i32
    %dma_wait3A_265 = arith.constant 0 : i32
    %dma_wait3A_266 = arith.constant 0 : i32
    %dma_wait3A_267 = tpu.memref_slice %arg12[%dma_wait3A_264, %dma_wait3A_265, %dma_wait3A_266] : memref<5x200x128xf32, #tpu.memory_space<vmem>> -> memref<1x200x128xf32, #tpu.memory_space<vmem>>
    %dma_wait3A_268 = tpu.memref_squeeze %dma_wait3A_267 : memref<1x200x128xf32, #tpu.memory_space<vmem>> -> memref<200x128xf32, #tpu.memory_space<vmem>>
    %dma_wait3A_269 = arith.constant 0 : i32
    %dma_wait3A_270 = arith.constant 0 : i32
    %dma_wait3A_271 = tpu.memref_slice %arg12[%dma_wait3A_264, %dma_wait3A_269, %dma_wait3A_270] : memref<5x200x128xf32, #tpu.memory_space<vmem>> -> memref<1x200x128xf32, #tpu.memory_space<vmem>>
    %dma_wait3A_272 = tpu.memref_squeeze %dma_wait3A_271 : memref<1x200x128xf32, #tpu.memory_space<vmem>> -> memref<200x128xf32, #tpu.memory_space<vmem>>
    tpu.wait_dma2 semaphore(%arg23 : memref<!tpu.dma_semaphore, #tpu.memory_space<semaphore_mem>>) src(%arg6 : memref<200x128xf32, #tpu.memory_space<vmem_shared>>) dst(%dma_wait3A_272 : memref<200x128xf32, #tpu.memory_space<vmem>>)
    %dma_wait3A_273 = tpu.memref_slice %arg2[%mul3A_4] : memref<819200xi32, #tpu.memory_space<hbm>> -> memref<200xi32, #tpu.memory_space<hbm>>
    %dma_wait3A_274 = tpu.memref_slice %arg2[%mul3A_4] : memref<819200xi32, #tpu.memory_space<hbm>> -> memref<200xi32, #tpu.memory_space<hbm>>
    tpu.wait_dma2 semaphore(%arg28 : memref<!tpu.dma_semaphore, #tpu.memory_space<semaphore_mem>>) src(%dma_wait3A_274 : memref<200xi32, #tpu.memory_space<hbm>>) dst(%arg11 : memref<200xi32, #tpu.memory_space<vmem>>)
    %dma_start3A_275 = arith.constant 4 : i32
    %dma_start3A_276 = arith.constant 0 : i32
    %dma_start3A_277 = arith.constant 0 : i32
    %dma_start3A_278 = tpu.memref_slice %arg12[%dma_start3A_275, %dma_start3A_276, %dma_start3A_277] : memref<5x200x128xf32, #tpu.memory_space<vmem>> -> memref<1x128x128xf32, #tpu.memory_space<vmem>>
    %dma_start3A_279 = tpu.memref_squeeze %dma_start3A_278 : memref<1x128x128xf32, #tpu.memory_space<vmem>> -> memref<128x128xf32, #tpu.memory_space<vmem>>
    %dma_start3A_280 = arith.constant 0 : i32
    %dma_start3A_281 = tpu.memref_slice %arg11[%dma_start3A_280] : memref<200xi32, #tpu.memory_space<vmem>> -> memref<128xi32, #tpu.memory_space<vmem>>
    %dma_start3A_282 = arith.constant 0 : i32
    %dma_start3A_283 = arith.constant 0 : i32
    %dma_start3A_284 = tpu.memref_slice %arg3[%dma_start3A_282, %dma_start3A_283] : memref<100000x128xf32, #tpu.memory_space<hbm>> -> memref<100000x128xf32, #tpu.memory_space<hbm>>
    tpu.enqueue_indirect_dma source(%dma_start3A_284 : memref<100000x128xf32, #tpu.memory_space<hbm>>) target(%dma_start3A_279 : memref<128x128xf32, #tpu.memory_space<vmem>>) offsets(%dma_start3A_281 : memref<128xi32, #tpu.memory_space<vmem>>) semaphore(%arg13 : memref<!tpu.dma_semaphore, #tpu.memory_space<semaphore_mem>>) {add = true}
    %dma_start3A_285 = arith.constant 4 : i32
    %dma_start3A_286 = arith.constant 128 : i32
    %dma_start3A_287 = arith.constant 0 : i32
    %dma_start3A_288 = tpu.memref_slice %arg12[%dma_start3A_285, %dma_start3A_286, %dma_start3A_287] : memref<5x200x128xf32, #tpu.memory_space<vmem>> -> memref<1x72x128xf32, #tpu.memory_space<vmem>>
    %dma_start3A_289 = tpu.memref_squeeze %dma_start3A_288 : memref<1x72x128xf32, #tpu.memory_space<vmem>> -> memref<72x128xf32, #tpu.memory_space<vmem>>
    %dma_start3A_290 = arith.constant 128 : i32
    %dma_start3A_291 = tpu.memref_slice %arg11[%dma_start3A_290] : memref<200xi32, #tpu.memory_space<vmem>> -> memref<72xi32, #tpu.memory_space<vmem>>
    %dma_start3A_292 = arith.constant 0 : i32
    %dma_start3A_293 = arith.constant 0 : i32
    %dma_start3A_294 = tpu.memref_slice %arg3[%dma_start3A_292, %dma_start3A_293] : memref<100000x128xf32, #tpu.memory_space<hbm>> -> memref<100000x128xf32, #tpu.memory_space<hbm>>
    tpu.enqueue_indirect_dma source(%dma_start3A_294 : memref<100000x128xf32, #tpu.memory_space<hbm>>) target(%dma_start3A_289 : memref<72x128xf32, #tpu.memory_space<vmem>>) offsets(%dma_start3A_291 : memref<72xi32, #tpu.memory_space<vmem>>) semaphore(%arg13 : memref<!tpu.dma_semaphore, #tpu.memory_space<semaphore_mem>>) {add = true}
    %dma_wait3A_295 = arith.constant 0 : i32
    %dma_wait3A_296 = arith.constant 0 : i32
    %dma_wait3A_297 = arith.constant 0 : i32
    %dma_wait3A_298 = tpu.memref_slice %arg12[%dma_wait3A_295, %dma_wait3A_296, %dma_wait3A_297] : memref<5x200x128xf32, #tpu.memory_space<vmem>> -> memref<1x200x128xf32, #tpu.memory_space<vmem>>
    %dma_wait3A_299 = tpu.memref_squeeze %dma_wait3A_298 : memref<1x200x128xf32, #tpu.memory_space<vmem>> -> memref<200x128xf32, #tpu.memory_space<vmem>>
    %dma_wait3A_300 = arith.constant 0 : i32
    %dma_wait3A_301 = tpu.memref_slice %arg5[%mul3A_4, %dma_wait3A_300] : memref<819200x128xf32, #tpu.memory_space<hbm>> -> memref<200x128xf32, #tpu.memory_space<hbm>>
    %dma_wait3A_302 = arith.constant 0 : i32
    %dma_wait3A_303 = tpu.memref_slice %arg5[%mul3A_4, %dma_wait3A_302] : memref<819200x128xf32, #tpu.memory_space<hbm>> -> memref<200x128xf32, #tpu.memory_space<hbm>>
    %dma_wait3A_304 = arith.constant 0 : i32
    %dma_wait3A_305 = arith.constant 0 : i32
    %dma_wait3A_306 = tpu.memref_slice %arg12[%dma_wait3A_295, %dma_wait3A_304, %dma_wait3A_305] : memref<5x200x128xf32, #tpu.memory_space<vmem>> -> memref<1x200x128xf32, #tpu.memory_space<vmem>>
    %dma_wait3A_307 = tpu.memref_squeeze %dma_wait3A_306 : memref<1x200x128xf32, #tpu.memory_space<vmem>> -> memref<200x128xf32, #tpu.memory_space<vmem>>
    tpu.wait_dma2 semaphore(%arg14 : memref<!tpu.dma_semaphore, #tpu.memory_space<semaphore_mem>>) src(%dma_wait3A_307 : memref<200x128xf32, #tpu.memory_space<vmem>>) dst(%dma_wait3A_303 : memref<200x128xf32, #tpu.memory_space<hbm>>)
    %dma_start3A_308 = arith.constant 0 : i32
    %dma_start3A_309 = arith.constant 0 : i32
    %dma_start3A_310 = arith.constant 0 : i32
    %dma_start3A_311 = tpu.memref_slice %arg12[%dma_start3A_308, %dma_start3A_309, %dma_start3A_310] : memref<5x200x128xf32, #tpu.memory_space<vmem>> -> memref<1x200x128xf32, #tpu.memory_space<vmem>>
    %dma_start3A_312 = tpu.memref_squeeze %dma_start3A_311 : memref<1x200x128xf32, #tpu.memory_space<vmem>> -> memref<200x128xf32, #tpu.memory_space<vmem>>
    %dma_start3A_313 = arith.constant 0 : i32
    %dma_start3A_314 = arith.constant 0 : i32
    %dma_start3A_315 = tpu.memref_slice %arg12[%dma_start3A_308, %dma_start3A_313, %dma_start3A_314] : memref<5x200x128xf32, #tpu.memory_space<vmem>> -> memref<1x200x128xf32, #tpu.memory_space<vmem>>
    %dma_start3A_316 = tpu.memref_squeeze %dma_start3A_315 : memref<1x200x128xf32, #tpu.memory_space<vmem>> -> memref<200x128xf32, #tpu.memory_space<vmem>>
    tpu.enqueue_dma source(%arg6 : memref<200x128xf32, #tpu.memory_space<vmem_shared>>) target(%dma_start3A_316 : memref<200x128xf32, #tpu.memory_space<vmem>>) target_semaphore(%arg19 : memref<!tpu.dma_semaphore, #tpu.memory_space<semaphore_mem>>)
    %add3A_317 = arith.constant 1000 : i32
    %add3A_318 = arith.addi %mul3A_4, %add3A_317 : i32
    %dma_start3A_319 = tpu.memref_slice %arg2[%add3A_318] : memref<819200xi32, #tpu.memory_space<hbm>> -> memref<200xi32, #tpu.memory_space<hbm>>
    %dma_start3A_320 = tpu.memref_slice %arg2[%add3A_318] : memref<819200xi32, #tpu.memory_space<hbm>> -> memref<200xi32, #tpu.memory_space<hbm>>
    tpu.enqueue_dma source(%dma_start3A_320 : memref<200xi32, #tpu.memory_space<hbm>>) target(%arg7 : memref<200xi32, #tpu.memory_space<vmem>>) target_semaphore(%arg24 : memref<!tpu.dma_semaphore, #tpu.memory_space<semaphore_mem>>)
    %dma_wait3A_321 = arith.constant 2 : i32
    %dma_wait3A_322 = arith.constant 0 : i32
    %dma_wait3A_323 = arith.constant 0 : i32
    %dma_wait3A_324 = tpu.memref_slice %arg12[%dma_wait3A_321, %dma_wait3A_322, %dma_wait3A_323] : memref<5x200x128xf32, #tpu.memory_space<vmem>> -> memref<1x128x128xf32, #tpu.memory_space<vmem>>
    %dma_wait3A_325 = tpu.memref_squeeze %dma_wait3A_324 : memref<1x128x128xf32, #tpu.memory_space<vmem>> -> memref<128x128xf32, #tpu.memory_space<vmem>>
    %dma_wait3A_326 = arith.constant 0 : i32
    %dma_wait3A_327 = tpu.memref_slice %arg9[%dma_wait3A_326] : memref<200xi32, #tpu.memory_space<vmem>> -> memref<128xi32, #tpu.memory_space<vmem>>
    %dma_wait3A_328 = arith.constant 0 : i32
    %dma_wait3A_329 = arith.constant 0 : i32
    %dma_wait3A_330 = tpu.memref_slice %arg3[%dma_wait3A_328, %dma_wait3A_329] : memref<100000x128xf32, #tpu.memory_space<hbm>> -> memref<100000x128xf32, #tpu.memory_space<hbm>>
    tpu.wait_indirect_dma semaphore(%arg13 : memref<!tpu.dma_semaphore, #tpu.memory_space<semaphore_mem>>) src(%dma_wait3A_330 : memref<100000x128xf32, #tpu.memory_space<hbm>>) dst(%dma_wait3A_325 : memref<128x128xf32, #tpu.memory_space<vmem>>)
    %dma_wait3A_331 = arith.constant 2 : i32
    %dma_wait3A_332 = arith.constant 128 : i32
    %dma_wait3A_333 = arith.constant 0 : i32
    %dma_wait3A_334 = tpu.memref_slice %arg12[%dma_wait3A_331, %dma_wait3A_332, %dma_wait3A_333] : memref<5x200x128xf32, #tpu.memory_space<vmem>> -> memref<1x72x128xf32, #tpu.memory_space<vmem>>
    %dma_wait3A_335 = tpu.memref_squeeze %dma_wait3A_334 : memref<1x72x128xf32, #tpu.memory_space<vmem>> -> memref<72x128xf32, #tpu.memory_space<vmem>>
    %dma_wait3A_336 = arith.constant 0 : i32
    %dma_wait3A_337 = tpu.memref_slice %arg9[%dma_wait3A_336] : memref<200xi32, #tpu.memory_space<vmem>> -> memref<72xi32, #tpu.memory_space<vmem>>
    %dma_wait3A_338 = arith.constant 0 : i32
    %dma_wait3A_339 = arith.constant 0 : i32
    %dma_wait3A_340 = tpu.memref_slice %arg3[%dma_wait3A_338, %dma_wait3A_339] : memref<100000x128xf32, #tpu.memory_space<hbm>> -> memref<100000x128xf32, #tpu.memory_space<hbm>>
    tpu.wait_indirect_dma semaphore(%arg13 : memref<!tpu.dma_semaphore, #tpu.memory_space<semaphore_mem>>) src(%dma_wait3A_340 : memref<100000x128xf32, #tpu.memory_space<hbm>>) dst(%dma_wait3A_335 : memref<72x128xf32, #tpu.memory_space<vmem>>)
    %add3A_341 = arith.constant 400 : i32
    %add3A_342 = arith.addi %mul3A_4, %add3A_341 : i32
    %dma_start3A_343 = arith.constant 2 : i32
    %dma_start3A_344 = arith.constant 0 : i32
    %dma_start3A_345 = arith.constant 0 : i32
    %dma_start3A_346 = tpu.memref_slice %arg12[%dma_start3A_343, %dma_start3A_344, %dma_start3A_345] : memref<5x200x128xf32, #tpu.memory_space<vmem>> -> memref<1x200x128xf32, #tpu.memory_space<vmem>>
    %dma_start3A_347 = tpu.memref_squeeze %dma_start3A_346 : memref<1x200x128xf32, #tpu.memory_space<vmem>> -> memref<200x128xf32, #tpu.memory_space<vmem>>
    %dma_start3A_348 = arith.constant 0 : i32
    %dma_start3A_349 = tpu.memref_slice %arg5[%add3A_342, %dma_start3A_348] : memref<819200x128xf32, #tpu.memory_space<hbm>> -> memref<200x128xf32, #tpu.memory_space<hbm>>
    %dma_start3A_350 = arith.constant 0 : i32
    %dma_start3A_351 = tpu.memref_slice %arg5[%add3A_342, %dma_start3A_350] : memref<819200x128xf32, #tpu.memory_space<hbm>> -> memref<200x128xf32, #tpu.memory_space<hbm>>
    %dma_start3A_352 = arith.constant 0 : i32
    %dma_start3A_353 = arith.constant 0 : i32
    %dma_start3A_354 = tpu.memref_slice %arg12[%dma_start3A_343, %dma_start3A_352, %dma_start3A_353] : memref<5x200x128xf32, #tpu.memory_space<vmem>> -> memref<1x200x128xf32, #tpu.memory_space<vmem>>
    %dma_start3A_355 = tpu.memref_squeeze %dma_start3A_354 : memref<1x200x128xf32, #tpu.memory_space<vmem>> -> memref<200x128xf32, #tpu.memory_space<vmem>>
    tpu.enqueue_dma source(%dma_start3A_355 : memref<200x128xf32, #tpu.memory_space<vmem>>) target(%dma_start3A_351 : memref<200x128xf32, #tpu.memory_space<hbm>>) target_semaphore(%arg16 : memref<!tpu.dma_semaphore, #tpu.memory_space<semaphore_mem>>)
    %dma_wait3A_356 = arith.constant 0 : i32
    %dma_wait3A_357 = arith.constant 0 : i32
    %dma_wait3A_358 = arith.constant 0 : i32
    %dma_wait3A_359 = tpu.memref_slice %arg12[%dma_wait3A_356, %dma_wait3A_357, %dma_wait3A_358] : memref<5x200x128xf32, #tpu.memory_space<vmem>> -> memref<1x200x128xf32, #tpu.memory_space<vmem>>
    %dma_wait3A_360 = tpu.memref_squeeze %dma_wait3A_359 : memref<1x200x128xf32, #tpu.memory_space<vmem>> -> memref<200x128xf32, #tpu.memory_space<vmem>>
    %dma_wait3A_361 = arith.constant 0 : i32
    %dma_wait3A_362 = arith.constant 0 : i32
    %dma_wait3A_363 = tpu.memref_slice %arg12[%dma_wait3A_356, %dma_wait3A_361, %dma_wait3A_362] : memref<5x200x128xf32, #tpu.memory_space<vmem>> -> memref<1x200x128xf32, #tpu.memory_space<vmem>>
    %dma_wait3A_364 = tpu.memref_squeeze %dma_wait3A_363 : memref<1x200x128xf32, #tpu.memory_space<vmem>> -> memref<200x128xf32, #tpu.memory_space<vmem>>
    tpu.wait_dma2 semaphore(%arg19 : memref<!tpu.dma_semaphore, #tpu.memory_space<semaphore_mem>>) src(%arg6 : memref<200x128xf32, #tpu.memory_space<vmem_shared>>) dst(%dma_wait3A_364 : memref<200x128xf32, #tpu.memory_space<vmem>>)
    %dma_wait3A_365 = tpu.memref_slice %arg2[%mul3A_4] : memref<819200xi32, #tpu.memory_space<hbm>> -> memref<200xi32, #tpu.memory_space<hbm>>
    %dma_wait3A_366 = tpu.memref_slice %arg2[%mul3A_4] : memref<819200xi32, #tpu.memory_space<hbm>> -> memref<200xi32, #tpu.memory_space<hbm>>
    tpu.wait_dma2 semaphore(%arg24 : memref<!tpu.dma_semaphore, #tpu.memory_space<semaphore_mem>>) src(%dma_wait3A_366 : memref<200xi32, #tpu.memory_space<hbm>>) dst(%arg7 : memref<200xi32, #tpu.memory_space<vmem>>)
    %dma_start3A_367 = arith.constant 0 : i32
    %dma_start3A_368 = arith.constant 0 : i32
    %dma_start3A_369 = arith.constant 0 : i32
    %dma_start3A_370 = tpu.memref_slice %arg12[%dma_start3A_367, %dma_start3A_368, %dma_start3A_369] : memref<5x200x128xf32, #tpu.memory_space<vmem>> -> memref<1x128x128xf32, #tpu.memory_space<vmem>>
    %dma_start3A_371 = tpu.memref_squeeze %dma_start3A_370 : memref<1x128x128xf32, #tpu.memory_space<vmem>> -> memref<128x128xf32, #tpu.memory_space<vmem>>
    %dma_start3A_372 = arith.constant 0 : i32
    %dma_start3A_373 = tpu.memref_slice %arg7[%dma_start3A_372] : memref<200xi32, #tpu.memory_space<vmem>> -> memref<128xi32, #tpu.memory_space<vmem>>
    %dma_start3A_374 = arith.constant 0 : i32
    %dma_start3A_375 = arith.constant 0 : i32
    %dma_start3A_376 = tpu.memref_slice %arg3[%dma_start3A_374, %dma_start3A_375] : memref<100000x128xf32, #tpu.memory_space<hbm>> -> memref<100000x128xf32, #tpu.memory_space<hbm>>
    tpu.enqueue_indirect_dma source(%dma_start3A_376 : memref<100000x128xf32, #tpu.memory_space<hbm>>) target(%dma_start3A_371 : memref<128x128xf32, #tpu.memory_space<vmem>>) offsets(%dma_start3A_373 : memref<128xi32, #tpu.memory_space<vmem>>) semaphore(%arg13 : memref<!tpu.dma_semaphore, #tpu.memory_space<semaphore_mem>>) {add = true}
    %dma_start3A_377 = arith.constant 0 : i32
    %dma_start3A_378 = arith.constant 128 : i32
    %dma_start3A_379 = arith.constant 0 : i32
    %dma_start3A_380 = tpu.memref_slice %arg12[%dma_start3A_377, %dma_start3A_378, %dma_start3A_379] : memref<5x200x128xf32, #tpu.memory_space<vmem>> -> memref<1x72x128xf32, #tpu.memory_space<vmem>>
    %dma_start3A_381 = tpu.memref_squeeze %dma_start3A_380 : memref<1x72x128xf32, #tpu.memory_space<vmem>> -> memref<72x128xf32, #tpu.memory_space<vmem>>
    %dma_start3A_382 = arith.constant 128 : i32
    %dma_start3A_383 = tpu.memref_slice %arg7[%dma_start3A_382] : memref<200xi32, #tpu.memory_space<vmem>> -> memref<72xi32, #tpu.memory_space<vmem>>
    %dma_start3A_384 = arith.constant 0 : i32
    %dma_start3A_385 = arith.constant 0 : i32
    %dma_start3A_386 = tpu.memref_slice %arg3[%dma_start3A_384, %dma_start3A_385] : memref<100000x128xf32, #tpu.memory_space<hbm>> -> memref<100000x128xf32, #tpu.memory_space<hbm>>
    tpu.enqueue_indirect_dma source(%dma_start3A_386 : memref<100000x128xf32, #tpu.memory_space<hbm>>) target(%dma_start3A_381 : memref<72x128xf32, #tpu.memory_space<vmem>>) offsets(%dma_start3A_383 : memref<72xi32, #tpu.memory_space<vmem>>) semaphore(%arg13 : memref<!tpu.dma_semaphore, #tpu.memory_space<semaphore_mem>>) {add = true}
    %dma_wait3A_387 = arith.constant 1 : i32
    %dma_wait3A_388 = arith.constant 0 : i32
    %dma_wait3A_389 = arith.constant 0 : i32
    %dma_wait3A_390 = tpu.memref_slice %arg12[%dma_wait3A_387, %dma_wait3A_388, %dma_wait3A_389] : memref<5x200x128xf32, #tpu.memory_space<vmem>> -> memref<1x200x128xf32, #tpu.memory_space<vmem>>
    %dma_wait3A_391 = tpu.memref_squeeze %dma_wait3A_390 : memref<1x200x128xf32, #tpu.memory_space<vmem>> -> memref<200x128xf32, #tpu.memory_space<vmem>>
    %dma_wait3A_392 = arith.constant 0 : i32
    %dma_wait3A_393 = tpu.memref_slice %arg5[%mul3A_4, %dma_wait3A_392] : memref<819200x128xf32, #tpu.memory_space<hbm>> -> memref<200x128xf32, #tpu.memory_space<hbm>>
    %dma_wait3A_394 = arith.constant 0 : i32
    %dma_wait3A_395 = tpu.memref_slice %arg5[%mul3A_4, %dma_wait3A_394] : memref<819200x128xf32, #tpu.memory_space<hbm>> -> memref<200x128xf32, #tpu.memory_space<hbm>>
    %dma_wait3A_396 = arith.constant 0 : i32
    %dma_wait3A_397 = arith.constant 0 : i32
    %dma_wait3A_398 = tpu.memref_slice %arg12[%dma_wait3A_387, %dma_wait3A_396, %dma_wait3A_397] : memref<5x200x128xf32, #tpu.memory_space<vmem>> -> memref<1x200x128xf32, #tpu.memory_space<vmem>>
    %dma_wait3A_399 = tpu.memref_squeeze %dma_wait3A_398 : memref<1x200x128xf32, #tpu.memory_space<vmem>> -> memref<200x128xf32, #tpu.memory_space<vmem>>
    tpu.wait_dma2 semaphore(%arg15 : memref<!tpu.dma_semaphore, #tpu.memory_space<semaphore_mem>>) src(%dma_wait3A_399 : memref<200x128xf32, #tpu.memory_space<vmem>>) dst(%dma_wait3A_395 : memref<200x128xf32, #tpu.memory_space<hbm>>)
    %dma_start3A_400 = arith.constant 1 : i32
    %dma_start3A_401 = arith.constant 0 : i32
    %dma_start3A_402 = arith.constant 0 : i32
    %dma_start3A_403 = tpu.memref_slice %arg12[%dma_start3A_400, %dma_start3A_401, %dma_start3A_402] : memref<5x200x128xf32, #tpu.memory_space<vmem>> -> memref<1x200x128xf32, #tpu.memory_space<vmem>>
    %dma_start3A_404 = tpu.memref_squeeze %dma_start3A_403 : memref<1x200x128xf32, #tpu.memory_space<vmem>> -> memref<200x128xf32, #tpu.memory_space<vmem>>
    %dma_start3A_405 = arith.constant 0 : i32
    %dma_start3A_406 = arith.constant 0 : i32
    %dma_start3A_407 = tpu.memref_slice %arg12[%dma_start3A_400, %dma_start3A_405, %dma_start3A_406] : memref<5x200x128xf32, #tpu.memory_space<vmem>> -> memref<1x200x128xf32, #tpu.memory_space<vmem>>
    %dma_start3A_408 = tpu.memref_squeeze %dma_start3A_407 : memref<1x200x128xf32, #tpu.memory_space<vmem>> -> memref<200x128xf32, #tpu.memory_space<vmem>>
    tpu.enqueue_dma source(%arg6 : memref<200x128xf32, #tpu.memory_space<vmem_shared>>) target(%dma_start3A_408 : memref<200x128xf32, #tpu.memory_space<vmem>>) target_semaphore(%arg20 : memref<!tpu.dma_semaphore, #tpu.memory_space<semaphore_mem>>)
    %add3A_409 = arith.constant 1200 : i32
    %add3A_410 = arith.addi %mul3A_4, %add3A_409 : i32
    %dma_start3A_411 = tpu.memref_slice %arg2[%add3A_410] : memref<819200xi32, #tpu.memory_space<hbm>> -> memref<200xi32, #tpu.memory_space<hbm>>
    %dma_start3A_412 = tpu.memref_slice %arg2[%add3A_410] : memref<819200xi32, #tpu.memory_space<hbm>> -> memref<200xi32, #tpu.memory_space<hbm>>
    tpu.enqueue_dma source(%dma_start3A_412 : memref<200xi32, #tpu.memory_space<hbm>>) target(%arg8 : memref<200xi32, #tpu.memory_space<vmem>>) target_semaphore(%arg25 : memref<!tpu.dma_semaphore, #tpu.memory_space<semaphore_mem>>)
    %dma_wait3A_413 = arith.constant 3 : i32
    %dma_wait3A_414 = arith.constant 0 : i32
    %dma_wait3A_415 = arith.constant 0 : i32
    %dma_wait3A_416 = tpu.memref_slice %arg12[%dma_wait3A_413, %dma_wait3A_414, %dma_wait3A_415] : memref<5x200x128xf32, #tpu.memory_space<vmem>> -> memref<1x128x128xf32, #tpu.memory_space<vmem>>
    %dma_wait3A_417 = tpu.memref_squeeze %dma_wait3A_416 : memref<1x128x128xf32, #tpu.memory_space<vmem>> -> memref<128x128xf32, #tpu.memory_space<vmem>>
    %dma_wait3A_418 = arith.constant 0 : i32
    %dma_wait3A_419 = tpu.memref_slice %arg10[%dma_wait3A_418] : memref<200xi32, #tpu.memory_space<vmem>> -> memref<128xi32, #tpu.memory_space<vmem>>
    %dma_wait3A_420 = arith.constant 0 : i32
    %dma_wait3A_421 = arith.constant 0 : i32
    %dma_wait3A_422 = tpu.memref_slice %arg3[%dma_wait3A_420, %dma_wait3A_421] : memref<100000x128xf32, #tpu.memory_space<hbm>> -> memref<100000x128xf32, #tpu.memory_space<hbm>>
    tpu.wait_indirect_dma semaphore(%arg13 : memref<!tpu.dma_semaphore, #tpu.memory_space<semaphore_mem>>) src(%dma_wait3A_422 : memref<100000x128xf32, #tpu.memory_space<hbm>>) dst(%dma_wait3A_417 : memref<128x128xf32, #tpu.memory_space<vmem>>)
    %dma_wait3A_423 = arith.constant 3 : i32
    %dma_wait3A_424 = arith.constant 128 : i32
    %dma_wait3A_425 = arith.constant 0 : i32
    %dma_wait3A_426 = tpu.memref_slice %arg12[%dma_wait3A_423, %dma_wait3A_424, %dma_wait3A_425] : memref<5x200x128xf32, #tpu.memory_space<vmem>> -> memref<1x72x128xf32, #tpu.memory_space<vmem>>
    %dma_wait3A_427 = tpu.memref_squeeze %dma_wait3A_426 : memref<1x72x128xf32, #tpu.memory_space<vmem>> -> memref<72x128xf32, #tpu.memory_space<vmem>>
    %dma_wait3A_428 = arith.constant 0 : i32
    %dma_wait3A_429 = tpu.memref_slice %arg10[%dma_wait3A_428] : memref<200xi32, #tpu.memory_space<vmem>> -> memref<72xi32, #tpu.memory_space<vmem>>
    %dma_wait3A_430 = arith.constant 0 : i32
    %dma_wait3A_431 = arith.constant 0 : i32
    %dma_wait3A_432 = tpu.memref_slice %arg3[%dma_wait3A_430, %dma_wait3A_431] : memref<100000x128xf32, #tpu.memory_space<hbm>> -> memref<100000x128xf32, #tpu.memory_space<hbm>>
    tpu.wait_indirect_dma semaphore(%arg13 : memref<!tpu.dma_semaphore, #tpu.memory_space<semaphore_mem>>) src(%dma_wait3A_432 : memref<100000x128xf32, #tpu.memory_space<hbm>>) dst(%dma_wait3A_427 : memref<72x128xf32, #tpu.memory_space<vmem>>)
    %add3A_433 = arith.constant 600 : i32
    %add3A_434 = arith.addi %mul3A_4, %add3A_433 : i32
    %dma_start3A_435 = arith.constant 3 : i32
    %dma_start3A_436 = arith.constant 0 : i32
    %dma_start3A_437 = arith.constant 0 : i32
    %dma_start3A_438 = tpu.memref_slice %arg12[%dma_start3A_435, %dma_start3A_436, %dma_start3A_437] : memref<5x200x128xf32, #tpu.memory_space<vmem>> -> memref<1x200x128xf32, #tpu.memory_space<vmem>>
    %dma_start3A_439 = tpu.memref_squeeze %dma_start3A_438 : memref<1x200x128xf32, #tpu.memory_space<vmem>> -> memref<200x128xf32, #tpu.memory_space<vmem>>
    %dma_start3A_440 = arith.constant 0 : i32
    %dma_start3A_441 = tpu.memref_slice %arg5[%add3A_434, %dma_start3A_440] : memref<819200x128xf32, #tpu.memory_space<hbm>> -> memref<200x128xf32, #tpu.memory_space<hbm>>
    %dma_start3A_442 = arith.constant 0 : i32
    %dma_start3A_443 = tpu.memref_slice %arg5[%add3A_434, %dma_start3A_442] : memref<819200x128xf32, #tpu.memory_space<hbm>> -> memref<200x128xf32, #tpu.memory_space<hbm>>
    %dma_start3A_444 = arith.constant 0 : i32
    %dma_start3A_445 = arith.constant 0 : i32
    %dma_start3A_446 = tpu.memref_slice %arg12[%dma_start3A_435, %dma_start3A_444, %dma_start3A_445] : memref<5x200x128xf32, #tpu.memory_space<vmem>> -> memref<1x200x128xf32, #tpu.memory_space<vmem>>
    %dma_start3A_447 = tpu.memref_squeeze %dma_start3A_446 : memref<1x200x128xf32, #tpu.memory_space<vmem>> -> memref<200x128xf32, #tpu.memory_space<vmem>>
    tpu.enqueue_dma source(%dma_start3A_447 : memref<200x128xf32, #tpu.memory_space<vmem>>) target(%dma_start3A_443 : memref<200x128xf32, #tpu.memory_space<hbm>>) target_semaphore(%arg17 : memref<!tpu.dma_semaphore, #tpu.memory_space<semaphore_mem>>)
    %dma_wait3A_448 = arith.constant 1 : i32
    %dma_wait3A_449 = arith.constant 0 : i32
    %dma_wait3A_450 = arith.constant 0 : i32
    %dma_wait3A_451 = tpu.memref_slice %arg12[%dma_wait3A_448, %dma_wait3A_449, %dma_wait3A_450] : memref<5x200x128xf32, #tpu.memory_space<vmem>> -> memref<1x200x128xf32, #tpu.memory_space<vmem>>
    %dma_wait3A_452 = tpu.memref_squeeze %dma_wait3A_451 : memref<1x200x128xf32, #tpu.memory_space<vmem>> -> memref<200x128xf32, #tpu.memory_space<vmem>>
    %dma_wait3A_453 = arith.constant 0 : i32
    %dma_wait3A_454 = arith.constant 0 : i32
    %dma_wait3A_455 = tpu.memref_slice %arg12[%dma_wait3A_448, %dma_wait3A_453, %dma_wait3A_454] : memref<5x200x128xf32, #tpu.memory_space<vmem>> -> memref<1x200x128xf32, #tpu.memory_space<vmem>>
    %dma_wait3A_456 = tpu.memref_squeeze %dma_wait3A_455 : memref<1x200x128xf32, #tpu.memory_space<vmem>> -> memref<200x128xf32, #tpu.memory_space<vmem>>
    tpu.wait_dma2 semaphore(%arg20 : memref<!tpu.dma_semaphore, #tpu.memory_space<semaphore_mem>>) src(%arg6 : memref<200x128xf32, #tpu.memory_space<vmem_shared>>) dst(%dma_wait3A_456 : memref<200x128xf32, #tpu.memory_space<vmem>>)
    %dma_wait3A_457 = tpu.memref_slice %arg2[%mul3A_4] : memref<819200xi32, #tpu.memory_space<hbm>> -> memref<200xi32, #tpu.memory_space<hbm>>
    %dma_wait3A_458 = tpu.memref_slice %arg2[%mul3A_4] : memref<819200xi32, #tpu.memory_space<hbm>> -> memref<200xi32, #tpu.memory_space<hbm>>
    tpu.wait_dma2 semaphore(%arg25 : memref<!tpu.dma_semaphore, #tpu.memory_space<semaphore_mem>>) src(%dma_wait3A_458 : memref<200xi32, #tpu.memory_space<hbm>>) dst(%arg8 : memref<200xi32, #tpu.memory_space<vmem>>)
    %dma_start3A_459 = arith.constant 1 : i32
    %dma_start3A_460 = arith.constant 0 : i32
    %dma_start3A_461 = arith.constant 0 : i32
    %dma_start3A_462 = tpu.memref_slice %arg12[%dma_start3A_459, %dma_start3A_460, %dma_start3A_461] : memref<5x200x128xf32, #tpu.memory_space<vmem>> -> memref<1x128x128xf32, #tpu.memory_space<vmem>>
    %dma_start3A_463 = tpu.memref_squeeze %dma_start3A_462 : memref<1x128x128xf32, #tpu.memory_space<vmem>> -> memref<128x128xf32, #tpu.memory_space<vmem>>
    %dma_start3A_464 = arith.constant 0 : i32
    %dma_start3A_465 = tpu.memref_slice %arg8[%dma_start3A_464] : memref<200xi32, #tpu.memory_space<vmem>> -> memref<128xi32, #tpu.memory_space<vmem>>
    %dma_start3A_466 = arith.constant 0 : i32
    %dma_start3A_467 = arith.constant 0 : i32
    %dma_start3A_468 = tpu.memref_slice %arg3[%dma_start3A_466, %dma_start3A_467] : memref<100000x128xf32, #tpu.memory_space<hbm>> -> memref<100000x128xf32, #tpu.memory_space<hbm>>
    tpu.enqueue_indirect_dma source(%dma_start3A_468 : memref<100000x128xf32, #tpu.memory_space<hbm>>) target(%dma_start3A_463 : memref<128x128xf32, #tpu.memory_space<vmem>>) offsets(%dma_start3A_465 : memref<128xi32, #tpu.memory_space<vmem>>) semaphore(%arg13 : memref<!tpu.dma_semaphore, #tpu.memory_space<semaphore_mem>>) {add = true}
    %dma_start3A_469 = arith.constant 1 : i32
    %dma_start3A_470 = arith.constant 128 : i32
    %dma_start3A_471 = arith.constant 0 : i32
    %dma_start3A_472 = tpu.memref_slice %arg12[%dma_start3A_469, %dma_start3A_470, %dma_start3A_471] : memref<5x200x128xf32, #tpu.memory_space<vmem>> -> memref<1x72x128xf32, #tpu.memory_space<vmem>>
    %dma_start3A_473 = tpu.memref_squeeze %dma_start3A_472 : memref<1x72x128xf32, #tpu.memory_space<vmem>> -> memref<72x128xf32, #tpu.memory_space<vmem>>
    %dma_start3A_474 = arith.constant 128 : i32
    %dma_start3A_475 = tpu.memref_slice %arg8[%dma_start3A_474] : memref<200xi32, #tpu.memory_space<vmem>> -> memref<72xi32, #tpu.memory_space<vmem>>
    %dma_start3A_476 = arith.constant 0 : i32
    %dma_start3A_477 = arith.constant 0 : i32
    %dma_start3A_478 = tpu.memref_slice %arg3[%dma_start3A_476, %dma_start3A_477] : memref<100000x128xf32, #tpu.memory_space<hbm>> -> memref<100000x128xf32, #tpu.memory_space<hbm>>
    tpu.enqueue_indirect_dma source(%dma_start3A_478 : memref<100000x128xf32, #tpu.memory_space<hbm>>) target(%dma_start3A_473 : memref<72x128xf32, #tpu.memory_space<vmem>>) offsets(%dma_start3A_475 : memref<72xi32, #tpu.memory_space<vmem>>) semaphore(%arg13 : memref<!tpu.dma_semaphore, #tpu.memory_space<semaphore_mem>>) {add = true}
    %dma_wait3A_479 = arith.constant 2 : i32
    %dma_wait3A_480 = arith.constant 0 : i32
    %dma_wait3A_481 = arith.constant 0 : i32
    %dma_wait3A_482 = tpu.memref_slice %arg12[%dma_wait3A_479, %dma_wait3A_480, %dma_wait3A_481] : memref<5x200x128xf32, #tpu.memory_space<vmem>> -> memref<1x200x128xf32, #tpu.memory_space<vmem>>
    %dma_wait3A_483 = tpu.memref_squeeze %dma_wait3A_482 : memref<1x200x128xf32, #tpu.memory_space<vmem>> -> memref<200x128xf32, #tpu.memory_space<vmem>>
    %dma_wait3A_484 = arith.constant 0 : i32
    %dma_wait3A_485 = tpu.memref_slice %arg5[%mul3A_4, %dma_wait3A_484] : memref<819200x128xf32, #tpu.memory_space<hbm>> -> memref<200x128xf32, #tpu.memory_space<hbm>>
    %dma_wait3A_486 = arith.constant 0 : i32
    %dma_wait3A_487 = tpu.memref_slice %arg5[%mul3A_4, %dma_wait3A_486] : memref<819200x128xf32, #tpu.memory_space<hbm>> -> memref<200x128xf32, #tpu.memory_space<hbm>>
    %dma_wait3A_488 = arith.constant 0 : i32
    %dma_wait3A_489 = arith.constant 0 : i32
    %dma_wait3A_490 = tpu.memref_slice %arg12[%dma_wait3A_479, %dma_wait3A_488, %dma_wait3A_489] : memref<5x200x128xf32, #tpu.memory_space<vmem>> -> memref<1x200x128xf32, #tpu.memory_space<vmem>>
    %dma_wait3A_491 = tpu.memref_squeeze %dma_wait3A_490 : memref<1x200x128xf32, #tpu.memory_space<vmem>> -> memref<200x128xf32, #tpu.memory_space<vmem>>
    tpu.wait_dma2 semaphore(%arg16 : memref<!tpu.dma_semaphore, #tpu.memory_space<semaphore_mem>>) src(%dma_wait3A_491 : memref<200x128xf32, #tpu.memory_space<vmem>>) dst(%dma_wait3A_487 : memref<200x128xf32, #tpu.memory_space<hbm>>)
    %dma_start3A_492 = arith.constant 2 : i32
    %dma_start3A_493 = arith.constant 0 : i32
    %dma_start3A_494 = arith.constant 0 : i32
    %dma_start3A_495 = tpu.memref_slice %arg12[%dma_start3A_492, %dma_start3A_493, %dma_start3A_494] : memref<5x200x128xf32, #tpu.memory_space<vmem>> -> memref<1x200x128xf32, #tpu.memory_space<vmem>>
    %dma_start3A_496 = tpu.memref_squeeze %dma_start3A_495 : memref<1x200x128xf32, #tpu.memory_space<vmem>> -> memref<200x128xf32, #tpu.memory_space<vmem>>
    %dma_start3A_497 = arith.constant 0 : i32
    %dma_start3A_498 = arith.constant 0 : i32
    %dma_start3A_499 = tpu.memref_slice %arg12[%dma_start3A_492, %dma_start3A_497, %dma_start3A_498] : memref<5x200x128xf32, #tpu.memory_space<vmem>> -> memref<1x200x128xf32, #tpu.memory_space<vmem>>
    %dma_start3A_500 = tpu.memref_squeeze %dma_start3A_499 : memref<1x200x128xf32, #tpu.memory_space<vmem>> -> memref<200x128xf32, #tpu.memory_space<vmem>>
    tpu.enqueue_dma source(%arg6 : memref<200x128xf32, #tpu.memory_space<vmem_shared>>) target(%dma_start3A_500 : memref<200x128xf32, #tpu.memory_space<vmem>>) target_semaphore(%arg21 : memref<!tpu.dma_semaphore, #tpu.memory_space<semaphore_mem>>)
    %add3A_501 = arith.constant 1400 : i32
    %add3A_502 = arith.addi %mul3A_4, %add3A_501 : i32
    %dma_start3A_503 = tpu.memref_slice %arg2[%add3A_502] : memref<819200xi32, #tpu.memory_space<hbm>> -> memref<200xi32, #tpu.memory_space<hbm>>
    %dma_start3A_504 = tpu.memref_slice %arg2[%add3A_502] : memref<819200xi32, #tpu.memory_space<hbm>> -> memref<200xi32, #tpu.memory_space<hbm>>
    tpu.enqueue_dma source(%dma_start3A_504 : memref<200xi32, #tpu.memory_space<hbm>>) target(%arg9 : memref<200xi32, #tpu.memory_space<vmem>>) target_semaphore(%arg26 : memref<!tpu.dma_semaphore, #tpu.memory_space<semaphore_mem>>)
    %dma_wait3A_505 = arith.constant 4 : i32
    %dma_wait3A_506 = arith.constant 0 : i32
    %dma_wait3A_507 = arith.constant 0 : i32
    %dma_wait3A_508 = tpu.memref_slice %arg12[%dma_wait3A_505, %dma_wait3A_506, %dma_wait3A_507] : memref<5x200x128xf32, #tpu.memory_space<vmem>> -> memref<1x128x128xf32, #tpu.memory_space<vmem>>
    %dma_wait3A_509 = tpu.memref_squeeze %dma_wait3A_508 : memref<1x128x128xf32, #tpu.memory_space<vmem>> -> memref<128x128xf32, #tpu.memory_space<vmem>>
    %dma_wait3A_510 = arith.constant 0 : i32
    %dma_wait3A_511 = tpu.memref_slice %arg11[%dma_wait3A_510] : memref<200xi32, #tpu.memory_space<vmem>> -> memref<128xi32, #tpu.memory_space<vmem>>
    %dma_wait3A_512 = arith.constant 0 : i32
    %dma_wait3A_513 = arith.constant 0 : i32
    %dma_wait3A_514 = tpu.memref_slice %arg3[%dma_wait3A_512, %dma_wait3A_513] : memref<100000x128xf32, #tpu.memory_space<hbm>> -> memref<100000x128xf32, #tpu.memory_space<hbm>>
    tpu.wait_indirect_dma semaphore(%arg13 : memref<!tpu.dma_semaphore, #tpu.memory_space<semaphore_mem>>) src(%dma_wait3A_514 : memref<100000x128xf32, #tpu.memory_space<hbm>>) dst(%dma_wait3A_509 : memref<128x128xf32, #tpu.memory_space<vmem>>)
    %dma_wait3A_515 = arith.constant 4 : i32
    %dma_wait3A_516 = arith.constant 128 : i32
    %dma_wait3A_517 = arith.constant 0 : i32
    %dma_wait3A_518 = tpu.memref_slice %arg12[%dma_wait3A_515, %dma_wait3A_516, %dma_wait3A_517] : memref<5x200x128xf32, #tpu.memory_space<vmem>> -> memref<1x72x128xf32, #tpu.memory_space<vmem>>
    %dma_wait3A_519 = tpu.memref_squeeze %dma_wait3A_518 : memref<1x72x128xf32, #tpu.memory_space<vmem>> -> memref<72x128xf32, #tpu.memory_space<vmem>>
    %dma_wait3A_520 = arith.constant 0 : i32
    %dma_wait3A_521 = tpu.memref_slice %arg11[%dma_wait3A_520] : memref<200xi32, #tpu.memory_space<vmem>> -> memref<72xi32, #tpu.memory_space<vmem>>
    %dma_wait3A_522 = arith.constant 0 : i32
    %dma_wait3A_523 = arith.constant 0 : i32
    %dma_wait3A_524 = tpu.memref_slice %arg3[%dma_wait3A_522, %dma_wait3A_523] : memref<100000x128xf32, #tpu.memory_space<hbm>> -> memref<100000x128xf32, #tpu.memory_space<hbm>>
    tpu.wait_indirect_dma semaphore(%arg13 : memref<!tpu.dma_semaphore, #tpu.memory_space<semaphore_mem>>) src(%dma_wait3A_524 : memref<100000x128xf32, #tpu.memory_space<hbm>>) dst(%dma_wait3A_519 : memref<72x128xf32, #tpu.memory_space<vmem>>)
    %add3A_525 = arith.constant 800 : i32
    %add3A_526 = arith.addi %mul3A_4, %add3A_525 : i32
    %dma_start3A_527 = arith.constant 4 : i32
    %dma_start3A_528 = arith.constant 0 : i32
    %dma_start3A_529 = arith.constant 0 : i32
    %dma_start3A_530 = tpu.memref_slice %arg12[%dma_start3A_527, %dma_start3A_528, %dma_start3A_529] : memref<5x200x128xf32, #tpu.memory_space<vmem>> -> memref<1x200x128xf32, #tpu.memory_space<vmem>>
    %dma_start3A_531 = tpu.memref_squeeze %dma_start3A_530 : memref<1x200x128xf32, #tpu.memory_space<vmem>> -> memref<200x128xf32, #tpu.memory_space<vmem>>
    %dma_start3A_532 = arith.constant 0 : i32
    %dma_start3A_533 = tpu.memref_slice %arg5[%add3A_526, %dma_start3A_532] : memref<819200x128xf32, #tpu.memory_space<hbm>> -> memref<200x128xf32, #tpu.memory_space<hbm>>
    %dma_start3A_534 = arith.constant 0 : i32
    %dma_start3A_535 = tpu.memref_slice %arg5[%add3A_526, %dma_start3A_534] : memref<819200x128xf32, #tpu.memory_space<hbm>> -> memref<200x128xf32, #tpu.memory_space<hbm>>
    %dma_start3A_536 = arith.constant 0 : i32
    %dma_start3A_537 = arith.constant 0 : i32
    %dma_start3A_538 = tpu.memref_slice %arg12[%dma_start3A_527, %dma_start3A_536, %dma_start3A_537] : memref<5x200x128xf32, #tpu.memory_space<vmem>> -> memref<1x200x128xf32, #tpu.memory_space<vmem>>
    %dma_start3A_539 = tpu.memref_squeeze %dma_start3A_538 : memref<1x200x128xf32, #tpu.memory_space<vmem>> -> memref<200x128xf32, #tpu.memory_space<vmem>>
    tpu.enqueue_dma source(%dma_start3A_539 : memref<200x128xf32, #tpu.memory_space<vmem>>) target(%dma_start3A_535 : memref<200x128xf32, #tpu.memory_space<hbm>>) target_semaphore(%arg18 : memref<!tpu.dma_semaphore, #tpu.memory_space<semaphore_mem>>)
    %dma_wait3A_540 = arith.constant 2 : i32
    %dma_wait3A_541 = arith.constant 0 : i32
    %dma_wait3A_542 = arith.constant 0 : i32
    %dma_wait3A_543 = tpu.memref_slice %arg12[%dma_wait3A_540, %dma_wait3A_541, %dma_wait3A_542] : memref<5x200x128xf32, #tpu.memory_space<vmem>> -> memref<1x200x128xf32, #tpu.memory_space<vmem>>
    %dma_wait3A_544 = tpu.memref_squeeze %dma_wait3A_543 : memref<1x200x128xf32, #tpu.memory_space<vmem>> -> memref<200x128xf32, #tpu.memory_space<vmem>>
    %dma_wait3A_545 = arith.constant 0 : i32
    %dma_wait3A_546 = arith.constant 0 : i32
    %dma_wait3A_547 = tpu.memref_slice %arg12[%dma_wait3A_540, %dma_wait3A_545, %dma_wait3A_546] : memref<5x200x128xf32, #tpu.memory_space<vmem>> -> memref<1x200x128xf32, #tpu.memory_space<vmem>>
    %dma_wait3A_548 = tpu.memref_squeeze %dma_wait3A_547 : memref<1x200x128xf32, #tpu.memory_space<vmem>> -> memref<200x128xf32, #tpu.memory_space<vmem>>
    tpu.wait_dma2 semaphore(%arg21 : memref<!tpu.dma_semaphore, #tpu.memory_space<semaphore_mem>>) src(%arg6 : memref<200x128xf32, #tpu.memory_space<vmem_shared>>) dst(%dma_wait3A_548 : memref<200x128xf32, #tpu.memory_space<vmem>>)
    %dma_wait3A_549 = tpu.memref_slice %arg2[%mul3A_4] : memref<819200xi32, #tpu.memory_space<hbm>> -> memref<200xi32, #tpu.memory_space<hbm>>
    %dma_wait3A_550 = tpu.memref_slice %arg2[%mul3A_4] : memref<819200xi32, #tpu.memory_space<hbm>> -> memref<200xi32, #tpu.memory_space<hbm>>
    tpu.wait_dma2 semaphore(%arg26 : memref<!tpu.dma_semaphore, #tpu.memory_space<semaphore_mem>>) src(%dma_wait3A_550 : memref<200xi32, #tpu.memory_space<hbm>>) dst(%arg9 : memref<200xi32, #tpu.memory_space<vmem>>)
    %dma_start3A_551 = arith.constant 2 : i32
    %dma_start3A_552 = arith.constant 0 : i32
    %dma_start3A_553 = arith.constant 0 : i32
    %dma_start3A_554 = tpu.memref_slice %arg12[%dma_start3A_551, %dma_start3A_552, %dma_start3A_553] : memref<5x200x128xf32, #tpu.memory_space<vmem>> -> memref<1x128x128xf32, #tpu.memory_space<vmem>>
    %dma_start3A_555 = tpu.memref_squeeze %dma_start3A_554 : memref<1x128x128xf32, #tpu.memory_space<vmem>> -> memref<128x128xf32, #tpu.memory_space<vmem>>
    %dma_start3A_556 = arith.constant 0 : i32
    %dma_start3A_557 = tpu.memref_slice %arg9[%dma_start3A_556] : memref<200xi32, #tpu.memory_space<vmem>> -> memref<128xi32, #tpu.memory_space<vmem>>
    %dma_start3A_558 = arith.constant 0 : i32
    %dma_start3A_559 = arith.constant 0 : i32
    %dma_start3A_560 = tpu.memref_slice %arg3[%dma_start3A_558, %dma_start3A_559] : memref<100000x128xf32, #tpu.memory_space<hbm>> -> memref<100000x128xf32, #tpu.memory_space<hbm>>
    tpu.enqueue_indirect_dma source(%dma_start3A_560 : memref<100000x128xf32, #tpu.memory_space<hbm>>) target(%dma_start3A_555 : memref<128x128xf32, #tpu.memory_space<vmem>>) offsets(%dma_start3A_557 : memref<128xi32, #tpu.memory_space<vmem>>) semaphore(%arg13 : memref<!tpu.dma_semaphore, #tpu.memory_space<semaphore_mem>>) {add = true}
    %dma_start3A_561 = arith.constant 2 : i32
    %dma_start3A_562 = arith.constant 128 : i32
    %dma_start3A_563 = arith.constant 0 : i32
    %dma_start3A_564 = tpu.memref_slice %arg12[%dma_start3A_561, %dma_start3A_562, %dma_start3A_563] : memref<5x200x128xf32, #tpu.memory_space<vmem>> -> memref<1x72x128xf32, #tpu.memory_space<vmem>>
    %dma_start3A_565 = tpu.memref_squeeze %dma_start3A_564 : memref<1x72x128xf32, #tpu.memory_space<vmem>> -> memref<72x128xf32, #tpu.memory_space<vmem>>
    %dma_start3A_566 = arith.constant 128 : i32
    %dma_start3A_567 = tpu.memref_slice %arg9[%dma_start3A_566] : memref<200xi32, #tpu.memory_space<vmem>> -> memref<72xi32, #tpu.memory_space<vmem>>
    %dma_start3A_568 = arith.constant 0 : i32
    %dma_start3A_569 = arith.constant 0 : i32
    %dma_start3A_570 = tpu.memref_slice %arg3[%dma_start3A_568, %dma_start3A_569] : memref<100000x128xf32, #tpu.memory_space<hbm>> -> memref<100000x128xf32, #tpu.memory_space<hbm>>
    tpu.enqueue_indirect_dma source(%dma_start3A_570 : memref<100000x128xf32, #tpu.memory_space<hbm>>) target(%dma_start3A_565 : memref<72x128xf32, #tpu.memory_space<vmem>>) offsets(%dma_start3A_567 : memref<72xi32, #tpu.memory_space<vmem>>) semaphore(%arg13 : memref<!tpu.dma_semaphore, #tpu.memory_space<semaphore_mem>>) {add = true}
    %dma_wait3A_571 = arith.constant 3 : i32
    %dma_wait3A_572 = arith.constant 0 : i32
    %dma_wait3A_573 = arith.constant 0 : i32
    %dma_wait3A_574 = tpu.memref_slice %arg12[%dma_wait3A_571, %dma_wait3A_572, %dma_wait3A_573] : memref<5x200x128xf32, #tpu.memory_space<vmem>> -> memref<1x200x128xf32, #tpu.memory_space<vmem>>
    %dma_wait3A_575 = tpu.memref_squeeze %dma_wait3A_574 : memref<1x200x128xf32, #tpu.memory_space<vmem>> -> memref<200x128xf32, #tpu.memory_space<vmem>>
    %dma_wait3A_576 = arith.constant 0 : i32
    %dma_wait3A_577 = tpu.memref_slice %arg5[%mul3A_4, %dma_wait3A_576] : memref<819200x128xf32, #tpu.memory_space<hbm>> -> memref<200x128xf32, #tpu.memory_space<hbm>>
    %dma_wait3A_578 = arith.constant 0 : i32
    %dma_wait3A_579 = tpu.memref_slice %arg5[%mul3A_4, %dma_wait3A_578] : memref<819200x128xf32, #tpu.memory_space<hbm>> -> memref<200x128xf32, #tpu.memory_space<hbm>>
    %dma_wait3A_580 = arith.constant 0 : i32
    %dma_wait3A_581 = arith.constant 0 : i32
    %dma_wait3A_582 = tpu.memref_slice %arg12[%dma_wait3A_571, %dma_wait3A_580, %dma_wait3A_581] : memref<5x200x128xf32, #tpu.memory_space<vmem>> -> memref<1x200x128xf32, #tpu.memory_space<vmem>>
    %dma_wait3A_583 = tpu.memref_squeeze %dma_wait3A_582 : memref<1x200x128xf32, #tpu.memory_space<vmem>> -> memref<200x128xf32, #tpu.memory_space<vmem>>
    tpu.wait_dma2 semaphore(%arg17 : memref<!tpu.dma_semaphore, #tpu.memory_space<semaphore_mem>>) src(%dma_wait3A_583 : memref<200x128xf32, #tpu.memory_space<vmem>>) dst(%dma_wait3A_579 : memref<200x128xf32, #tpu.memory_space<hbm>>)
    %dma_start3A_584 = arith.constant 3 : i32
    %dma_start3A_585 = arith.constant 0 : i32
    %dma_start3A_586 = arith.constant 0 : i32
    %dma_start3A_587 = tpu.memref_slice %arg12[%dma_start3A_584, %dma_start3A_585, %dma_start3A_586] : memref<5x200x128xf32, #tpu.memory_space<vmem>> -> memref<1x200x128xf32, #tpu.memory_space<vmem>>
    %dma_start3A_588 = tpu.memref_squeeze %dma_start3A_587 : memref<1x200x128xf32, #tpu.memory_space<vmem>> -> memref<200x128xf32, #tpu.memory_space<vmem>>
    %dma_start3A_589 = arith.constant 0 : i32
    %dma_start3A_590 = arith.constant 0 : i32
    %dma_start3A_591 = tpu.memref_slice %arg12[%dma_start3A_584, %dma_start3A_589, %dma_start3A_590] : memref<5x200x128xf32, #tpu.memory_space<vmem>> -> memref<1x200x128xf32, #tpu.memory_space<vmem>>
    %dma_start3A_592 = tpu.memref_squeeze %dma_start3A_591 : memref<1x200x128xf32, #tpu.memory_space<vmem>> -> memref<200x128xf32, #tpu.memory_space<vmem>>
    tpu.enqueue_dma source(%arg6 : memref<200x128xf32, #tpu.memory_space<vmem_shared>>) target(%dma_start3A_592 : memref<200x128xf32, #tpu.memory_space<vmem>>) target_semaphore(%arg22 : memref<!tpu.dma_semaphore, #tpu.memory_space<semaphore_mem>>)
    %add3A_593 = arith.constant 1600 : i32
    %add3A_594 = arith.addi %mul3A_4, %add3A_593 : i32
    %dma_start3A_595 = tpu.memref_slice %arg2[%add3A_594] : memref<819200xi32, #tpu.memory_space<hbm>> -> memref<200xi32, #tpu.memory_space<hbm>>
    %dma_start3A_596 = tpu.memref_slice %arg2[%add3A_594] : memref<819200xi32, #tpu.memory_space<hbm>> -> memref<200xi32, #tpu.memory_space<hbm>>
    tpu.enqueue_dma source(%dma_start3A_596 : memref<200xi32, #tpu.memory_space<hbm>>) target(%arg10 : memref<200xi32, #tpu.memory_space<vmem>>) target_semaphore(%arg27 : memref<!tpu.dma_semaphore, #tpu.memory_space<semaphore_mem>>)
    %scan3A = arith.constant 0 : i32
    %scan3A_597 = arith.constant 23 : i32
    %scan3A_598 = arith.addi %scan3A, %scan3A_597 : i32
    %scan3A_599 = arith.constant 1 : i32
    scf.for %scan3A_1205 = %scan3A to %scan3A_598 step %scan3A_599  : i32 {
      %mul3A_1206 = arith.constant 5 : i32
      %mul3A_1207 = arith.muli %scan3A_1205, %mul3A_1206 : i32
      %add3A_1208 = arith.constant 5 : i32
      %add3A_1209 = arith.addi %add3A_1208, %mul3A_1207 : i32
      %add3A_1210 = arith.constant 0 : i32
      %add3A_1211 = arith.addi %add3A_1209, %add3A_1210 : i32
      %dma_wait3A_1212 = arith.constant 0 : i32
      %dma_wait3A_1213 = arith.constant 0 : i32
      %dma_wait3A_1214 = arith.constant 0 : i32
      %dma_wait3A_1215 = tpu.memref_slice %arg12[%dma_wait3A_1212, %dma_wait3A_1213, %dma_wait3A_1214] : memref<5x200x128xf32, #tpu.memory_space<vmem>> -> memref<1x128x128xf32, #tpu.memory_space<vmem>>
      %dma_wait3A_1216 = tpu.memref_squeeze %dma_wait3A_1215 : memref<1x128x128xf32, #tpu.memory_space<vmem>> -> memref<128x128xf32, #tpu.memory_space<vmem>>
      %dma_wait3A_1217 = arith.constant 0 : i32
      %dma_wait3A_1218 = tpu.memref_slice %arg7[%dma_wait3A_1217] : memref<200xi32, #tpu.memory_space<vmem>> -> memref<128xi32, #tpu.memory_space<vmem>>
      %dma_wait3A_1219 = arith.constant 0 : i32
      %dma_wait3A_1220 = arith.constant 0 : i32
      %dma_wait3A_1221 = tpu.memref_slice %arg3[%dma_wait3A_1219, %dma_wait3A_1220] : memref<100000x128xf32, #tpu.memory_space<hbm>> -> memref<100000x128xf32, #tpu.memory_space<hbm>>
      tpu.wait_indirect_dma semaphore(%arg13 : memref<!tpu.dma_semaphore, #tpu.memory_space<semaphore_mem>>) src(%dma_wait3A_1221 : memref<100000x128xf32, #tpu.memory_space<hbm>>) dst(%dma_wait3A_1216 : memref<128x128xf32, #tpu.memory_space<vmem>>)
      %dma_wait3A_1222 = arith.constant 0 : i32
      %dma_wait3A_1223 = arith.constant 128 : i32
      %dma_wait3A_1224 = arith.constant 0 : i32
      %dma_wait3A_1225 = tpu.memref_slice %arg12[%dma_wait3A_1222, %dma_wait3A_1223, %dma_wait3A_1224] : memref<5x200x128xf32, #tpu.memory_space<vmem>> -> memref<1x72x128xf32, #tpu.memory_space<vmem>>
      %dma_wait3A_1226 = tpu.memref_squeeze %dma_wait3A_1225 : memref<1x72x128xf32, #tpu.memory_space<vmem>> -> memref<72x128xf32, #tpu.memory_space<vmem>>
      %dma_wait3A_1227 = arith.constant 0 : i32
      %dma_wait3A_1228 = tpu.memref_slice %arg7[%dma_wait3A_1227] : memref<200xi32, #tpu.memory_space<vmem>> -> memref<72xi32, #tpu.memory_space<vmem>>
      %dma_wait3A_1229 = arith.constant 0 : i32
      %dma_wait3A_1230 = arith.constant 0 : i32
      %dma_wait3A_1231 = tpu.memref_slice %arg3[%dma_wait3A_1229, %dma_wait3A_1230] : memref<100000x128xf32, #tpu.memory_space<hbm>> -> memref<100000x128xf32, #tpu.memory_space<hbm>>
      tpu.wait_indirect_dma semaphore(%arg13 : memref<!tpu.dma_semaphore, #tpu.memory_space<semaphore_mem>>) src(%dma_wait3A_1231 : memref<100000x128xf32, #tpu.memory_space<hbm>>) dst(%dma_wait3A_1226 : memref<72x128xf32, #tpu.memory_space<vmem>>)
      %mul3A_1232 = arith.constant 200 : i32
      %mul3A_1233 = arith.muli %add3A_1211, %mul3A_1232 : i32
      %add3A_1234 = arith.addi %mul3A_4, %mul3A_1233 : i32
      %dma_start3A_1235 = arith.constant 0 : i32
      %dma_start3A_1236 = arith.constant 0 : i32
      %dma_start3A_1237 = arith.constant 0 : i32
      %dma_start3A_1238 = tpu.memref_slice %arg12[%dma_start3A_1235, %dma_start3A_1236, %dma_start3A_1237] : memref<5x200x128xf32, #tpu.memory_space<vmem>> -> memref<1x200x128xf32, #tpu.memory_space<vmem>>
      %dma_start3A_1239 = tpu.memref_squeeze %dma_start3A_1238 : memref<1x200x128xf32, #tpu.memory_space<vmem>> -> memref<200x128xf32, #tpu.memory_space<vmem>>
      %dma_start3A_1240 = arith.constant 0 : i32
      %dma_start3A_1241 = tpu.memref_slice %arg5[%add3A_1234, %dma_start3A_1240] : memref<819200x128xf32, #tpu.memory_space<hbm>> -> memref<200x128xf32, #tpu.memory_space<hbm>>
      %dma_start3A_1242 = arith.constant 0 : i32
      %dma_start3A_1243 = tpu.memref_slice %arg5[%add3A_1234, %dma_start3A_1242] : memref<819200x128xf32, #tpu.memory_space<hbm>> -> memref<200x128xf32, #tpu.memory_space<hbm>>
      %dma_start3A_1244 = arith.constant 0 : i32
      %dma_start3A_1245 = arith.constant 0 : i32
      %dma_start3A_1246 = tpu.memref_slice %arg12[%dma_start3A_1235, %dma_start3A_1244, %dma_start3A_1245] : memref<5x200x128xf32, #tpu.memory_space<vmem>> -> memref<1x200x128xf32, #tpu.memory_space<vmem>>
      %dma_start3A_1247 = tpu.memref_squeeze %dma_start3A_1246 : memref<1x200x128xf32, #tpu.memory_space<vmem>> -> memref<200x128xf32, #tpu.memory_space<vmem>>
      tpu.enqueue_dma source(%dma_start3A_1247 : memref<200x128xf32, #tpu.memory_space<vmem>>) target(%dma_start3A_1243 : memref<200x128xf32, #tpu.memory_space<hbm>>) target_semaphore(%arg14 : memref<!tpu.dma_semaphore, #tpu.memory_space<semaphore_mem>>)
      %dma_wait3A_1248 = arith.constant 3 : i32
      %dma_wait3A_1249 = arith.constant 0 : i32
      %dma_wait3A_1250 = arith.constant 0 : i32
      %dma_wait3A_1251 = tpu.memref_slice %arg12[%dma_wait3A_1248, %dma_wait3A_1249, %dma_wait3A_1250] : memref<5x200x128xf32, #tpu.memory_space<vmem>> -> memref<1x200x128xf32, #tpu.memory_space<vmem>>
      %dma_wait3A_1252 = tpu.memref_squeeze %dma_wait3A_1251 : memref<1x200x128xf32, #tpu.memory_space<vmem>> -> memref<200x128xf32, #tpu.memory_space<vmem>>
      %dma_wait3A_1253 = arith.constant 0 : i32
      %dma_wait3A_1254 = arith.constant 0 : i32
      %dma_wait3A_1255 = tpu.memref_slice %arg12[%dma_wait3A_1248, %dma_wait3A_1253, %dma_wait3A_1254] : memref<5x200x128xf32, #tpu.memory_space<vmem>> -> memref<1x200x128xf32, #tpu.memory_space<vmem>>
      %dma_wait3A_1256 = tpu.memref_squeeze %dma_wait3A_1255 : memref<1x200x128xf32, #tpu.memory_space<vmem>> -> memref<200x128xf32, #tpu.memory_space<vmem>>
      tpu.wait_dma2 semaphore(%arg22 : memref<!tpu.dma_semaphore, #tpu.memory_space<semaphore_mem>>) src(%arg6 : memref<200x128xf32, #tpu.memory_space<vmem_shared>>) dst(%dma_wait3A_1256 : memref<200x128xf32, #tpu.memory_space<vmem>>)
      %dma_wait3A_1257 = tpu.memref_slice %arg2[%mul3A_4] : memref<819200xi32, #tpu.memory_space<hbm>> -> memref<200xi32, #tpu.memory_space<hbm>>
      %dma_wait3A_1258 = tpu.memref_slice %arg2[%mul3A_4] : memref<819200xi32, #tpu.memory_space<hbm>> -> memref<200xi32, #tpu.memory_space<hbm>>
      tpu.wait_dma2 semaphore(%arg27 : memref<!tpu.dma_semaphore, #tpu.memory_space<semaphore_mem>>) src(%dma_wait3A_1258 : memref<200xi32, #tpu.memory_space<hbm>>) dst(%arg10 : memref<200xi32, #tpu.memory_space<vmem>>)
      %dma_start3A_1259 = arith.constant 3 : i32
      %dma_start3A_1260 = arith.constant 0 : i32
      %dma_start3A_1261 = arith.constant 0 : i32
      %dma_start3A_1262 = tpu.memref_slice %arg12[%dma_start3A_1259, %dma_start3A_1260, %dma_start3A_1261] : memref<5x200x128xf32, #tpu.memory_space<vmem>> -> memref<1x128x128xf32, #tpu.memory_space<vmem>>
      %dma_start3A_1263 = tpu.memref_squeeze %dma_start3A_1262 : memref<1x128x128xf32, #tpu.memory_space<vmem>> -> memref<128x128xf32, #tpu.memory_space<vmem>>
      %dma_start3A_1264 = arith.constant 0 : i32
      %dma_start3A_1265 = tpu.memref_slice %arg10[%dma_start3A_1264] : memref<200xi32, #tpu.memory_space<vmem>> -> memref<128xi32, #tpu.memory_space<vmem>>
      %dma_start3A_1266 = arith.constant 0 : i32
      %dma_start3A_1267 = arith.constant 0 : i32
      %dma_start3A_1268 = tpu.memref_slice %arg3[%dma_start3A_1266, %dma_start3A_1267] : memref<100000x128xf32, #tpu.memory_space<hbm>> -> memref<100000x128xf32, #tpu.memory_space<hbm>>
      tpu.enqueue_indirect_dma source(%dma_start3A_1268 : memref<100000x128xf32, #tpu.memory_space<hbm>>) target(%dma_start3A_1263 : memref<128x128xf32, #tpu.memory_space<vmem>>) offsets(%dma_start3A_1265 : memref<128xi32, #tpu.memory_space<vmem>>) semaphore(%arg13 : memref<!tpu.dma_semaphore, #tpu.memory_space<semaphore_mem>>) {add = true}
      %dma_start3A_1269 = arith.constant 3 : i32
      %dma_start3A_1270 = arith.constant 128 : i32
      %dma_start3A_1271 = arith.constant 0 : i32
      %dma_start3A_1272 = tpu.memref_slice %arg12[%dma_start3A_1269, %dma_start3A_1270, %dma_start3A_1271] : memref<5x200x128xf32, #tpu.memory_space<vmem>> -> memref<1x72x128xf32, #tpu.memory_space<vmem>>
      %dma_start3A_1273 = tpu.memref_squeeze %dma_start3A_1272 : memref<1x72x128xf32, #tpu.memory_space<vmem>> -> memref<72x128xf32, #tpu.memory_space<vmem>>
      %dma_start3A_1274 = arith.constant 128 : i32
      %dma_start3A_1275 = tpu.memref_slice %arg10[%dma_start3A_1274] : memref<200xi32, #tpu.memory_space<vmem>> -> memref<72xi32, #tpu.memory_space<vmem>>
      %dma_start3A_1276 = arith.constant 0 : i32
      %dma_start3A_1277 = arith.constant 0 : i32
      %dma_start3A_1278 = tpu.memref_slice %arg3[%dma_start3A_1276, %dma_start3A_1277] : memref<100000x128xf32, #tpu.memory_space<hbm>> -> memref<100000x128xf32, #tpu.memory_space<hbm>>
      tpu.enqueue_indirect_dma source(%dma_start3A_1278 : memref<100000x128xf32, #tpu.memory_space<hbm>>) target(%dma_start3A_1273 : memref<72x128xf32, #tpu.memory_space<vmem>>) offsets(%dma_start3A_1275 : memref<72xi32, #tpu.memory_space<vmem>>) semaphore(%arg13 : memref<!tpu.dma_semaphore, #tpu.memory_space<semaphore_mem>>) {add = true}
      %dma_wait3A_1279 = arith.constant 4 : i32
      %dma_wait3A_1280 = arith.constant 0 : i32
      %dma_wait3A_1281 = arith.constant 0 : i32
      %dma_wait3A_1282 = tpu.memref_slice %arg12[%dma_wait3A_1279, %dma_wait3A_1280, %dma_wait3A_1281] : memref<5x200x128xf32, #tpu.memory_space<vmem>> -> memref<1x200x128xf32, #tpu.memory_space<vmem>>
      %dma_wait3A_1283 = tpu.memref_squeeze %dma_wait3A_1282 : memref<1x200x128xf32, #tpu.memory_space<vmem>> -> memref<200x128xf32, #tpu.memory_space<vmem>>
      %dma_wait3A_1284 = arith.constant 0 : i32
      %dma_wait3A_1285 = tpu.memref_slice %arg5[%mul3A_4, %dma_wait3A_1284] : memref<819200x128xf32, #tpu.memory_space<hbm>> -> memref<200x128xf32, #tpu.memory_space<hbm>>
      %dma_wait3A_1286 = arith.constant 0 : i32
      %dma_wait3A_1287 = tpu.memref_slice %arg5[%mul3A_4, %dma_wait3A_1286] : memref<819200x128xf32, #tpu.memory_space<hbm>> -> memref<200x128xf32, #tpu.memory_space<hbm>>
      %dma_wait3A_1288 = arith.constant 0 : i32
      %dma_wait3A_1289 = arith.constant 0 : i32
      %dma_wait3A_1290 = tpu.memref_slice %arg12[%dma_wait3A_1279, %dma_wait3A_1288, %dma_wait3A_1289] : memref<5x200x128xf32, #tpu.memory_space<vmem>> -> memref<1x200x128xf32, #tpu.memory_space<vmem>>
      %dma_wait3A_1291 = tpu.memref_squeeze %dma_wait3A_1290 : memref<1x200x128xf32, #tpu.memory_space<vmem>> -> memref<200x128xf32, #tpu.memory_space<vmem>>
      tpu.wait_dma2 semaphore(%arg18 : memref<!tpu.dma_semaphore, #tpu.memory_space<semaphore_mem>>) src(%dma_wait3A_1291 : memref<200x128xf32, #tpu.memory_space<vmem>>) dst(%dma_wait3A_1287 : memref<200x128xf32, #tpu.memory_space<hbm>>)
      %dma_start3A_1292 = arith.constant 4 : i32
      %dma_start3A_1293 = arith.constant 0 : i32
      %dma_start3A_1294 = arith.constant 0 : i32
      %dma_start3A_1295 = tpu.memref_slice %arg12[%dma_start3A_1292, %dma_start3A_1293, %dma_start3A_1294] : memref<5x200x128xf32, #tpu.memory_space<vmem>> -> memref<1x200x128xf32, #tpu.memory_space<vmem>>
      %dma_start3A_1296 = tpu.memref_squeeze %dma_start3A_1295 : memref<1x200x128xf32, #tpu.memory_space<vmem>> -> memref<200x128xf32, #tpu.memory_space<vmem>>
      %dma_start3A_1297 = arith.constant 0 : i32
      %dma_start3A_1298 = arith.constant 0 : i32
      %dma_start3A_1299 = tpu.memref_slice %arg12[%dma_start3A_1292, %dma_start3A_1297, %dma_start3A_1298] : memref<5x200x128xf32, #tpu.memory_space<vmem>> -> memref<1x200x128xf32, #tpu.memory_space<vmem>>
      %dma_start3A_1300 = tpu.memref_squeeze %dma_start3A_1299 : memref<1x200x128xf32, #tpu.memory_space<vmem>> -> memref<200x128xf32, #tpu.memory_space<vmem>>
      tpu.enqueue_dma source(%arg6 : memref<200x128xf32, #tpu.memory_space<vmem_shared>>) target(%dma_start3A_1300 : memref<200x128xf32, #tpu.memory_space<vmem>>) target_semaphore(%arg23 : memref<!tpu.dma_semaphore, #tpu.memory_space<semaphore_mem>>)
      %add3A_1301 = arith.constant 4 : i32
      %add3A_1302 = arith.addi %add3A_1211, %add3A_1301 : i32
      %mul3A_1303 = arith.constant 200 : i32
      %mul3A_1304 = arith.muli %add3A_1302, %mul3A_1303 : i32
      %add3A_1305 = arith.addi %mul3A_4, %mul3A_1304 : i32
      %dma_start3A_1306 = tpu.memref_slice %arg2[%add3A_1305] : memref<819200xi32, #tpu.memory_space<hbm>> -> memref<200xi32, #tpu.memory_space<hbm>>
      %dma_start3A_1307 = tpu.memref_slice %arg2[%add3A_1305] : memref<819200xi32, #tpu.memory_space<hbm>> -> memref<200xi32, #tpu.memory_space<hbm>>
      tpu.enqueue_dma source(%dma_start3A_1307 : memref<200xi32, #tpu.memory_space<hbm>>) target(%arg11 : memref<200xi32, #tpu.memory_space<vmem>>) target_semaphore(%arg28 : memref<!tpu.dma_semaphore, #tpu.memory_space<semaphore_mem>>)
      %add3A_1308 = arith.constant 1 : i32
      %add3A_1309 = arith.addi %add3A_1209, %add3A_1308 : i32
      %dma_wait3A_1310 = arith.constant 1 : i32
      %dma_wait3A_1311 = arith.constant 0 : i32
      %dma_wait3A_1312 = arith.constant 0 : i32
      %dma_wait3A_1313 = tpu.memref_slice %arg12[%dma_wait3A_1310, %dma_wait3A_1311, %dma_wait3A_1312] : memref<5x200x128xf32, #tpu.memory_space<vmem>> -> memref<1x128x128xf32, #tpu.memory_space<vmem>>
      %dma_wait3A_1314 = tpu.memref_squeeze %dma_wait3A_1313 : memref<1x128x128xf32, #tpu.memory_space<vmem>> -> memref<128x128xf32, #tpu.memory_space<vmem>>
      %dma_wait3A_1315 = arith.constant 0 : i32
      %dma_wait3A_1316 = tpu.memref_slice %arg8[%dma_wait3A_1315] : memref<200xi32, #tpu.memory_space<vmem>> -> memref<128xi32, #tpu.memory_space<vmem>>
      %dma_wait3A_1317 = arith.constant 0 : i32
      %dma_wait3A_1318 = arith.constant 0 : i32
      %dma_wait3A_1319 = tpu.memref_slice %arg3[%dma_wait3A_1317, %dma_wait3A_1318] : memref<100000x128xf32, #tpu.memory_space<hbm>> -> memref<100000x128xf32, #tpu.memory_space<hbm>>
      tpu.wait_indirect_dma semaphore(%arg13 : memref<!tpu.dma_semaphore, #tpu.memory_space<semaphore_mem>>) src(%dma_wait3A_1319 : memref<100000x128xf32, #tpu.memory_space<hbm>>) dst(%dma_wait3A_1314 : memref<128x128xf32, #tpu.memory_space<vmem>>)
      %dma_wait3A_1320 = arith.constant 1 : i32
      %dma_wait3A_1321 = arith.constant 128 : i32
      %dma_wait3A_1322 = arith.constant 0 : i32
      %dma_wait3A_1323 = tpu.memref_slice %arg12[%dma_wait3A_1320, %dma_wait3A_1321, %dma_wait3A_1322] : memref<5x200x128xf32, #tpu.memory_space<vmem>> -> memref<1x72x128xf32, #tpu.memory_space<vmem>>
      %dma_wait3A_1324 = tpu.memref_squeeze %dma_wait3A_1323 : memref<1x72x128xf32, #tpu.memory_space<vmem>> -> memref<72x128xf32, #tpu.memory_space<vmem>>
      %dma_wait3A_1325 = arith.constant 0 : i32
      %dma_wait3A_1326 = tpu.memref_slice %arg8[%dma_wait3A_1325] : memref<200xi32, #tpu.memory_space<vmem>> -> memref<72xi32, #tpu.memory_space<vmem>>
      %dma_wait3A_1327 = arith.constant 0 : i32
      %dma_wait3A_1328 = arith.constant 0 : i32
      %dma_wait3A_1329 = tpu.memref_slice %arg3[%dma_wait3A_1327, %dma_wait3A_1328] : memref<100000x128xf32, #tpu.memory_space<hbm>> -> memref<100000x128xf32, #tpu.memory_space<hbm>>
      tpu.wait_indirect_dma semaphore(%arg13 : memref<!tpu.dma_semaphore, #tpu.memory_space<semaphore_mem>>) src(%dma_wait3A_1329 : memref<100000x128xf32, #tpu.memory_space<hbm>>) dst(%dma_wait3A_1324 : memref<72x128xf32, #tpu.memory_space<vmem>>)
      %mul3A_1330 = arith.constant 200 : i32
      %mul3A_1331 = arith.muli %add3A_1309, %mul3A_1330 : i32
      %add3A_1332 = arith.addi %mul3A_4, %mul3A_1331 : i32
      %dma_start3A_1333 = arith.constant 1 : i32
      %dma_start3A_1334 = arith.constant 0 : i32
      %dma_start3A_1335 = arith.constant 0 : i32
      %dma_start3A_1336 = tpu.memref_slice %arg12[%dma_start3A_1333, %dma_start3A_1334, %dma_start3A_1335] : memref<5x200x128xf32, #tpu.memory_space<vmem>> -> memref<1x200x128xf32, #tpu.memory_space<vmem>>
      %dma_start3A_1337 = tpu.memref_squeeze %dma_start3A_1336 : memref<1x200x128xf32, #tpu.memory_space<vmem>> -> memref<200x128xf32, #tpu.memory_space<vmem>>
      %dma_start3A_1338 = arith.constant 0 : i32
      %dma_start3A_1339 = tpu.memref_slice %arg5[%add3A_1332, %dma_start3A_1338] : memref<819200x128xf32, #tpu.memory_space<hbm>> -> memref<200x128xf32, #tpu.memory_space<hbm>>
      %dma_start3A_1340 = arith.constant 0 : i32
      %dma_start3A_1341 = tpu.memref_slice %arg5[%add3A_1332, %dma_start3A_1340] : memref<819200x128xf32, #tpu.memory_space<hbm>> -> memref<200x128xf32, #tpu.memory_space<hbm>>
      %dma_start3A_1342 = arith.constant 0 : i32
      %dma_start3A_1343 = arith.constant 0 : i32
      %dma_start3A_1344 = tpu.memref_slice %arg12[%dma_start3A_1333, %dma_start3A_1342, %dma_start3A_1343] : memref<5x200x128xf32, #tpu.memory_space<vmem>> -> memref<1x200x128xf32, #tpu.memory_space<vmem>>
      %dma_start3A_1345 = tpu.memref_squeeze %dma_start3A_1344 : memref<1x200x128xf32, #tpu.memory_space<vmem>> -> memref<200x128xf32, #tpu.memory_space<vmem>>
      tpu.enqueue_dma source(%dma_start3A_1345 : memref<200x128xf32, #tpu.memory_space<vmem>>) target(%dma_start3A_1341 : memref<200x128xf32, #tpu.memory_space<hbm>>) target_semaphore(%arg15 : memref<!tpu.dma_semaphore, #tpu.memory_space<semaphore_mem>>)
      %dma_wait3A_1346 = arith.constant 4 : i32
      %dma_wait3A_1347 = arith.constant 0 : i32
      %dma_wait3A_1348 = arith.constant 0 : i32
      %dma_wait3A_1349 = tpu.memref_slice %arg12[%dma_wait3A_1346, %dma_wait3A_1347, %dma_wait3A_1348] : memref<5x200x128xf32, #tpu.memory_space<vmem>> -> memref<1x200x128xf32, #tpu.memory_space<vmem>>
      %dma_wait3A_1350 = tpu.memref_squeeze %dma_wait3A_1349 : memref<1x200x128xf32, #tpu.memory_space<vmem>> -> memref<200x128xf32, #tpu.memory_space<vmem>>
      %dma_wait3A_1351 = arith.constant 0 : i32
      %dma_wait3A_1352 = arith.constant 0 : i32
      %dma_wait3A_1353 = tpu.memref_slice %arg12[%dma_wait3A_1346, %dma_wait3A_1351, %dma_wait3A_1352] : memref<5x200x128xf32, #tpu.memory_space<vmem>> -> memref<1x200x128xf32, #tpu.memory_space<vmem>>
      %dma_wait3A_1354 = tpu.memref_squeeze %dma_wait3A_1353 : memref<1x200x128xf32, #tpu.memory_space<vmem>> -> memref<200x128xf32, #tpu.memory_space<vmem>>
      tpu.wait_dma2 semaphore(%arg23 : memref<!tpu.dma_semaphore, #tpu.memory_space<semaphore_mem>>) src(%arg6 : memref<200x128xf32, #tpu.memory_space<vmem_shared>>) dst(%dma_wait3A_1354 : memref<200x128xf32, #tpu.memory_space<vmem>>)
      %dma_wait3A_1355 = tpu.memref_slice %arg2[%mul3A_4] : memref<819200xi32, #tpu.memory_space<hbm>> -> memref<200xi32, #tpu.memory_space<hbm>>
      %dma_wait3A_1356 = tpu.memref_slice %arg2[%mul3A_4] : memref<819200xi32, #tpu.memory_space<hbm>> -> memref<200xi32, #tpu.memory_space<hbm>>
      tpu.wait_dma2 semaphore(%arg28 : memref<!tpu.dma_semaphore, #tpu.memory_space<semaphore_mem>>) src(%dma_wait3A_1356 : memref<200xi32, #tpu.memory_space<hbm>>) dst(%arg11 : memref<200xi32, #tpu.memory_space<vmem>>)
      %dma_start3A_1357 = arith.constant 4 : i32
      %dma_start3A_1358 = arith.constant 0 : i32
      %dma_start3A_1359 = arith.constant 0 : i32
      %dma_start3A_1360 = tpu.memref_slice %arg12[%dma_start3A_1357, %dma_start3A_1358, %dma_start3A_1359] : memref<5x200x128xf32, #tpu.memory_space<vmem>> -> memref<1x128x128xf32, #tpu.memory_space<vmem>>
      %dma_start3A_1361 = tpu.memref_squeeze %dma_start3A_1360 : memref<1x128x128xf32, #tpu.memory_space<vmem>> -> memref<128x128xf32, #tpu.memory_space<vmem>>
      %dma_start3A_1362 = arith.constant 0 : i32
      %dma_start3A_1363 = tpu.memref_slice %arg11[%dma_start3A_1362] : memref<200xi32, #tpu.memory_space<vmem>> -> memref<128xi32, #tpu.memory_space<vmem>>
      %dma_start3A_1364 = arith.constant 0 : i32
      %dma_start3A_1365 = arith.constant 0 : i32
      %dma_start3A_1366 = tpu.memref_slice %arg3[%dma_start3A_1364, %dma_start3A_1365] : memref<100000x128xf32, #tpu.memory_space<hbm>> -> memref<100000x128xf32, #tpu.memory_space<hbm>>
      tpu.enqueue_indirect_dma source(%dma_start3A_1366 : memref<100000x128xf32, #tpu.memory_space<hbm>>) target(%dma_start3A_1361 : memref<128x128xf32, #tpu.memory_space<vmem>>) offsets(%dma_start3A_1363 : memref<128xi32, #tpu.memory_space<vmem>>) semaphore(%arg13 : memref<!tpu.dma_semaphore, #tpu.memory_space<semaphore_mem>>) {add = true}
      %dma_start3A_1367 = arith.constant 4 : i32
      %dma_start3A_1368 = arith.constant 128 : i32
      %dma_start3A_1369 = arith.constant 0 : i32
      %dma_start3A_1370 = tpu.memref_slice %arg12[%dma_start3A_1367, %dma_start3A_1368, %dma_start3A_1369] : memref<5x200x128xf32, #tpu.memory_space<vmem>> -> memref<1x72x128xf32, #tpu.memory_space<vmem>>
      %dma_start3A_1371 = tpu.memref_squeeze %dma_start3A_1370 : memref<1x72x128xf32, #tpu.memory_space<vmem>> -> memref<72x128xf32, #tpu.memory_space<vmem>>
      %dma_start3A_1372 = arith.constant 128 : i32
      %dma_start3A_1373 = tpu.memref_slice %arg11[%dma_start3A_1372] : memref<200xi32, #tpu.memory_space<vmem>> -> memref<72xi32, #tpu.memory_space<vmem>>
      %dma_start3A_1374 = arith.constant 0 : i32
      %dma_start3A_1375 = arith.constant 0 : i32
      %dma_start3A_1376 = tpu.memref_slice %arg3[%dma_start3A_1374, %dma_start3A_1375] : memref<100000x128xf32, #tpu.memory_space<hbm>> -> memref<100000x128xf32, #tpu.memory_space<hbm>>
      tpu.enqueue_indirect_dma source(%dma_start3A_1376 : memref<100000x128xf32, #tpu.memory_space<hbm>>) target(%dma_start3A_1371 : memref<72x128xf32, #tpu.memory_space<vmem>>) offsets(%dma_start3A_1373 : memref<72xi32, #tpu.memory_space<vmem>>) semaphore(%arg13 : memref<!tpu.dma_semaphore, #tpu.memory_space<semaphore_mem>>) {add = true}
      %dma_wait3A_1377 = arith.constant 0 : i32
      %dma_wait3A_1378 = arith.constant 0 : i32
      %dma_wait3A_1379 = arith.constant 0 : i32
      %dma_wait3A_1380 = tpu.memref_slice %arg12[%dma_wait3A_1377, %dma_wait3A_1378, %dma_wait3A_1379] : memref<5x200x128xf32, #tpu.memory_space<vmem>> -> memref<1x200x128xf32, #tpu.memory_space<vmem>>
      %dma_wait3A_1381 = tpu.memref_squeeze %dma_wait3A_1380 : memref<1x200x128xf32, #tpu.memory_space<vmem>> -> memref<200x128xf32, #tpu.memory_space<vmem>>
      %dma_wait3A_1382 = arith.constant 0 : i32
      %dma_wait3A_1383 = tpu.memref_slice %arg5[%mul3A_4, %dma_wait3A_1382] : memref<819200x128xf32, #tpu.memory_space<hbm>> -> memref<200x128xf32, #tpu.memory_space<hbm>>
      %dma_wait3A_1384 = arith.constant 0 : i32
      %dma_wait3A_1385 = tpu.memref_slice %arg5[%mul3A_4, %dma_wait3A_1384] : memref<819200x128xf32, #tpu.memory_space<hbm>> -> memref<200x128xf32, #tpu.memory_space<hbm>>
      %dma_wait3A_1386 = arith.constant 0 : i32
      %dma_wait3A_1387 = arith.constant 0 : i32
      %dma_wait3A_1388 = tpu.memref_slice %arg12[%dma_wait3A_1377, %dma_wait3A_1386, %dma_wait3A_1387] : memref<5x200x128xf32, #tpu.memory_space<vmem>> -> memref<1x200x128xf32, #tpu.memory_space<vmem>>
      %dma_wait3A_1389 = tpu.memref_squeeze %dma_wait3A_1388 : memref<1x200x128xf32, #tpu.memory_space<vmem>> -> memref<200x128xf32, #tpu.memory_space<vmem>>
      tpu.wait_dma2 semaphore(%arg14 : memref<!tpu.dma_semaphore, #tpu.memory_space<semaphore_mem>>) src(%dma_wait3A_1389 : memref<200x128xf32, #tpu.memory_space<vmem>>) dst(%dma_wait3A_1385 : memref<200x128xf32, #tpu.memory_space<hbm>>)
      %dma_start3A_1390 = arith.constant 0 : i32
      %dma_start3A_1391 = arith.constant 0 : i32
      %dma_start3A_1392 = arith.constant 0 : i32
      %dma_start3A_1393 = tpu.memref_slice %arg12[%dma_start3A_1390, %dma_start3A_1391, %dma_start3A_1392] : memref<5x200x128xf32, #tpu.memory_space<vmem>> -> memref<1x200x128xf32, #tpu.memory_space<vmem>>
      %dma_start3A_1394 = tpu.memref_squeeze %dma_start3A_1393 : memref<1x200x128xf32, #tpu.memory_space<vmem>> -> memref<200x128xf32, #tpu.memory_space<vmem>>
      %dma_start3A_1395 = arith.constant 0 : i32
      %dma_start3A_1396 = arith.constant 0 : i32
      %dma_start3A_1397 = tpu.memref_slice %arg12[%dma_start3A_1390, %dma_start3A_1395, %dma_start3A_1396] : memref<5x200x128xf32, #tpu.memory_space<vmem>> -> memref<1x200x128xf32, #tpu.memory_space<vmem>>
      %dma_start3A_1398 = tpu.memref_squeeze %dma_start3A_1397 : memref<1x200x128xf32, #tpu.memory_space<vmem>> -> memref<200x128xf32, #tpu.memory_space<vmem>>
      tpu.enqueue_dma source(%arg6 : memref<200x128xf32, #tpu.memory_space<vmem_shared>>) target(%dma_start3A_1398 : memref<200x128xf32, #tpu.memory_space<vmem>>) target_semaphore(%arg19 : memref<!tpu.dma_semaphore, #tpu.memory_space<semaphore_mem>>)
      %add3A_1399 = arith.constant 4 : i32
      %add3A_1400 = arith.addi %add3A_1309, %add3A_1399 : i32
      %mul3A_1401 = arith.constant 200 : i32
      %mul3A_1402 = arith.muli %add3A_1400, %mul3A_1401 : i32
      %add3A_1403 = arith.addi %mul3A_4, %mul3A_1402 : i32
      %dma_start3A_1404 = tpu.memref_slice %arg2[%add3A_1403] : memref<819200xi32, #tpu.memory_space<hbm>> -> memref<200xi32, #tpu.memory_space<hbm>>
      %dma_start3A_1405 = tpu.memref_slice %arg2[%add3A_1403] : memref<819200xi32, #tpu.memory_space<hbm>> -> memref<200xi32, #tpu.memory_space<hbm>>
      tpu.enqueue_dma source(%dma_start3A_1405 : memref<200xi32, #tpu.memory_space<hbm>>) target(%arg7 : memref<200xi32, #tpu.memory_space<vmem>>) target_semaphore(%arg24 : memref<!tpu.dma_semaphore, #tpu.memory_space<semaphore_mem>>)
      %add3A_1406 = arith.constant 2 : i32
      %add3A_1407 = arith.addi %add3A_1209, %add3A_1406 : i32
      %dma_wait3A_1408 = arith.constant 2 : i32
      %dma_wait3A_1409 = arith.constant 0 : i32
      %dma_wait3A_1410 = arith.constant 0 : i32
      %dma_wait3A_1411 = tpu.memref_slice %arg12[%dma_wait3A_1408, %dma_wait3A_1409, %dma_wait3A_1410] : memref<5x200x128xf32, #tpu.memory_space<vmem>> -> memref<1x128x128xf32, #tpu.memory_space<vmem>>
      %dma_wait3A_1412 = tpu.memref_squeeze %dma_wait3A_1411 : memref<1x128x128xf32, #tpu.memory_space<vmem>> -> memref<128x128xf32, #tpu.memory_space<vmem>>
      %dma_wait3A_1413 = arith.constant 0 : i32
      %dma_wait3A_1414 = tpu.memref_slice %arg9[%dma_wait3A_1413] : memref<200xi32, #tpu.memory_space<vmem>> -> memref<128xi32, #tpu.memory_space<vmem>>
      %dma_wait3A_1415 = arith.constant 0 : i32
      %dma_wait3A_1416 = arith.constant 0 : i32
      %dma_wait3A_1417 = tpu.memref_slice %arg3[%dma_wait3A_1415, %dma_wait3A_1416] : memref<100000x128xf32, #tpu.memory_space<hbm>> -> memref<100000x128xf32, #tpu.memory_space<hbm>>
      tpu.wait_indirect_dma semaphore(%arg13 : memref<!tpu.dma_semaphore, #tpu.memory_space<semaphore_mem>>) src(%dma_wait3A_1417 : memref<100000x128xf32, #tpu.memory_space<hbm>>) dst(%dma_wait3A_1412 : memref<128x128xf32, #tpu.memory_space<vmem>>)
      %dma_wait3A_1418 = arith.constant 2 : i32
      %dma_wait3A_1419 = arith.constant 128 : i32
      %dma_wait3A_1420 = arith.constant 0 : i32
      %dma_wait3A_1421 = tpu.memref_slice %arg12[%dma_wait3A_1418, %dma_wait3A_1419, %dma_wait3A_1420] : memref<5x200x128xf32, #tpu.memory_space<vmem>> -> memref<1x72x128xf32, #tpu.memory_space<vmem>>
      %dma_wait3A_1422 = tpu.memref_squeeze %dma_wait3A_1421 : memref<1x72x128xf32, #tpu.memory_space<vmem>> -> memref<72x128xf32, #tpu.memory_space<vmem>>
      %dma_wait3A_1423 = arith.constant 0 : i32
      %dma_wait3A_1424 = tpu.memref_slice %arg9[%dma_wait3A_1423] : memref<200xi32, #tpu.memory_space<vmem>> -> memref<72xi32, #tpu.memory_space<vmem>>
      %dma_wait3A_1425 = arith.constant 0 : i32
      %dma_wait3A_1426 = arith.constant 0 : i32
      %dma_wait3A_1427 = tpu.memref_slice %arg3[%dma_wait3A_1425, %dma_wait3A_1426] : memref<100000x128xf32, #tpu.memory_space<hbm>> -> memref<100000x128xf32, #tpu.memory_space<hbm>>
      tpu.wait_indirect_dma semaphore(%arg13 : memref<!tpu.dma_semaphore, #tpu.memory_space<semaphore_mem>>) src(%dma_wait3A_1427 : memref<100000x128xf32, #tpu.memory_space<hbm>>) dst(%dma_wait3A_1422 : memref<72x128xf32, #tpu.memory_space<vmem>>)
      %mul3A_1428 = arith.constant 200 : i32
      %mul3A_1429 = arith.muli %add3A_1407, %mul3A_1428 : i32
      %add3A_1430 = arith.addi %mul3A_4, %mul3A_1429 : i32
      %dma_start3A_1431 = arith.constant 2 : i32
      %dma_start3A_1432 = arith.constant 0 : i32
      %dma_start3A_1433 = arith.constant 0 : i32
      %dma_start3A_1434 = tpu.memref_slice %arg12[%dma_start3A_1431, %dma_start3A_1432, %dma_start3A_1433] : memref<5x200x128xf32, #tpu.memory_space<vmem>> -> memref<1x200x128xf32, #tpu.memory_space<vmem>>
      %dma_start3A_1435 = tpu.memref_squeeze %dma_start3A_1434 : memref<1x200x128xf32, #tpu.memory_space<vmem>> -> memref<200x128xf32, #tpu.memory_space<vmem>>
      %dma_start3A_1436 = arith.constant 0 : i32
      %dma_start3A_1437 = tpu.memref_slice %arg5[%add3A_1430, %dma_start3A_1436] : memref<819200x128xf32, #tpu.memory_space<hbm>> -> memref<200x128xf32, #tpu.memory_space<hbm>>
      %dma_start3A_1438 = arith.constant 0 : i32
      %dma_start3A_1439 = tpu.memref_slice %arg5[%add3A_1430, %dma_start3A_1438] : memref<819200x128xf32, #tpu.memory_space<hbm>> -> memref<200x128xf32, #tpu.memory_space<hbm>>
      %dma_start3A_1440 = arith.constant 0 : i32
      %dma_start3A_1441 = arith.constant 0 : i32
      %dma_start3A_1442 = tpu.memref_slice %arg12[%dma_start3A_1431, %dma_start3A_1440, %dma_start3A_1441] : memref<5x200x128xf32, #tpu.memory_space<vmem>> -> memref<1x200x128xf32, #tpu.memory_space<vmem>>
      %dma_start3A_1443 = tpu.memref_squeeze %dma_start3A_1442 : memref<1x200x128xf32, #tpu.memory_space<vmem>> -> memref<200x128xf32, #tpu.memory_space<vmem>>
      tpu.enqueue_dma source(%dma_start3A_1443 : memref<200x128xf32, #tpu.memory_space<vmem>>) target(%dma_start3A_1439 : memref<200x128xf32, #tpu.memory_space<hbm>>) target_semaphore(%arg16 : memref<!tpu.dma_semaphore, #tpu.memory_space<semaphore_mem>>)
      %dma_wait3A_1444 = arith.constant 0 : i32
      %dma_wait3A_1445 = arith.constant 0 : i32
      %dma_wait3A_1446 = arith.constant 0 : i32
      %dma_wait3A_1447 = tpu.memref_slice %arg12[%dma_wait3A_1444, %dma_wait3A_1445, %dma_wait3A_1446] : memref<5x200x128xf32, #tpu.memory_space<vmem>> -> memref<1x200x128xf32, #tpu.memory_space<vmem>>
      %dma_wait3A_1448 = tpu.memref_squeeze %dma_wait3A_1447 : memref<1x200x128xf32, #tpu.memory_space<vmem>> -> memref<200x128xf32, #tpu.memory_space<vmem>>
      %dma_wait3A_1449 = arith.constant 0 : i32
      %dma_wait3A_1450 = arith.constant 0 : i32
      %dma_wait3A_1451 = tpu.memref_slice %arg12[%dma_wait3A_1444, %dma_wait3A_1449, %dma_wait3A_1450] : memref<5x200x128xf32, #tpu.memory_space<vmem>> -> memref<1x200x128xf32, #tpu.memory_space<vmem>>
      %dma_wait3A_1452 = tpu.memref_squeeze %dma_wait3A_1451 : memref<1x200x128xf32, #tpu.memory_space<vmem>> -> memref<200x128xf32, #tpu.memory_space<vmem>>
      tpu.wait_dma2 semaphore(%arg19 : memref<!tpu.dma_semaphore, #tpu.memory_space<semaphore_mem>>) src(%arg6 : memref<200x128xf32, #tpu.memory_space<vmem_shared>>) dst(%dma_wait3A_1452 : memref<200x128xf32, #tpu.memory_space<vmem>>)
      %dma_wait3A_1453 = tpu.memref_slice %arg2[%mul3A_4] : memref<819200xi32, #tpu.memory_space<hbm>> -> memref<200xi32, #tpu.memory_space<hbm>>
      %dma_wait3A_1454 = tpu.memref_slice %arg2[%mul3A_4] : memref<819200xi32, #tpu.memory_space<hbm>> -> memref<200xi32, #tpu.memory_space<hbm>>
      tpu.wait_dma2 semaphore(%arg24 : memref<!tpu.dma_semaphore, #tpu.memory_space<semaphore_mem>>) src(%dma_wait3A_1454 : memref<200xi32, #tpu.memory_space<hbm>>) dst(%arg7 : memref<200xi32, #tpu.memory_space<vmem>>)
      %dma_start3A_1455 = arith.constant 0 : i32
      %dma_start3A_1456 = arith.constant 0 : i32
      %dma_start3A_1457 = arith.constant 0 : i32
      %dma_start3A_1458 = tpu.memref_slice %arg12[%dma_start3A_1455, %dma_start3A_1456, %dma_start3A_1457] : memref<5x200x128xf32, #tpu.memory_space<vmem>> -> memref<1x128x128xf32, #tpu.memory_space<vmem>>
      %dma_start3A_1459 = tpu.memref_squeeze %dma_start3A_1458 : memref<1x128x128xf32, #tpu.memory_space<vmem>> -> memref<128x128xf32, #tpu.memory_space<vmem>>
      %dma_start3A_1460 = arith.constant 0 : i32
      %dma_start3A_1461 = tpu.memref_slice %arg7[%dma_start3A_1460] : memref<200xi32, #tpu.memory_space<vmem>> -> memref<128xi32, #tpu.memory_space<vmem>>
      %dma_start3A_1462 = arith.constant 0 : i32
      %dma_start3A_1463 = arith.constant 0 : i32
      %dma_start3A_1464 = tpu.memref_slice %arg3[%dma_start3A_1462, %dma_start3A_1463] : memref<100000x128xf32, #tpu.memory_space<hbm>> -> memref<100000x128xf32, #tpu.memory_space<hbm>>
      tpu.enqueue_indirect_dma source(%dma_start3A_1464 : memref<100000x128xf32, #tpu.memory_space<hbm>>) target(%dma_start3A_1459 : memref<128x128xf32, #tpu.memory_space<vmem>>) offsets(%dma_start3A_1461 : memref<128xi32, #tpu.memory_space<vmem>>) semaphore(%arg13 : memref<!tpu.dma_semaphore, #tpu.memory_space<semaphore_mem>>) {add = true}
      %dma_start3A_1465 = arith.constant 0 : i32
      %dma_start3A_1466 = arith.constant 128 : i32
      %dma_start3A_1467 = arith.constant 0 : i32
      %dma_start3A_1468 = tpu.memref_slice %arg12[%dma_start3A_1465, %dma_start3A_1466, %dma_start3A_1467] : memref<5x200x128xf32, #tpu.memory_space<vmem>> -> memref<1x72x128xf32, #tpu.memory_space<vmem>>
      %dma_start3A_1469 = tpu.memref_squeeze %dma_start3A_1468 : memref<1x72x128xf32, #tpu.memory_space<vmem>> -> memref<72x128xf32, #tpu.memory_space<vmem>>
      %dma_start3A_1470 = arith.constant 128 : i32
      %dma_start3A_1471 = tpu.memref_slice %arg7[%dma_start3A_1470] : memref<200xi32, #tpu.memory_space<vmem>> -> memref<72xi32, #tpu.memory_space<vmem>>
      %dma_start3A_1472 = arith.constant 0 : i32
      %dma_start3A_1473 = arith.constant 0 : i32
      %dma_start3A_1474 = tpu.memref_slice %arg3[%dma_start3A_1472, %dma_start3A_1473] : memref<100000x128xf32, #tpu.memory_space<hbm>> -> memref<100000x128xf32, #tpu.memory_space<hbm>>
      tpu.enqueue_indirect_dma source(%dma_start3A_1474 : memref<100000x128xf32, #tpu.memory_space<hbm>>) target(%dma_start3A_1469 : memref<72x128xf32, #tpu.memory_space<vmem>>) offsets(%dma_start3A_1471 : memref<72xi32, #tpu.memory_space<vmem>>) semaphore(%arg13 : memref<!tpu.dma_semaphore, #tpu.memory_space<semaphore_mem>>) {add = true}
      %dma_wait3A_1475 = arith.constant 1 : i32
      %dma_wait3A_1476 = arith.constant 0 : i32
      %dma_wait3A_1477 = arith.constant 0 : i32
      %dma_wait3A_1478 = tpu.memref_slice %arg12[%dma_wait3A_1475, %dma_wait3A_1476, %dma_wait3A_1477] : memref<5x200x128xf32, #tpu.memory_space<vmem>> -> memref<1x200x128xf32, #tpu.memory_space<vmem>>
      %dma_wait3A_1479 = tpu.memref_squeeze %dma_wait3A_1478 : memref<1x200x128xf32, #tpu.memory_space<vmem>> -> memref<200x128xf32, #tpu.memory_space<vmem>>
      %dma_wait3A_1480 = arith.constant 0 : i32
      %dma_wait3A_1481 = tpu.memref_slice %arg5[%mul3A_4, %dma_wait3A_1480] : memref<819200x128xf32, #tpu.memory_space<hbm>> -> memref<200x128xf32, #tpu.memory_space<hbm>>
      %dma_wait3A_1482 = arith.constant 0 : i32
      %dma_wait3A_1483 = tpu.memref_slice %arg5[%mul3A_4, %dma_wait3A_1482] : memref<819200x128xf32, #tpu.memory_space<hbm>> -> memref<200x128xf32, #tpu.memory_space<hbm>>
      %dma_wait3A_1484 = arith.constant 0 : i32
      %dma_wait3A_1485 = arith.constant 0 : i32
      %dma_wait3A_1486 = tpu.memref_slice %arg12[%dma_wait3A_1475, %dma_wait3A_1484, %dma_wait3A_1485] : memref<5x200x128xf32, #tpu.memory_space<vmem>> -> memref<1x200x128xf32, #tpu.memory_space<vmem>>
      %dma_wait3A_1487 = tpu.memref_squeeze %dma_wait3A_1486 : memref<1x200x128xf32, #tpu.memory_space<vmem>> -> memref<200x128xf32, #tpu.memory_space<vmem>>
      tpu.wait_dma2 semaphore(%arg15 : memref<!tpu.dma_semaphore, #tpu.memory_space<semaphore_mem>>) src(%dma_wait3A_1487 : memref<200x128xf32, #tpu.memory_space<vmem>>) dst(%dma_wait3A_1483 : memref<200x128xf32, #tpu.memory_space<hbm>>)
      %dma_start3A_1488 = arith.constant 1 : i32
      %dma_start3A_1489 = arith.constant 0 : i32
      %dma_start3A_1490 = arith.constant 0 : i32
      %dma_start3A_1491 = tpu.memref_slice %arg12[%dma_start3A_1488, %dma_start3A_1489, %dma_start3A_1490] : memref<5x200x128xf32, #tpu.memory_space<vmem>> -> memref<1x200x128xf32, #tpu.memory_space<vmem>>
      %dma_start3A_1492 = tpu.memref_squeeze %dma_start3A_1491 : memref<1x200x128xf32, #tpu.memory_space<vmem>> -> memref<200x128xf32, #tpu.memory_space<vmem>>
      %dma_start3A_1493 = arith.constant 0 : i32
      %dma_start3A_1494 = arith.constant 0 : i32
      %dma_start3A_1495 = tpu.memref_slice %arg12[%dma_start3A_1488, %dma_start3A_1493, %dma_start3A_1494] : memref<5x200x128xf32, #tpu.memory_space<vmem>> -> memref<1x200x128xf32, #tpu.memory_space<vmem>>
      %dma_start3A_1496 = tpu.memref_squeeze %dma_start3A_1495 : memref<1x200x128xf32, #tpu.memory_space<vmem>> -> memref<200x128xf32, #tpu.memory_space<vmem>>
      tpu.enqueue_dma source(%arg6 : memref<200x128xf32, #tpu.memory_space<vmem_shared>>) target(%dma_start3A_1496 : memref<200x128xf32, #tpu.memory_space<vmem>>) target_semaphore(%arg20 : memref<!tpu.dma_semaphore, #tpu.memory_space<semaphore_mem>>)
      %add3A_1497 = arith.constant 4 : i32
      %add3A_1498 = arith.addi %add3A_1407, %add3A_1497 : i32
      %mul3A_1499 = arith.constant 200 : i32
      %mul3A_1500 = arith.muli %add3A_1498, %mul3A_1499 : i32
      %add3A_1501 = arith.addi %mul3A_4, %mul3A_1500 : i32
      %dma_start3A_1502 = tpu.memref_slice %arg2[%add3A_1501] : memref<819200xi32, #tpu.memory_space<hbm>> -> memref<200xi32, #tpu.memory_space<hbm>>
      %dma_start3A_1503 = tpu.memref_slice %arg2[%add3A_1501] : memref<819200xi32, #tpu.memory_space<hbm>> -> memref<200xi32, #tpu.memory_space<hbm>>
      tpu.enqueue_dma source(%dma_start3A_1503 : memref<200xi32, #tpu.memory_space<hbm>>) target(%arg8 : memref<200xi32, #tpu.memory_space<vmem>>) target_semaphore(%arg25 : memref<!tpu.dma_semaphore, #tpu.memory_space<semaphore_mem>>)
      %add3A_1504 = arith.constant 3 : i32
      %add3A_1505 = arith.addi %add3A_1209, %add3A_1504 : i32
      %dma_wait3A_1506 = arith.constant 3 : i32
      %dma_wait3A_1507 = arith.constant 0 : i32
      %dma_wait3A_1508 = arith.constant 0 : i32
      %dma_wait3A_1509 = tpu.memref_slice %arg12[%dma_wait3A_1506, %dma_wait3A_1507, %dma_wait3A_1508] : memref<5x200x128xf32, #tpu.memory_space<vmem>> -> memref<1x128x128xf32, #tpu.memory_space<vmem>>
      %dma_wait3A_1510 = tpu.memref_squeeze %dma_wait3A_1509 : memref<1x128x128xf32, #tpu.memory_space<vmem>> -> memref<128x128xf32, #tpu.memory_space<vmem>>
      %dma_wait3A_1511 = arith.constant 0 : i32
      %dma_wait3A_1512 = tpu.memref_slice %arg10[%dma_wait3A_1511] : memref<200xi32, #tpu.memory_space<vmem>> -> memref<128xi32, #tpu.memory_space<vmem>>
      %dma_wait3A_1513 = arith.constant 0 : i32
      %dma_wait3A_1514 = arith.constant 0 : i32
      %dma_wait3A_1515 = tpu.memref_slice %arg3[%dma_wait3A_1513, %dma_wait3A_1514] : memref<100000x128xf32, #tpu.memory_space<hbm>> -> memref<100000x128xf32, #tpu.memory_space<hbm>>
      tpu.wait_indirect_dma semaphore(%arg13 : memref<!tpu.dma_semaphore, #tpu.memory_space<semaphore_mem>>) src(%dma_wait3A_1515 : memref<100000x128xf32, #tpu.memory_space<hbm>>) dst(%dma_wait3A_1510 : memref<128x128xf32, #tpu.memory_space<vmem>>)
      %dma_wait3A_1516 = arith.constant 3 : i32
      %dma_wait3A_1517 = arith.constant 128 : i32
      %dma_wait3A_1518 = arith.constant 0 : i32
      %dma_wait3A_1519 = tpu.memref_slice %arg12[%dma_wait3A_1516, %dma_wait3A_1517, %dma_wait3A_1518] : memref<5x200x128xf32, #tpu.memory_space<vmem>> -> memref<1x72x128xf32, #tpu.memory_space<vmem>>
      %dma_wait3A_1520 = tpu.memref_squeeze %dma_wait3A_1519 : memref<1x72x128xf32, #tpu.memory_space<vmem>> -> memref<72x128xf32, #tpu.memory_space<vmem>>
      %dma_wait3A_1521 = arith.constant 0 : i32
      %dma_wait3A_1522 = tpu.memref_slice %arg10[%dma_wait3A_1521] : memref<200xi32, #tpu.memory_space<vmem>> -> memref<72xi32, #tpu.memory_space<vmem>>
      %dma_wait3A_1523 = arith.constant 0 : i32
      %dma_wait3A_1524 = arith.constant 0 : i32
      %dma_wait3A_1525 = tpu.memref_slice %arg3[%dma_wait3A_1523, %dma_wait3A_1524] : memref<100000x128xf32, #tpu.memory_space<hbm>> -> memref<100000x128xf32, #tpu.memory_space<hbm>>
      tpu.wait_indirect_dma semaphore(%arg13 : memref<!tpu.dma_semaphore, #tpu.memory_space<semaphore_mem>>) src(%dma_wait3A_1525 : memref<100000x128xf32, #tpu.memory_space<hbm>>) dst(%dma_wait3A_1520 : memref<72x128xf32, #tpu.memory_space<vmem>>)
      %mul3A_1526 = arith.constant 200 : i32
      %mul3A_1527 = arith.muli %add3A_1505, %mul3A_1526 : i32
      %add3A_1528 = arith.addi %mul3A_4, %mul3A_1527 : i32
      %dma_start3A_1529 = arith.constant 3 : i32
      %dma_start3A_1530 = arith.constant 0 : i32
      %dma_start3A_1531 = arith.constant 0 : i32
      %dma_start3A_1532 = tpu.memref_slice %arg12[%dma_start3A_1529, %dma_start3A_1530, %dma_start3A_1531] : memref<5x200x128xf32, #tpu.memory_space<vmem>> -> memref<1x200x128xf32, #tpu.memory_space<vmem>>
      %dma_start3A_1533 = tpu.memref_squeeze %dma_start3A_1532 : memref<1x200x128xf32, #tpu.memory_space<vmem>> -> memref<200x128xf32, #tpu.memory_space<vmem>>
      %dma_start3A_1534 = arith.constant 0 : i32
      %dma_start3A_1535 = tpu.memref_slice %arg5[%add3A_1528, %dma_start3A_1534] : memref<819200x128xf32, #tpu.memory_space<hbm>> -> memref<200x128xf32, #tpu.memory_space<hbm>>
      %dma_start3A_1536 = arith.constant 0 : i32
      %dma_start3A_1537 = tpu.memref_slice %arg5[%add3A_1528, %dma_start3A_1536] : memref<819200x128xf32, #tpu.memory_space<hbm>> -> memref<200x128xf32, #tpu.memory_space<hbm>>
      %dma_start3A_1538 = arith.constant 0 : i32
      %dma_start3A_1539 = arith.constant 0 : i32
      %dma_start3A_1540 = tpu.memref_slice %arg12[%dma_start3A_1529, %dma_start3A_1538, %dma_start3A_1539] : memref<5x200x128xf32, #tpu.memory_space<vmem>> -> memref<1x200x128xf32, #tpu.memory_space<vmem>>
      %dma_start3A_1541 = tpu.memref_squeeze %dma_start3A_1540 : memref<1x200x128xf32, #tpu.memory_space<vmem>> -> memref<200x128xf32, #tpu.memory_space<vmem>>
      tpu.enqueue_dma source(%dma_start3A_1541 : memref<200x128xf32, #tpu.memory_space<vmem>>) target(%dma_start3A_1537 : memref<200x128xf32, #tpu.memory_space<hbm>>) target_semaphore(%arg17 : memref<!tpu.dma_semaphore, #tpu.memory_space<semaphore_mem>>)
      %dma_wait3A_1542 = arith.constant 1 : i32
      %dma_wait3A_1543 = arith.constant 0 : i32
      %dma_wait3A_1544 = arith.constant 0 : i32
      %dma_wait3A_1545 = tpu.memref_slice %arg12[%dma_wait3A_1542, %dma_wait3A_1543, %dma_wait3A_1544] : memref<5x200x128xf32, #tpu.memory_space<vmem>> -> memref<1x200x128xf32, #tpu.memory_space<vmem>>
      %dma_wait3A_1546 = tpu.memref_squeeze %dma_wait3A_1545 : memref<1x200x128xf32, #tpu.memory_space<vmem>> -> memref<200x128xf32, #tpu.memory_space<vmem>>
      %dma_wait3A_1547 = arith.constant 0 : i32
      %dma_wait3A_1548 = arith.constant 0 : i32
      %dma_wait3A_1549 = tpu.memref_slice %arg12[%dma_wait3A_1542, %dma_wait3A_1547, %dma_wait3A_1548] : memref<5x200x128xf32, #tpu.memory_space<vmem>> -> memref<1x200x128xf32, #tpu.memory_space<vmem>>
      %dma_wait3A_1550 = tpu.memref_squeeze %dma_wait3A_1549 : memref<1x200x128xf32, #tpu.memory_space<vmem>> -> memref<200x128xf32, #tpu.memory_space<vmem>>
      tpu.wait_dma2 semaphore(%arg20 : memref<!tpu.dma_semaphore, #tpu.memory_space<semaphore_mem>>) src(%arg6 : memref<200x128xf32, #tpu.memory_space<vmem_shared>>) dst(%dma_wait3A_1550 : memref<200x128xf32, #tpu.memory_space<vmem>>)
      %dma_wait3A_1551 = tpu.memref_slice %arg2[%mul3A_4] : memref<819200xi32, #tpu.memory_space<hbm>> -> memref<200xi32, #tpu.memory_space<hbm>>
      %dma_wait3A_1552 = tpu.memref_slice %arg2[%mul3A_4] : memref<819200xi32, #tpu.memory_space<hbm>> -> memref<200xi32, #tpu.memory_space<hbm>>
      tpu.wait_dma2 semaphore(%arg25 : memref<!tpu.dma_semaphore, #tpu.memory_space<semaphore_mem>>) src(%dma_wait3A_1552 : memref<200xi32, #tpu.memory_space<hbm>>) dst(%arg8 : memref<200xi32, #tpu.memory_space<vmem>>)
      %dma_start3A_1553 = arith.constant 1 : i32
      %dma_start3A_1554 = arith.constant 0 : i32
      %dma_start3A_1555 = arith.constant 0 : i32
      %dma_start3A_1556 = tpu.memref_slice %arg12[%dma_start3A_1553, %dma_start3A_1554, %dma_start3A_1555] : memref<5x200x128xf32, #tpu.memory_space<vmem>> -> memref<1x128x128xf32, #tpu.memory_space<vmem>>
      %dma_start3A_1557 = tpu.memref_squeeze %dma_start3A_1556 : memref<1x128x128xf32, #tpu.memory_space<vmem>> -> memref<128x128xf32, #tpu.memory_space<vmem>>
      %dma_start3A_1558 = arith.constant 0 : i32
      %dma_start3A_1559 = tpu.memref_slice %arg8[%dma_start3A_1558] : memref<200xi32, #tpu.memory_space<vmem>> -> memref<128xi32, #tpu.memory_space<vmem>>
      %dma_start3A_1560 = arith.constant 0 : i32
      %dma_start3A_1561 = arith.constant 0 : i32
      %dma_start3A_1562 = tpu.memref_slice %arg3[%dma_start3A_1560, %dma_start3A_1561] : memref<100000x128xf32, #tpu.memory_space<hbm>> -> memref<100000x128xf32, #tpu.memory_space<hbm>>
      tpu.enqueue_indirect_dma source(%dma_start3A_1562 : memref<100000x128xf32, #tpu.memory_space<hbm>>) target(%dma_start3A_1557 : memref<128x128xf32, #tpu.memory_space<vmem>>) offsets(%dma_start3A_1559 : memref<128xi32, #tpu.memory_space<vmem>>) semaphore(%arg13 : memref<!tpu.dma_semaphore, #tpu.memory_space<semaphore_mem>>) {add = true}
      %dma_start3A_1563 = arith.constant 1 : i32
      %dma_start3A_1564 = arith.constant 128 : i32
      %dma_start3A_1565 = arith.constant 0 : i32
      %dma_start3A_1566 = tpu.memref_slice %arg12[%dma_start3A_1563, %dma_start3A_1564, %dma_start3A_1565] : memref<5x200x128xf32, #tpu.memory_space<vmem>> -> memref<1x72x128xf32, #tpu.memory_space<vmem>>
      %dma_start3A_1567 = tpu.memref_squeeze %dma_start3A_1566 : memref<1x72x128xf32, #tpu.memory_space<vmem>> -> memref<72x128xf32, #tpu.memory_space<vmem>>
      %dma_start3A_1568 = arith.constant 128 : i32
      %dma_start3A_1569 = tpu.memref_slice %arg8[%dma_start3A_1568] : memref<200xi32, #tpu.memory_space<vmem>> -> memref<72xi32, #tpu.memory_space<vmem>>
      %dma_start3A_1570 = arith.constant 0 : i32
      %dma_start3A_1571 = arith.constant 0 : i32
      %dma_start3A_1572 = tpu.memref_slice %arg3[%dma_start3A_1570, %dma_start3A_1571] : memref<100000x128xf32, #tpu.memory_space<hbm>> -> memref<100000x128xf32, #tpu.memory_space<hbm>>
      tpu.enqueue_indirect_dma source(%dma_start3A_1572 : memref<100000x128xf32, #tpu.memory_space<hbm>>) target(%dma_start3A_1567 : memref<72x128xf32, #tpu.memory_space<vmem>>) offsets(%dma_start3A_1569 : memref<72xi32, #tpu.memory_space<vmem>>) semaphore(%arg13 : memref<!tpu.dma_semaphore, #tpu.memory_space<semaphore_mem>>) {add = true}
      %dma_wait3A_1573 = arith.constant 2 : i32
      %dma_wait3A_1574 = arith.constant 0 : i32
      %dma_wait3A_1575 = arith.constant 0 : i32
      %dma_wait3A_1576 = tpu.memref_slice %arg12[%dma_wait3A_1573, %dma_wait3A_1574, %dma_wait3A_1575] : memref<5x200x128xf32, #tpu.memory_space<vmem>> -> memref<1x200x128xf32, #tpu.memory_space<vmem>>
      %dma_wait3A_1577 = tpu.memref_squeeze %dma_wait3A_1576 : memref<1x200x128xf32, #tpu.memory_space<vmem>> -> memref<200x128xf32, #tpu.memory_space<vmem>>
      %dma_wait3A_1578 = arith.constant 0 : i32
      %dma_wait3A_1579 = tpu.memref_slice %arg5[%mul3A_4, %dma_wait3A_1578] : memref<819200x128xf32, #tpu.memory_space<hbm>> -> memref<200x128xf32, #tpu.memory_space<hbm>>
      %dma_wait3A_1580 = arith.constant 0 : i32
      %dma_wait3A_1581 = tpu.memref_slice %arg5[%mul3A_4, %dma_wait3A_1580] : memref<819200x128xf32, #tpu.memory_space<hbm>> -> memref<200x128xf32, #tpu.memory_space<hbm>>
      %dma_wait3A_1582 = arith.constant 0 : i32
      %dma_wait3A_1583 = arith.constant 0 : i32
      %dma_wait3A_1584 = tpu.memref_slice %arg12[%dma_wait3A_1573, %dma_wait3A_1582, %dma_wait3A_1583] : memref<5x200x128xf32, #tpu.memory_space<vmem>> -> memref<1x200x128xf32, #tpu.memory_space<vmem>>
      %dma_wait3A_1585 = tpu.memref_squeeze %dma_wait3A_1584 : memref<1x200x128xf32, #tpu.memory_space<vmem>> -> memref<200x128xf32, #tpu.memory_space<vmem>>
      tpu.wait_dma2 semaphore(%arg16 : memref<!tpu.dma_semaphore, #tpu.memory_space<semaphore_mem>>) src(%dma_wait3A_1585 : memref<200x128xf32, #tpu.memory_space<vmem>>) dst(%dma_wait3A_1581 : memref<200x128xf32, #tpu.memory_space<hbm>>)
      %dma_start3A_1586 = arith.constant 2 : i32
      %dma_start3A_1587 = arith.constant 0 : i32
      %dma_start3A_1588 = arith.constant 0 : i32
      %dma_start3A_1589 = tpu.memref_slice %arg12[%dma_start3A_1586, %dma_start3A_1587, %dma_start3A_1588] : memref<5x200x128xf32, #tpu.memory_space<vmem>> -> memref<1x200x128xf32, #tpu.memory_space<vmem>>
      %dma_start3A_1590 = tpu.memref_squeeze %dma_start3A_1589 : memref<1x200x128xf32, #tpu.memory_space<vmem>> -> memref<200x128xf32, #tpu.memory_space<vmem>>
      %dma_start3A_1591 = arith.constant 0 : i32
      %dma_start3A_1592 = arith.constant 0 : i32
      %dma_start3A_1593 = tpu.memref_slice %arg12[%dma_start3A_1586, %dma_start3A_1591, %dma_start3A_1592] : memref<5x200x128xf32, #tpu.memory_space<vmem>> -> memref<1x200x128xf32, #tpu.memory_space<vmem>>
      %dma_start3A_1594 = tpu.memref_squeeze %dma_start3A_1593 : memref<1x200x128xf32, #tpu.memory_space<vmem>> -> memref<200x128xf32, #tpu.memory_space<vmem>>
      tpu.enqueue_dma source(%arg6 : memref<200x128xf32, #tpu.memory_space<vmem_shared>>) target(%dma_start3A_1594 : memref<200x128xf32, #tpu.memory_space<vmem>>) target_semaphore(%arg21 : memref<!tpu.dma_semaphore, #tpu.memory_space<semaphore_mem>>)
      %add3A_1595 = arith.constant 4 : i32
      %add3A_1596 = arith.addi %add3A_1505, %add3A_1595 : i32
      %mul3A_1597 = arith.constant 200 : i32
      %mul3A_1598 = arith.muli %add3A_1596, %mul3A_1597 : i32
      %add3A_1599 = arith.addi %mul3A_4, %mul3A_1598 : i32
      %dma_start3A_1600 = tpu.memref_slice %arg2[%add3A_1599] : memref<819200xi32, #tpu.memory_space<hbm>> -> memref<200xi32, #tpu.memory_space<hbm>>
      %dma_start3A_1601 = tpu.memref_slice %arg2[%add3A_1599] : memref<819200xi32, #tpu.memory_space<hbm>> -> memref<200xi32, #tpu.memory_space<hbm>>
      tpu.enqueue_dma source(%dma_start3A_1601 : memref<200xi32, #tpu.memory_space<hbm>>) target(%arg9 : memref<200xi32, #tpu.memory_space<vmem>>) target_semaphore(%arg26 : memref<!tpu.dma_semaphore, #tpu.memory_space<semaphore_mem>>)
      %add3A_1602 = arith.constant 4 : i32
      %add3A_1603 = arith.addi %add3A_1209, %add3A_1602 : i32
      %dma_wait3A_1604 = arith.constant 4 : i32
      %dma_wait3A_1605 = arith.constant 0 : i32
      %dma_wait3A_1606 = arith.constant 0 : i32
      %dma_wait3A_1607 = tpu.memref_slice %arg12[%dma_wait3A_1604, %dma_wait3A_1605, %dma_wait3A_1606] : memref<5x200x128xf32, #tpu.memory_space<vmem>> -> memref<1x128x128xf32, #tpu.memory_space<vmem>>
      %dma_wait3A_1608 = tpu.memref_squeeze %dma_wait3A_1607 : memref<1x128x128xf32, #tpu.memory_space<vmem>> -> memref<128x128xf32, #tpu.memory_space<vmem>>
      %dma_wait3A_1609 = arith.constant 0 : i32
      %dma_wait3A_1610 = tpu.memref_slice %arg11[%dma_wait3A_1609] : memref<200xi32, #tpu.memory_space<vmem>> -> memref<128xi32, #tpu.memory_space<vmem>>
      %dma_wait3A_1611 = arith.constant 0 : i32
      %dma_wait3A_1612 = arith.constant 0 : i32
      %dma_wait3A_1613 = tpu.memref_slice %arg3[%dma_wait3A_1611, %dma_wait3A_1612] : memref<100000x128xf32, #tpu.memory_space<hbm>> -> memref<100000x128xf32, #tpu.memory_space<hbm>>
      tpu.wait_indirect_dma semaphore(%arg13 : memref<!tpu.dma_semaphore, #tpu.memory_space<semaphore_mem>>) src(%dma_wait3A_1613 : memref<100000x128xf32, #tpu.memory_space<hbm>>) dst(%dma_wait3A_1608 : memref<128x128xf32, #tpu.memory_space<vmem>>)
      %dma_wait3A_1614 = arith.constant 4 : i32
      %dma_wait3A_1615 = arith.constant 128 : i32
      %dma_wait3A_1616 = arith.constant 0 : i32
      %dma_wait3A_1617 = tpu.memref_slice %arg12[%dma_wait3A_1614, %dma_wait3A_1615, %dma_wait3A_1616] : memref<5x200x128xf32, #tpu.memory_space<vmem>> -> memref<1x72x128xf32, #tpu.memory_space<vmem>>
      %dma_wait3A_1618 = tpu.memref_squeeze %dma_wait3A_1617 : memref<1x72x128xf32, #tpu.memory_space<vmem>> -> memref<72x128xf32, #tpu.memory_space<vmem>>
      %dma_wait3A_1619 = arith.constant 0 : i32
      %dma_wait3A_1620 = tpu.memref_slice %arg11[%dma_wait3A_1619] : memref<200xi32, #tpu.memory_space<vmem>> -> memref<72xi32, #tpu.memory_space<vmem>>
      %dma_wait3A_1621 = arith.constant 0 : i32
      %dma_wait3A_1622 = arith.constant 0 : i32
      %dma_wait3A_1623 = tpu.memref_slice %arg3[%dma_wait3A_1621, %dma_wait3A_1622] : memref<100000x128xf32, #tpu.memory_space<hbm>> -> memref<100000x128xf32, #tpu.memory_space<hbm>>
      tpu.wait_indirect_dma semaphore(%arg13 : memref<!tpu.dma_semaphore, #tpu.memory_space<semaphore_mem>>) src(%dma_wait3A_1623 : memref<100000x128xf32, #tpu.memory_space<hbm>>) dst(%dma_wait3A_1618 : memref<72x128xf32, #tpu.memory_space<vmem>>)
      %mul3A_1624 = arith.constant 200 : i32
      %mul3A_1625 = arith.muli %add3A_1603, %mul3A_1624 : i32
      %add3A_1626 = arith.addi %mul3A_4, %mul3A_1625 : i32
      %dma_start3A_1627 = arith.constant 4 : i32
      %dma_start3A_1628 = arith.constant 0 : i32
      %dma_start3A_1629 = arith.constant 0 : i32
      %dma_start3A_1630 = tpu.memref_slice %arg12[%dma_start3A_1627, %dma_start3A_1628, %dma_start3A_1629] : memref<5x200x128xf32, #tpu.memory_space<vmem>> -> memref<1x200x128xf32, #tpu.memory_space<vmem>>
      %dma_start3A_1631 = tpu.memref_squeeze %dma_start3A_1630 : memref<1x200x128xf32, #tpu.memory_space<vmem>> -> memref<200x128xf32, #tpu.memory_space<vmem>>
      %dma_start3A_1632 = arith.constant 0 : i32
      %dma_start3A_1633 = tpu.memref_slice %arg5[%add3A_1626, %dma_start3A_1632] : memref<819200x128xf32, #tpu.memory_space<hbm>> -> memref<200x128xf32, #tpu.memory_space<hbm>>
      %dma_start3A_1634 = arith.constant 0 : i32
      %dma_start3A_1635 = tpu.memref_slice %arg5[%add3A_1626, %dma_start3A_1634] : memref<819200x128xf32, #tpu.memory_space<hbm>> -> memref<200x128xf32, #tpu.memory_space<hbm>>
      %dma_start3A_1636 = arith.constant 0 : i32
      %dma_start3A_1637 = arith.constant 0 : i32
      %dma_start3A_1638 = tpu.memref_slice %arg12[%dma_start3A_1627, %dma_start3A_1636, %dma_start3A_1637] : memref<5x200x128xf32, #tpu.memory_space<vmem>> -> memref<1x200x128xf32, #tpu.memory_space<vmem>>
      %dma_start3A_1639 = tpu.memref_squeeze %dma_start3A_1638 : memref<1x200x128xf32, #tpu.memory_space<vmem>> -> memref<200x128xf32, #tpu.memory_space<vmem>>
      tpu.enqueue_dma source(%dma_start3A_1639 : memref<200x128xf32, #tpu.memory_space<vmem>>) target(%dma_start3A_1635 : memref<200x128xf32, #tpu.memory_space<hbm>>) target_semaphore(%arg18 : memref<!tpu.dma_semaphore, #tpu.memory_space<semaphore_mem>>)
      %dma_wait3A_1640 = arith.constant 2 : i32
      %dma_wait3A_1641 = arith.constant 0 : i32
      %dma_wait3A_1642 = arith.constant 0 : i32
      %dma_wait3A_1643 = tpu.memref_slice %arg12[%dma_wait3A_1640, %dma_wait3A_1641, %dma_wait3A_1642] : memref<5x200x128xf32, #tpu.memory_space<vmem>> -> memref<1x200x128xf32, #tpu.memory_space<vmem>>
      %dma_wait3A_1644 = tpu.memref_squeeze %dma_wait3A_1643 : memref<1x200x128xf32, #tpu.memory_space<vmem>> -> memref<200x128xf32, #tpu.memory_space<vmem>>
      %dma_wait3A_1645 = arith.constant 0 : i32
      %dma_wait3A_1646 = arith.constant 0 : i32
      %dma_wait3A_1647 = tpu.memref_slice %arg12[%dma_wait3A_1640, %dma_wait3A_1645, %dma_wait3A_1646] : memref<5x200x128xf32, #tpu.memory_space<vmem>> -> memref<1x200x128xf32, #tpu.memory_space<vmem>>
      %dma_wait3A_1648 = tpu.memref_squeeze %dma_wait3A_1647 : memref<1x200x128xf32, #tpu.memory_space<vmem>> -> memref<200x128xf32, #tpu.memory_space<vmem>>
      tpu.wait_dma2 semaphore(%arg21 : memref<!tpu.dma_semaphore, #tpu.memory_space<semaphore_mem>>) src(%arg6 : memref<200x128xf32, #tpu.memory_space<vmem_shared>>) dst(%dma_wait3A_1648 : memref<200x128xf32, #tpu.memory_space<vmem>>)
      %dma_wait3A_1649 = tpu.memref_slice %arg2[%mul3A_4] : memref<819200xi32, #tpu.memory_space<hbm>> -> memref<200xi32, #tpu.memory_space<hbm>>
      %dma_wait3A_1650 = tpu.memref_slice %arg2[%mul3A_4] : memref<819200xi32, #tpu.memory_space<hbm>> -> memref<200xi32, #tpu.memory_space<hbm>>
      tpu.wait_dma2 semaphore(%arg26 : memref<!tpu.dma_semaphore, #tpu.memory_space<semaphore_mem>>) src(%dma_wait3A_1650 : memref<200xi32, #tpu.memory_space<hbm>>) dst(%arg9 : memref<200xi32, #tpu.memory_space<vmem>>)
      %dma_start3A_1651 = arith.constant 2 : i32
      %dma_start3A_1652 = arith.constant 0 : i32
      %dma_start3A_1653 = arith.constant 0 : i32
      %dma_start3A_1654 = tpu.memref_slice %arg12[%dma_start3A_1651, %dma_start3A_1652, %dma_start3A_1653] : memref<5x200x128xf32, #tpu.memory_space<vmem>> -> memref<1x128x128xf32, #tpu.memory_space<vmem>>
      %dma_start3A_1655 = tpu.memref_squeeze %dma_start3A_1654 : memref<1x128x128xf32, #tpu.memory_space<vmem>> -> memref<128x128xf32, #tpu.memory_space<vmem>>
      %dma_start3A_1656 = arith.constant 0 : i32
      %dma_start3A_1657 = tpu.memref_slice %arg9[%dma_start3A_1656] : memref<200xi32, #tpu.memory_space<vmem>> -> memref<128xi32, #tpu.memory_space<vmem>>
      %dma_start3A_1658 = arith.constant 0 : i32
      %dma_start3A_1659 = arith.constant 0 : i32
      %dma_start3A_1660 = tpu.memref_slice %arg3[%dma_start3A_1658, %dma_start3A_1659] : memref<100000x128xf32, #tpu.memory_space<hbm>> -> memref<100000x128xf32, #tpu.memory_space<hbm>>
      tpu.enqueue_indirect_dma source(%dma_start3A_1660 : memref<100000x128xf32, #tpu.memory_space<hbm>>) target(%dma_start3A_1655 : memref<128x128xf32, #tpu.memory_space<vmem>>) offsets(%dma_start3A_1657 : memref<128xi32, #tpu.memory_space<vmem>>) semaphore(%arg13 : memref<!tpu.dma_semaphore, #tpu.memory_space<semaphore_mem>>) {add = true}
      %dma_start3A_1661 = arith.constant 2 : i32
      %dma_start3A_1662 = arith.constant 128 : i32
      %dma_start3A_1663 = arith.constant 0 : i32
      %dma_start3A_1664 = tpu.memref_slice %arg12[%dma_start3A_1661, %dma_start3A_1662, %dma_start3A_1663] : memref<5x200x128xf32, #tpu.memory_space<vmem>> -> memref<1x72x128xf32, #tpu.memory_space<vmem>>
      %dma_start3A_1665 = tpu.memref_squeeze %dma_start3A_1664 : memref<1x72x128xf32, #tpu.memory_space<vmem>> -> memref<72x128xf32, #tpu.memory_space<vmem>>
      %dma_start3A_1666 = arith.constant 128 : i32
      %dma_start3A_1667 = tpu.memref_slice %arg9[%dma_start3A_1666] : memref<200xi32, #tpu.memory_space<vmem>> -> memref<72xi32, #tpu.memory_space<vmem>>
      %dma_start3A_1668 = arith.constant 0 : i32
      %dma_start3A_1669 = arith.constant 0 : i32
      %dma_start3A_1670 = tpu.memref_slice %arg3[%dma_start3A_1668, %dma_start3A_1669] : memref<100000x128xf32, #tpu.memory_space<hbm>> -> memref<100000x128xf32, #tpu.memory_space<hbm>>
      tpu.enqueue_indirect_dma source(%dma_start3A_1670 : memref<100000x128xf32, #tpu.memory_space<hbm>>) target(%dma_start3A_1665 : memref<72x128xf32, #tpu.memory_space<vmem>>) offsets(%dma_start3A_1667 : memref<72xi32, #tpu.memory_space<vmem>>) semaphore(%arg13 : memref<!tpu.dma_semaphore, #tpu.memory_space<semaphore_mem>>) {add = true}
      %dma_wait3A_1671 = arith.constant 3 : i32
      %dma_wait3A_1672 = arith.constant 0 : i32
      %dma_wait3A_1673 = arith.constant 0 : i32
      %dma_wait3A_1674 = tpu.memref_slice %arg12[%dma_wait3A_1671, %dma_wait3A_1672, %dma_wait3A_1673] : memref<5x200x128xf32, #tpu.memory_space<vmem>> -> memref<1x200x128xf32, #tpu.memory_space<vmem>>
      %dma_wait3A_1675 = tpu.memref_squeeze %dma_wait3A_1674 : memref<1x200x128xf32, #tpu.memory_space<vmem>> -> memref<200x128xf32, #tpu.memory_space<vmem>>
      %dma_wait3A_1676 = arith.constant 0 : i32
      %dma_wait3A_1677 = tpu.memref_slice %arg5[%mul3A_4, %dma_wait3A_1676] : memref<819200x128xf32, #tpu.memory_space<hbm>> -> memref<200x128xf32, #tpu.memory_space<hbm>>
      %dma_wait3A_1678 = arith.constant 0 : i32
      %dma_wait3A_1679 = tpu.memref_slice %arg5[%mul3A_4, %dma_wait3A_1678] : memref<819200x128xf32, #tpu.memory_space<hbm>> -> memref<200x128xf32, #tpu.memory_space<hbm>>
      %dma_wait3A_1680 = arith.constant 0 : i32
      %dma_wait3A_1681 = arith.constant 0 : i32
      %dma_wait3A_1682 = tpu.memref_slice %arg12[%dma_wait3A_1671, %dma_wait3A_1680, %dma_wait3A_1681] : memref<5x200x128xf32, #tpu.memory_space<vmem>> -> memref<1x200x128xf32, #tpu.memory_space<vmem>>
      %dma_wait3A_1683 = tpu.memref_squeeze %dma_wait3A_1682 : memref<1x200x128xf32, #tpu.memory_space<vmem>> -> memref<200x128xf32, #tpu.memory_space<vmem>>
      tpu.wait_dma2 semaphore(%arg17 : memref<!tpu.dma_semaphore, #tpu.memory_space<semaphore_mem>>) src(%dma_wait3A_1683 : memref<200x128xf32, #tpu.memory_space<vmem>>) dst(%dma_wait3A_1679 : memref<200x128xf32, #tpu.memory_space<hbm>>)
      %dma_start3A_1684 = arith.constant 3 : i32
      %dma_start3A_1685 = arith.constant 0 : i32
      %dma_start3A_1686 = arith.constant 0 : i32
      %dma_start3A_1687 = tpu.memref_slice %arg12[%dma_start3A_1684, %dma_start3A_1685, %dma_start3A_1686] : memref<5x200x128xf32, #tpu.memory_space<vmem>> -> memref<1x200x128xf32, #tpu.memory_space<vmem>>
      %dma_start3A_1688 = tpu.memref_squeeze %dma_start3A_1687 : memref<1x200x128xf32, #tpu.memory_space<vmem>> -> memref<200x128xf32, #tpu.memory_space<vmem>>
      %dma_start3A_1689 = arith.constant 0 : i32
      %dma_start3A_1690 = arith.constant 0 : i32
      %dma_start3A_1691 = tpu.memref_slice %arg12[%dma_start3A_1684, %dma_start3A_1689, %dma_start3A_1690] : memref<5x200x128xf32, #tpu.memory_space<vmem>> -> memref<1x200x128xf32, #tpu.memory_space<vmem>>
      %dma_start3A_1692 = tpu.memref_squeeze %dma_start3A_1691 : memref<1x200x128xf32, #tpu.memory_space<vmem>> -> memref<200x128xf32, #tpu.memory_space<vmem>>
      tpu.enqueue_dma source(%arg6 : memref<200x128xf32, #tpu.memory_space<vmem_shared>>) target(%dma_start3A_1692 : memref<200x128xf32, #tpu.memory_space<vmem>>) target_semaphore(%arg22 : memref<!tpu.dma_semaphore, #tpu.memory_space<semaphore_mem>>)
      %add3A_1693 = arith.constant 4 : i32
      %add3A_1694 = arith.addi %add3A_1603, %add3A_1693 : i32
      %mul3A_1695 = arith.constant 200 : i32
      %mul3A_1696 = arith.muli %add3A_1694, %mul3A_1695 : i32
      %add3A_1697 = arith.addi %mul3A_4, %mul3A_1696 : i32
      %dma_start3A_1698 = tpu.memref_slice %arg2[%add3A_1697] : memref<819200xi32, #tpu.memory_space<hbm>> -> memref<200xi32, #tpu.memory_space<hbm>>
      %dma_start3A_1699 = tpu.memref_slice %arg2[%add3A_1697] : memref<819200xi32, #tpu.memory_space<hbm>> -> memref<200xi32, #tpu.memory_space<hbm>>
      tpu.enqueue_dma source(%dma_start3A_1699 : memref<200xi32, #tpu.memory_space<hbm>>) target(%arg10 : memref<200xi32, #tpu.memory_space<vmem>>) target_semaphore(%arg27 : memref<!tpu.dma_semaphore, #tpu.memory_space<semaphore_mem>>)
    }
    %scan3A_600 = arith.constant 23 : i32
    %dma_wait3A_601 = arith.constant 0 : i32
    %dma_wait3A_602 = arith.constant 0 : i32
    %dma_wait3A_603 = arith.constant 0 : i32
    %dma_wait3A_604 = tpu.memref_slice %arg12[%dma_wait3A_601, %dma_wait3A_602, %dma_wait3A_603] : memref<5x200x128xf32, #tpu.memory_space<vmem>> -> memref<1x128x128xf32, #tpu.memory_space<vmem>>
    %dma_wait3A_605 = tpu.memref_squeeze %dma_wait3A_604 : memref<1x128x128xf32, #tpu.memory_space<vmem>> -> memref<128x128xf32, #tpu.memory_space<vmem>>
    %dma_wait3A_606 = arith.constant 0 : i32
    %dma_wait3A_607 = tpu.memref_slice %arg7[%dma_wait3A_606] : memref<200xi32, #tpu.memory_space<vmem>> -> memref<128xi32, #tpu.memory_space<vmem>>
    %dma_wait3A_608 = arith.constant 0 : i32
    %dma_wait3A_609 = arith.constant 0 : i32
    %dma_wait3A_610 = tpu.memref_slice %arg3[%dma_wait3A_608, %dma_wait3A_609] : memref<100000x128xf32, #tpu.memory_space<hbm>> -> memref<100000x128xf32, #tpu.memory_space<hbm>>
    tpu.wait_indirect_dma semaphore(%arg13 : memref<!tpu.dma_semaphore, #tpu.memory_space<semaphore_mem>>) src(%dma_wait3A_610 : memref<100000x128xf32, #tpu.memory_space<hbm>>) dst(%dma_wait3A_605 : memref<128x128xf32, #tpu.memory_space<vmem>>)
    %dma_wait3A_611 = arith.constant 0 : i32
    %dma_wait3A_612 = arith.constant 128 : i32
    %dma_wait3A_613 = arith.constant 0 : i32
    %dma_wait3A_614 = tpu.memref_slice %arg12[%dma_wait3A_611, %dma_wait3A_612, %dma_wait3A_613] : memref<5x200x128xf32, #tpu.memory_space<vmem>> -> memref<1x72x128xf32, #tpu.memory_space<vmem>>
    %dma_wait3A_615 = tpu.memref_squeeze %dma_wait3A_614 : memref<1x72x128xf32, #tpu.memory_space<vmem>> -> memref<72x128xf32, #tpu.memory_space<vmem>>
    %dma_wait3A_616 = arith.constant 0 : i32
    %dma_wait3A_617 = tpu.memref_slice %arg7[%dma_wait3A_616] : memref<200xi32, #tpu.memory_space<vmem>> -> memref<72xi32, #tpu.memory_space<vmem>>
    %dma_wait3A_618 = arith.constant 0 : i32
    %dma_wait3A_619 = arith.constant 0 : i32
    %dma_wait3A_620 = tpu.memref_slice %arg3[%dma_wait3A_618, %dma_wait3A_619] : memref<100000x128xf32, #tpu.memory_space<hbm>> -> memref<100000x128xf32, #tpu.memory_space<hbm>>
    tpu.wait_indirect_dma semaphore(%arg13 : memref<!tpu.dma_semaphore, #tpu.memory_space<semaphore_mem>>) src(%dma_wait3A_620 : memref<100000x128xf32, #tpu.memory_space<hbm>>) dst(%dma_wait3A_615 : memref<72x128xf32, #tpu.memory_space<vmem>>)
    %add3A_621 = arith.constant 24000 : i32
    %add3A_622 = arith.addi %mul3A_4, %add3A_621 : i32
    %dma_start3A_623 = arith.constant 0 : i32
    %dma_start3A_624 = arith.constant 0 : i32
    %dma_start3A_625 = arith.constant 0 : i32
    %dma_start3A_626 = tpu.memref_slice %arg12[%dma_start3A_623, %dma_start3A_624, %dma_start3A_625] : memref<5x200x128xf32, #tpu.memory_space<vmem>> -> memref<1x200x128xf32, #tpu.memory_space<vmem>>
    %dma_start3A_627 = tpu.memref_squeeze %dma_start3A_626 : memref<1x200x128xf32, #tpu.memory_space<vmem>> -> memref<200x128xf32, #tpu.memory_space<vmem>>
    %dma_start3A_628 = arith.constant 0 : i32
    %dma_start3A_629 = tpu.memref_slice %arg5[%add3A_622, %dma_start3A_628] : memref<819200x128xf32, #tpu.memory_space<hbm>> -> memref<200x128xf32, #tpu.memory_space<hbm>>
    %dma_start3A_630 = arith.constant 0 : i32
    %dma_start3A_631 = tpu.memref_slice %arg5[%add3A_622, %dma_start3A_630] : memref<819200x128xf32, #tpu.memory_space<hbm>> -> memref<200x128xf32, #tpu.memory_space<hbm>>
    %dma_start3A_632 = arith.constant 0 : i32
    %dma_start3A_633 = arith.constant 0 : i32
    %dma_start3A_634 = tpu.memref_slice %arg12[%dma_start3A_623, %dma_start3A_632, %dma_start3A_633] : memref<5x200x128xf32, #tpu.memory_space<vmem>> -> memref<1x200x128xf32, #tpu.memory_space<vmem>>
    %dma_start3A_635 = tpu.memref_squeeze %dma_start3A_634 : memref<1x200x128xf32, #tpu.memory_space<vmem>> -> memref<200x128xf32, #tpu.memory_space<vmem>>
    tpu.enqueue_dma source(%dma_start3A_635 : memref<200x128xf32, #tpu.memory_space<vmem>>) target(%dma_start3A_631 : memref<200x128xf32, #tpu.memory_space<hbm>>) target_semaphore(%arg14 : memref<!tpu.dma_semaphore, #tpu.memory_space<semaphore_mem>>)
    %dma_wait3A_636 = arith.constant 3 : i32
    %dma_wait3A_637 = arith.constant 0 : i32
    %dma_wait3A_638 = arith.constant 0 : i32
    %dma_wait3A_639 = tpu.memref_slice %arg12[%dma_wait3A_636, %dma_wait3A_637, %dma_wait3A_638] : memref<5x200x128xf32, #tpu.memory_space<vmem>> -> memref<1x200x128xf32, #tpu.memory_space<vmem>>
    %dma_wait3A_640 = tpu.memref_squeeze %dma_wait3A_639 : memref<1x200x128xf32, #tpu.memory_space<vmem>> -> memref<200x128xf32, #tpu.memory_space<vmem>>
    %dma_wait3A_641 = arith.constant 0 : i32
    %dma_wait3A_642 = arith.constant 0 : i32
    %dma_wait3A_643 = tpu.memref_slice %arg12[%dma_wait3A_636, %dma_wait3A_641, %dma_wait3A_642] : memref<5x200x128xf32, #tpu.memory_space<vmem>> -> memref<1x200x128xf32, #tpu.memory_space<vmem>>
    %dma_wait3A_644 = tpu.memref_squeeze %dma_wait3A_643 : memref<1x200x128xf32, #tpu.memory_space<vmem>> -> memref<200x128xf32, #tpu.memory_space<vmem>>
    tpu.wait_dma2 semaphore(%arg22 : memref<!tpu.dma_semaphore, #tpu.memory_space<semaphore_mem>>) src(%arg6 : memref<200x128xf32, #tpu.memory_space<vmem_shared>>) dst(%dma_wait3A_644 : memref<200x128xf32, #tpu.memory_space<vmem>>)
    %dma_wait3A_645 = tpu.memref_slice %arg2[%mul3A_4] : memref<819200xi32, #tpu.memory_space<hbm>> -> memref<200xi32, #tpu.memory_space<hbm>>
    %dma_wait3A_646 = tpu.memref_slice %arg2[%mul3A_4] : memref<819200xi32, #tpu.memory_space<hbm>> -> memref<200xi32, #tpu.memory_space<hbm>>
    tpu.wait_dma2 semaphore(%arg27 : memref<!tpu.dma_semaphore, #tpu.memory_space<semaphore_mem>>) src(%dma_wait3A_646 : memref<200xi32, #tpu.memory_space<hbm>>) dst(%arg10 : memref<200xi32, #tpu.memory_space<vmem>>)
    %dma_start3A_647 = arith.constant 3 : i32
    %dma_start3A_648 = arith.constant 0 : i32
    %dma_start3A_649 = arith.constant 0 : i32
    %dma_start3A_650 = tpu.memref_slice %arg12[%dma_start3A_647, %dma_start3A_648, %dma_start3A_649] : memref<5x200x128xf32, #tpu.memory_space<vmem>> -> memref<1x128x128xf32, #tpu.memory_space<vmem>>
    %dma_start3A_651 = tpu.memref_squeeze %dma_start3A_650 : memref<1x128x128xf32, #tpu.memory_space<vmem>> -> memref<128x128xf32, #tpu.memory_space<vmem>>
    %dma_start3A_652 = arith.constant 0 : i32
    %dma_start3A_653 = tpu.memref_slice %arg10[%dma_start3A_652] : memref<200xi32, #tpu.memory_space<vmem>> -> memref<128xi32, #tpu.memory_space<vmem>>
    %dma_start3A_654 = arith.constant 0 : i32
    %dma_start3A_655 = arith.constant 0 : i32
    %dma_start3A_656 = tpu.memref_slice %arg3[%dma_start3A_654, %dma_start3A_655] : memref<100000x128xf32, #tpu.memory_space<hbm>> -> memref<100000x128xf32, #tpu.memory_space<hbm>>
    tpu.enqueue_indirect_dma source(%dma_start3A_656 : memref<100000x128xf32, #tpu.memory_space<hbm>>) target(%dma_start3A_651 : memref<128x128xf32, #tpu.memory_space<vmem>>) offsets(%dma_start3A_653 : memref<128xi32, #tpu.memory_space<vmem>>) semaphore(%arg13 : memref<!tpu.dma_semaphore, #tpu.memory_space<semaphore_mem>>) {add = true}
    %dma_start3A_657 = arith.constant 3 : i32
    %dma_start3A_658 = arith.constant 128 : i32
    %dma_start3A_659 = arith.constant 0 : i32
    %dma_start3A_660 = tpu.memref_slice %arg12[%dma_start3A_657, %dma_start3A_658, %dma_start3A_659] : memref<5x200x128xf32, #tpu.memory_space<vmem>> -> memref<1x72x128xf32, #tpu.memory_space<vmem>>
    %dma_start3A_661 = tpu.memref_squeeze %dma_start3A_660 : memref<1x72x128xf32, #tpu.memory_space<vmem>> -> memref<72x128xf32, #tpu.memory_space<vmem>>
    %dma_start3A_662 = arith.constant 128 : i32
    %dma_start3A_663 = tpu.memref_slice %arg10[%dma_start3A_662] : memref<200xi32, #tpu.memory_space<vmem>> -> memref<72xi32, #tpu.memory_space<vmem>>
    %dma_start3A_664 = arith.constant 0 : i32
    %dma_start3A_665 = arith.constant 0 : i32
    %dma_start3A_666 = tpu.memref_slice %arg3[%dma_start3A_664, %dma_start3A_665] : memref<100000x128xf32, #tpu.memory_space<hbm>> -> memref<100000x128xf32, #tpu.memory_space<hbm>>
    tpu.enqueue_indirect_dma source(%dma_start3A_666 : memref<100000x128xf32, #tpu.memory_space<hbm>>) target(%dma_start3A_661 : memref<72x128xf32, #tpu.memory_space<vmem>>) offsets(%dma_start3A_663 : memref<72xi32, #tpu.memory_space<vmem>>) semaphore(%arg13 : memref<!tpu.dma_semaphore, #tpu.memory_space<semaphore_mem>>) {add = true}
    %dma_wait3A_667 = arith.constant 4 : i32
    %dma_wait3A_668 = arith.constant 0 : i32
    %dma_wait3A_669 = arith.constant 0 : i32
    %dma_wait3A_670 = tpu.memref_slice %arg12[%dma_wait3A_667, %dma_wait3A_668, %dma_wait3A_669] : memref<5x200x128xf32, #tpu.memory_space<vmem>> -> memref<1x200x128xf32, #tpu.memory_space<vmem>>
    %dma_wait3A_671 = tpu.memref_squeeze %dma_wait3A_670 : memref<1x200x128xf32, #tpu.memory_space<vmem>> -> memref<200x128xf32, #tpu.memory_space<vmem>>
    %dma_wait3A_672 = arith.constant 0 : i32
    %dma_wait3A_673 = tpu.memref_slice %arg5[%mul3A_4, %dma_wait3A_672] : memref<819200x128xf32, #tpu.memory_space<hbm>> -> memref<200x128xf32, #tpu.memory_space<hbm>>
    %dma_wait3A_674 = arith.constant 0 : i32
    %dma_wait3A_675 = tpu.memref_slice %arg5[%mul3A_4, %dma_wait3A_674] : memref<819200x128xf32, #tpu.memory_space<hbm>> -> memref<200x128xf32, #tpu.memory_space<hbm>>
    %dma_wait3A_676 = arith.constant 0 : i32
    %dma_wait3A_677 = arith.constant 0 : i32
    %dma_wait3A_678 = tpu.memref_slice %arg12[%dma_wait3A_667, %dma_wait3A_676, %dma_wait3A_677] : memref<5x200x128xf32, #tpu.memory_space<vmem>> -> memref<1x200x128xf32, #tpu.memory_space<vmem>>
    %dma_wait3A_679 = tpu.memref_squeeze %dma_wait3A_678 : memref<1x200x128xf32, #tpu.memory_space<vmem>> -> memref<200x128xf32, #tpu.memory_space<vmem>>
    tpu.wait_dma2 semaphore(%arg18 : memref<!tpu.dma_semaphore, #tpu.memory_space<semaphore_mem>>) src(%dma_wait3A_679 : memref<200x128xf32, #tpu.memory_space<vmem>>) dst(%dma_wait3A_675 : memref<200x128xf32, #tpu.memory_space<hbm>>)
    %dma_start3A_680 = arith.constant 4 : i32
    %dma_start3A_681 = arith.constant 0 : i32
    %dma_start3A_682 = arith.constant 0 : i32
    %dma_start3A_683 = tpu.memref_slice %arg12[%dma_start3A_680, %dma_start3A_681, %dma_start3A_682] : memref<5x200x128xf32, #tpu.memory_space<vmem>> -> memref<1x200x128xf32, #tpu.memory_space<vmem>>
    %dma_start3A_684 = tpu.memref_squeeze %dma_start3A_683 : memref<1x200x128xf32, #tpu.memory_space<vmem>> -> memref<200x128xf32, #tpu.memory_space<vmem>>
    %dma_start3A_685 = arith.constant 0 : i32
    %dma_start3A_686 = arith.constant 0 : i32
    %dma_start3A_687 = tpu.memref_slice %arg12[%dma_start3A_680, %dma_start3A_685, %dma_start3A_686] : memref<5x200x128xf32, #tpu.memory_space<vmem>> -> memref<1x200x128xf32, #tpu.memory_space<vmem>>
    %dma_start3A_688 = tpu.memref_squeeze %dma_start3A_687 : memref<1x200x128xf32, #tpu.memory_space<vmem>> -> memref<200x128xf32, #tpu.memory_space<vmem>>
    tpu.enqueue_dma source(%arg6 : memref<200x128xf32, #tpu.memory_space<vmem_shared>>) target(%dma_start3A_688 : memref<200x128xf32, #tpu.memory_space<vmem>>) target_semaphore(%arg23 : memref<!tpu.dma_semaphore, #tpu.memory_space<semaphore_mem>>)
    %add3A_689 = arith.constant 24800 : i32
    %add3A_690 = arith.addi %mul3A_4, %add3A_689 : i32
    %dma_start3A_691 = tpu.memref_slice %arg2[%add3A_690] : memref<819200xi32, #tpu.memory_space<hbm>> -> memref<200xi32, #tpu.memory_space<hbm>>
    %dma_start3A_692 = tpu.memref_slice %arg2[%add3A_690] : memref<819200xi32, #tpu.memory_space<hbm>> -> memref<200xi32, #tpu.memory_space<hbm>>
    tpu.enqueue_dma source(%dma_start3A_692 : memref<200xi32, #tpu.memory_space<hbm>>) target(%arg11 : memref<200xi32, #tpu.memory_space<vmem>>) target_semaphore(%arg28 : memref<!tpu.dma_semaphore, #tpu.memory_space<semaphore_mem>>)
    %dma_wait3A_693 = arith.constant 1 : i32
    %dma_wait3A_694 = arith.constant 0 : i32
    %dma_wait3A_695 = arith.constant 0 : i32
    %dma_wait3A_696 = tpu.memref_slice %arg12[%dma_wait3A_693, %dma_wait3A_694, %dma_wait3A_695] : memref<5x200x128xf32, #tpu.memory_space<vmem>> -> memref<1x128x128xf32, #tpu.memory_space<vmem>>
    %dma_wait3A_697 = tpu.memref_squeeze %dma_wait3A_696 : memref<1x128x128xf32, #tpu.memory_space<vmem>> -> memref<128x128xf32, #tpu.memory_space<vmem>>
    %dma_wait3A_698 = arith.constant 0 : i32
    %dma_wait3A_699 = tpu.memref_slice %arg8[%dma_wait3A_698] : memref<200xi32, #tpu.memory_space<vmem>> -> memref<128xi32, #tpu.memory_space<vmem>>
    %dma_wait3A_700 = arith.constant 0 : i32
    %dma_wait3A_701 = arith.constant 0 : i32
    %dma_wait3A_702 = tpu.memref_slice %arg3[%dma_wait3A_700, %dma_wait3A_701] : memref<100000x128xf32, #tpu.memory_space<hbm>> -> memref<100000x128xf32, #tpu.memory_space<hbm>>
    tpu.wait_indirect_dma semaphore(%arg13 : memref<!tpu.dma_semaphore, #tpu.memory_space<semaphore_mem>>) src(%dma_wait3A_702 : memref<100000x128xf32, #tpu.memory_space<hbm>>) dst(%dma_wait3A_697 : memref<128x128xf32, #tpu.memory_space<vmem>>)
    %dma_wait3A_703 = arith.constant 1 : i32
    %dma_wait3A_704 = arith.constant 128 : i32
    %dma_wait3A_705 = arith.constant 0 : i32
    %dma_wait3A_706 = tpu.memref_slice %arg12[%dma_wait3A_703, %dma_wait3A_704, %dma_wait3A_705] : memref<5x200x128xf32, #tpu.memory_space<vmem>> -> memref<1x72x128xf32, #tpu.memory_space<vmem>>
    %dma_wait3A_707 = tpu.memref_squeeze %dma_wait3A_706 : memref<1x72x128xf32, #tpu.memory_space<vmem>> -> memref<72x128xf32, #tpu.memory_space<vmem>>
    %dma_wait3A_708 = arith.constant 0 : i32
    %dma_wait3A_709 = tpu.memref_slice %arg8[%dma_wait3A_708] : memref<200xi32, #tpu.memory_space<vmem>> -> memref<72xi32, #tpu.memory_space<vmem>>
    %dma_wait3A_710 = arith.constant 0 : i32
    %dma_wait3A_711 = arith.constant 0 : i32
    %dma_wait3A_712 = tpu.memref_slice %arg3[%dma_wait3A_710, %dma_wait3A_711] : memref<100000x128xf32, #tpu.memory_space<hbm>> -> memref<100000x128xf32, #tpu.memory_space<hbm>>
    tpu.wait_indirect_dma semaphore(%arg13 : memref<!tpu.dma_semaphore, #tpu.memory_space<semaphore_mem>>) src(%dma_wait3A_712 : memref<100000x128xf32, #tpu.memory_space<hbm>>) dst(%dma_wait3A_707 : memref<72x128xf32, #tpu.memory_space<vmem>>)
    %add3A_713 = arith.constant 24200 : i32
    %add3A_714 = arith.addi %mul3A_4, %add3A_713 : i32
    %dma_start3A_715 = arith.constant 1 : i32
    %dma_start3A_716 = arith.constant 0 : i32
    %dma_start3A_717 = arith.constant 0 : i32
    %dma_start3A_718 = tpu.memref_slice %arg12[%dma_start3A_715, %dma_start3A_716, %dma_start3A_717] : memref<5x200x128xf32, #tpu.memory_space<vmem>> -> memref<1x200x128xf32, #tpu.memory_space<vmem>>
    %dma_start3A_719 = tpu.memref_squeeze %dma_start3A_718 : memref<1x200x128xf32, #tpu.memory_space<vmem>> -> memref<200x128xf32, #tpu.memory_space<vmem>>
    %dma_start3A_720 = arith.constant 0 : i32
    %dma_start3A_721 = tpu.memref_slice %arg5[%add3A_714, %dma_start3A_720] : memref<819200x128xf32, #tpu.memory_space<hbm>> -> memref<200x128xf32, #tpu.memory_space<hbm>>
    %dma_start3A_722 = arith.constant 0 : i32
    %dma_start3A_723 = tpu.memref_slice %arg5[%add3A_714, %dma_start3A_722] : memref<819200x128xf32, #tpu.memory_space<hbm>> -> memref<200x128xf32, #tpu.memory_space<hbm>>
    %dma_start3A_724 = arith.constant 0 : i32
    %dma_start3A_725 = arith.constant 0 : i32
    %dma_start3A_726 = tpu.memref_slice %arg12[%dma_start3A_715, %dma_start3A_724, %dma_start3A_725] : memref<5x200x128xf32, #tpu.memory_space<vmem>> -> memref<1x200x128xf32, #tpu.memory_space<vmem>>
    %dma_start3A_727 = tpu.memref_squeeze %dma_start3A_726 : memref<1x200x128xf32, #tpu.memory_space<vmem>> -> memref<200x128xf32, #tpu.memory_space<vmem>>
    tpu.enqueue_dma source(%dma_start3A_727 : memref<200x128xf32, #tpu.memory_space<vmem>>) target(%dma_start3A_723 : memref<200x128xf32, #tpu.memory_space<hbm>>) target_semaphore(%arg15 : memref<!tpu.dma_semaphore, #tpu.memory_space<semaphore_mem>>)
    %dma_wait3A_728 = arith.constant 4 : i32
    %dma_wait3A_729 = arith.constant 0 : i32
    %dma_wait3A_730 = arith.constant 0 : i32
    %dma_wait3A_731 = tpu.memref_slice %arg12[%dma_wait3A_728, %dma_wait3A_729, %dma_wait3A_730] : memref<5x200x128xf32, #tpu.memory_space<vmem>> -> memref<1x200x128xf32, #tpu.memory_space<vmem>>
    %dma_wait3A_732 = tpu.memref_squeeze %dma_wait3A_731 : memref<1x200x128xf32, #tpu.memory_space<vmem>> -> memref<200x128xf32, #tpu.memory_space<vmem>>
    %dma_wait3A_733 = arith.constant 0 : i32
    %dma_wait3A_734 = arith.constant 0 : i32
    %dma_wait3A_735 = tpu.memref_slice %arg12[%dma_wait3A_728, %dma_wait3A_733, %dma_wait3A_734] : memref<5x200x128xf32, #tpu.memory_space<vmem>> -> memref<1x200x128xf32, #tpu.memory_space<vmem>>
    %dma_wait3A_736 = tpu.memref_squeeze %dma_wait3A_735 : memref<1x200x128xf32, #tpu.memory_space<vmem>> -> memref<200x128xf32, #tpu.memory_space<vmem>>
    tpu.wait_dma2 semaphore(%arg23 : memref<!tpu.dma_semaphore, #tpu.memory_space<semaphore_mem>>) src(%arg6 : memref<200x128xf32, #tpu.memory_space<vmem_shared>>) dst(%dma_wait3A_736 : memref<200x128xf32, #tpu.memory_space<vmem>>)
    %dma_wait3A_737 = tpu.memref_slice %arg2[%mul3A_4] : memref<819200xi32, #tpu.memory_space<hbm>> -> memref<200xi32, #tpu.memory_space<hbm>>
    %dma_wait3A_738 = tpu.memref_slice %arg2[%mul3A_4] : memref<819200xi32, #tpu.memory_space<hbm>> -> memref<200xi32, #tpu.memory_space<hbm>>
    tpu.wait_dma2 semaphore(%arg28 : memref<!tpu.dma_semaphore, #tpu.memory_space<semaphore_mem>>) src(%dma_wait3A_738 : memref<200xi32, #tpu.memory_space<hbm>>) dst(%arg11 : memref<200xi32, #tpu.memory_space<vmem>>)
    %dma_start3A_739 = arith.constant 4 : i32
    %dma_start3A_740 = arith.constant 0 : i32
    %dma_start3A_741 = arith.constant 0 : i32
    %dma_start3A_742 = tpu.memref_slice %arg12[%dma_start3A_739, %dma_start3A_740, %dma_start3A_741] : memref<5x200x128xf32, #tpu.memory_space<vmem>> -> memref<1x128x128xf32, #tpu.memory_space<vmem>>
    %dma_start3A_743 = tpu.memref_squeeze %dma_start3A_742 : memref<1x128x128xf32, #tpu.memory_space<vmem>> -> memref<128x128xf32, #tpu.memory_space<vmem>>
    %dma_start3A_744 = arith.constant 0 : i32
    %dma_start3A_745 = tpu.memref_slice %arg11[%dma_start3A_744] : memref<200xi32, #tpu.memory_space<vmem>> -> memref<128xi32, #tpu.memory_space<vmem>>
    %dma_start3A_746 = arith.constant 0 : i32
    %dma_start3A_747 = arith.constant 0 : i32
    %dma_start3A_748 = tpu.memref_slice %arg3[%dma_start3A_746, %dma_start3A_747] : memref<100000x128xf32, #tpu.memory_space<hbm>> -> memref<100000x128xf32, #tpu.memory_space<hbm>>
    tpu.enqueue_indirect_dma source(%dma_start3A_748 : memref<100000x128xf32, #tpu.memory_space<hbm>>) target(%dma_start3A_743 : memref<128x128xf32, #tpu.memory_space<vmem>>) offsets(%dma_start3A_745 : memref<128xi32, #tpu.memory_space<vmem>>) semaphore(%arg13 : memref<!tpu.dma_semaphore, #tpu.memory_space<semaphore_mem>>) {add = true}
    %dma_start3A_749 = arith.constant 4 : i32
    %dma_start3A_750 = arith.constant 128 : i32
    %dma_start3A_751 = arith.constant 0 : i32
    %dma_start3A_752 = tpu.memref_slice %arg12[%dma_start3A_749, %dma_start3A_750, %dma_start3A_751] : memref<5x200x128xf32, #tpu.memory_space<vmem>> -> memref<1x72x128xf32, #tpu.memory_space<vmem>>
    %dma_start3A_753 = tpu.memref_squeeze %dma_start3A_752 : memref<1x72x128xf32, #tpu.memory_space<vmem>> -> memref<72x128xf32, #tpu.memory_space<vmem>>
    %dma_start3A_754 = arith.constant 128 : i32
    %dma_start3A_755 = tpu.memref_slice %arg11[%dma_start3A_754] : memref<200xi32, #tpu.memory_space<vmem>> -> memref<72xi32, #tpu.memory_space<vmem>>
    %dma_start3A_756 = arith.constant 0 : i32
    %dma_start3A_757 = arith.constant 0 : i32
    %dma_start3A_758 = tpu.memref_slice %arg3[%dma_start3A_756, %dma_start3A_757] : memref<100000x128xf32, #tpu.memory_space<hbm>> -> memref<100000x128xf32, #tpu.memory_space<hbm>>
    tpu.enqueue_indirect_dma source(%dma_start3A_758 : memref<100000x128xf32, #tpu.memory_space<hbm>>) target(%dma_start3A_753 : memref<72x128xf32, #tpu.memory_space<vmem>>) offsets(%dma_start3A_755 : memref<72xi32, #tpu.memory_space<vmem>>) semaphore(%arg13 : memref<!tpu.dma_semaphore, #tpu.memory_space<semaphore_mem>>) {add = true}
    %dma_wait3A_759 = arith.constant 0 : i32
    %dma_wait3A_760 = arith.constant 0 : i32
    %dma_wait3A_761 = arith.constant 0 : i32
    %dma_wait3A_762 = tpu.memref_slice %arg12[%dma_wait3A_759, %dma_wait3A_760, %dma_wait3A_761] : memref<5x200x128xf32, #tpu.memory_space<vmem>> -> memref<1x200x128xf32, #tpu.memory_space<vmem>>
    %dma_wait3A_763 = tpu.memref_squeeze %dma_wait3A_762 : memref<1x200x128xf32, #tpu.memory_space<vmem>> -> memref<200x128xf32, #tpu.memory_space<vmem>>
    %dma_wait3A_764 = arith.constant 0 : i32
    %dma_wait3A_765 = tpu.memref_slice %arg5[%mul3A_4, %dma_wait3A_764] : memref<819200x128xf32, #tpu.memory_space<hbm>> -> memref<200x128xf32, #tpu.memory_space<hbm>>
    %dma_wait3A_766 = arith.constant 0 : i32
    %dma_wait3A_767 = tpu.memref_slice %arg5[%mul3A_4, %dma_wait3A_766] : memref<819200x128xf32, #tpu.memory_space<hbm>> -> memref<200x128xf32, #tpu.memory_space<hbm>>
    %dma_wait3A_768 = arith.constant 0 : i32
    %dma_wait3A_769 = arith.constant 0 : i32
    %dma_wait3A_770 = tpu.memref_slice %arg12[%dma_wait3A_759, %dma_wait3A_768, %dma_wait3A_769] : memref<5x200x128xf32, #tpu.memory_space<vmem>> -> memref<1x200x128xf32, #tpu.memory_space<vmem>>
    %dma_wait3A_771 = tpu.memref_squeeze %dma_wait3A_770 : memref<1x200x128xf32, #tpu.memory_space<vmem>> -> memref<200x128xf32, #tpu.memory_space<vmem>>
    tpu.wait_dma2 semaphore(%arg14 : memref<!tpu.dma_semaphore, #tpu.memory_space<semaphore_mem>>) src(%dma_wait3A_771 : memref<200x128xf32, #tpu.memory_space<vmem>>) dst(%dma_wait3A_767 : memref<200x128xf32, #tpu.memory_space<hbm>>)
    %dma_start3A_772 = arith.constant 0 : i32
    %dma_start3A_773 = arith.constant 0 : i32
    %dma_start3A_774 = arith.constant 0 : i32
    %dma_start3A_775 = tpu.memref_slice %arg12[%dma_start3A_772, %dma_start3A_773, %dma_start3A_774] : memref<5x200x128xf32, #tpu.memory_space<vmem>> -> memref<1x200x128xf32, #tpu.memory_space<vmem>>
    %dma_start3A_776 = tpu.memref_squeeze %dma_start3A_775 : memref<1x200x128xf32, #tpu.memory_space<vmem>> -> memref<200x128xf32, #tpu.memory_space<vmem>>
    %dma_start3A_777 = arith.constant 0 : i32
    %dma_start3A_778 = arith.constant 0 : i32
    %dma_start3A_779 = tpu.memref_slice %arg12[%dma_start3A_772, %dma_start3A_777, %dma_start3A_778] : memref<5x200x128xf32, #tpu.memory_space<vmem>> -> memref<1x200x128xf32, #tpu.memory_space<vmem>>
    %dma_start3A_780 = tpu.memref_squeeze %dma_start3A_779 : memref<1x200x128xf32, #tpu.memory_space<vmem>> -> memref<200x128xf32, #tpu.memory_space<vmem>>
    tpu.enqueue_dma source(%arg6 : memref<200x128xf32, #tpu.memory_space<vmem_shared>>) target(%dma_start3A_780 : memref<200x128xf32, #tpu.memory_space<vmem>>) target_semaphore(%arg19 : memref<!tpu.dma_semaphore, #tpu.memory_space<semaphore_mem>>)
    %add3A_781 = arith.constant 25000 : i32
    %add3A_782 = arith.addi %mul3A_4, %add3A_781 : i32
    %dma_start3A_783 = tpu.memref_slice %arg2[%add3A_782] : memref<819200xi32, #tpu.memory_space<hbm>> -> memref<200xi32, #tpu.memory_space<hbm>>
    %dma_start3A_784 = tpu.memref_slice %arg2[%add3A_782] : memref<819200xi32, #tpu.memory_space<hbm>> -> memref<200xi32, #tpu.memory_space<hbm>>
    tpu.enqueue_dma source(%dma_start3A_784 : memref<200xi32, #tpu.memory_space<hbm>>) target(%arg7 : memref<200xi32, #tpu.memory_space<vmem>>) target_semaphore(%arg24 : memref<!tpu.dma_semaphore, #tpu.memory_space<semaphore_mem>>)
    %dma_wait3A_785 = arith.constant 2 : i32
    %dma_wait3A_786 = arith.constant 0 : i32
    %dma_wait3A_787 = arith.constant 0 : i32
    %dma_wait3A_788 = tpu.memref_slice %arg12[%dma_wait3A_785, %dma_wait3A_786, %dma_wait3A_787] : memref<5x200x128xf32, #tpu.memory_space<vmem>> -> memref<1x128x128xf32, #tpu.memory_space<vmem>>
    %dma_wait3A_789 = tpu.memref_squeeze %dma_wait3A_788 : memref<1x128x128xf32, #tpu.memory_space<vmem>> -> memref<128x128xf32, #tpu.memory_space<vmem>>
    %dma_wait3A_790 = arith.constant 0 : i32
    %dma_wait3A_791 = tpu.memref_slice %arg9[%dma_wait3A_790] : memref<200xi32, #tpu.memory_space<vmem>> -> memref<128xi32, #tpu.memory_space<vmem>>
    %dma_wait3A_792 = arith.constant 0 : i32
    %dma_wait3A_793 = arith.constant 0 : i32
    %dma_wait3A_794 = tpu.memref_slice %arg3[%dma_wait3A_792, %dma_wait3A_793] : memref<100000x128xf32, #tpu.memory_space<hbm>> -> memref<100000x128xf32, #tpu.memory_space<hbm>>
    tpu.wait_indirect_dma semaphore(%arg13 : memref<!tpu.dma_semaphore, #tpu.memory_space<semaphore_mem>>) src(%dma_wait3A_794 : memref<100000x128xf32, #tpu.memory_space<hbm>>) dst(%dma_wait3A_789 : memref<128x128xf32, #tpu.memory_space<vmem>>)
    %dma_wait3A_795 = arith.constant 2 : i32
    %dma_wait3A_796 = arith.constant 128 : i32
    %dma_wait3A_797 = arith.constant 0 : i32
    %dma_wait3A_798 = tpu.memref_slice %arg12[%dma_wait3A_795, %dma_wait3A_796, %dma_wait3A_797] : memref<5x200x128xf32, #tpu.memory_space<vmem>> -> memref<1x72x128xf32, #tpu.memory_space<vmem>>
    %dma_wait3A_799 = tpu.memref_squeeze %dma_wait3A_798 : memref<1x72x128xf32, #tpu.memory_space<vmem>> -> memref<72x128xf32, #tpu.memory_space<vmem>>
    %dma_wait3A_800 = arith.constant 0 : i32
    %dma_wait3A_801 = tpu.memref_slice %arg9[%dma_wait3A_800] : memref<200xi32, #tpu.memory_space<vmem>> -> memref<72xi32, #tpu.memory_space<vmem>>
    %dma_wait3A_802 = arith.constant 0 : i32
    %dma_wait3A_803 = arith.constant 0 : i32
    %dma_wait3A_804 = tpu.memref_slice %arg3[%dma_wait3A_802, %dma_wait3A_803] : memref<100000x128xf32, #tpu.memory_space<hbm>> -> memref<100000x128xf32, #tpu.memory_space<hbm>>
    tpu.wait_indirect_dma semaphore(%arg13 : memref<!tpu.dma_semaphore, #tpu.memory_space<semaphore_mem>>) src(%dma_wait3A_804 : memref<100000x128xf32, #tpu.memory_space<hbm>>) dst(%dma_wait3A_799 : memref<72x128xf32, #tpu.memory_space<vmem>>)
    %add3A_805 = arith.constant 24400 : i32
    %add3A_806 = arith.addi %mul3A_4, %add3A_805 : i32
    %dma_start3A_807 = arith.constant 2 : i32
    %dma_start3A_808 = arith.constant 0 : i32
    %dma_start3A_809 = arith.constant 0 : i32
    %dma_start3A_810 = tpu.memref_slice %arg12[%dma_start3A_807, %dma_start3A_808, %dma_start3A_809] : memref<5x200x128xf32, #tpu.memory_space<vmem>> -> memref<1x200x128xf32, #tpu.memory_space<vmem>>
    %dma_start3A_811 = tpu.memref_squeeze %dma_start3A_810 : memref<1x200x128xf32, #tpu.memory_space<vmem>> -> memref<200x128xf32, #tpu.memory_space<vmem>>
    %dma_start3A_812 = arith.constant 0 : i32
    %dma_start3A_813 = tpu.memref_slice %arg5[%add3A_806, %dma_start3A_812] : memref<819200x128xf32, #tpu.memory_space<hbm>> -> memref<200x128xf32, #tpu.memory_space<hbm>>
    %dma_start3A_814 = arith.constant 0 : i32
    %dma_start3A_815 = tpu.memref_slice %arg5[%add3A_806, %dma_start3A_814] : memref<819200x128xf32, #tpu.memory_space<hbm>> -> memref<200x128xf32, #tpu.memory_space<hbm>>
    %dma_start3A_816 = arith.constant 0 : i32
    %dma_start3A_817 = arith.constant 0 : i32
    %dma_start3A_818 = tpu.memref_slice %arg12[%dma_start3A_807, %dma_start3A_816, %dma_start3A_817] : memref<5x200x128xf32, #tpu.memory_space<vmem>> -> memref<1x200x128xf32, #tpu.memory_space<vmem>>
    %dma_start3A_819 = tpu.memref_squeeze %dma_start3A_818 : memref<1x200x128xf32, #tpu.memory_space<vmem>> -> memref<200x128xf32, #tpu.memory_space<vmem>>
    tpu.enqueue_dma source(%dma_start3A_819 : memref<200x128xf32, #tpu.memory_space<vmem>>) target(%dma_start3A_815 : memref<200x128xf32, #tpu.memory_space<hbm>>) target_semaphore(%arg16 : memref<!tpu.dma_semaphore, #tpu.memory_space<semaphore_mem>>)
    %dma_wait3A_820 = arith.constant 0 : i32
    %dma_wait3A_821 = arith.constant 0 : i32
    %dma_wait3A_822 = arith.constant 0 : i32
    %dma_wait3A_823 = tpu.memref_slice %arg12[%dma_wait3A_820, %dma_wait3A_821, %dma_wait3A_822] : memref<5x200x128xf32, #tpu.memory_space<vmem>> -> memref<1x200x128xf32, #tpu.memory_space<vmem>>
    %dma_wait3A_824 = tpu.memref_squeeze %dma_wait3A_823 : memref<1x200x128xf32, #tpu.memory_space<vmem>> -> memref<200x128xf32, #tpu.memory_space<vmem>>
    %dma_wait3A_825 = arith.constant 0 : i32
    %dma_wait3A_826 = arith.constant 0 : i32
    %dma_wait3A_827 = tpu.memref_slice %arg12[%dma_wait3A_820, %dma_wait3A_825, %dma_wait3A_826] : memref<5x200x128xf32, #tpu.memory_space<vmem>> -> memref<1x200x128xf32, #tpu.memory_space<vmem>>
    %dma_wait3A_828 = tpu.memref_squeeze %dma_wait3A_827 : memref<1x200x128xf32, #tpu.memory_space<vmem>> -> memref<200x128xf32, #tpu.memory_space<vmem>>
    tpu.wait_dma2 semaphore(%arg19 : memref<!tpu.dma_semaphore, #tpu.memory_space<semaphore_mem>>) src(%arg6 : memref<200x128xf32, #tpu.memory_space<vmem_shared>>) dst(%dma_wait3A_828 : memref<200x128xf32, #tpu.memory_space<vmem>>)
    %dma_wait3A_829 = tpu.memref_slice %arg2[%mul3A_4] : memref<819200xi32, #tpu.memory_space<hbm>> -> memref<200xi32, #tpu.memory_space<hbm>>
    %dma_wait3A_830 = tpu.memref_slice %arg2[%mul3A_4] : memref<819200xi32, #tpu.memory_space<hbm>> -> memref<200xi32, #tpu.memory_space<hbm>>
    tpu.wait_dma2 semaphore(%arg24 : memref<!tpu.dma_semaphore, #tpu.memory_space<semaphore_mem>>) src(%dma_wait3A_830 : memref<200xi32, #tpu.memory_space<hbm>>) dst(%arg7 : memref<200xi32, #tpu.memory_space<vmem>>)
    %dma_start3A_831 = arith.constant 0 : i32
    %dma_start3A_832 = arith.constant 0 : i32
    %dma_start3A_833 = arith.constant 0 : i32
    %dma_start3A_834 = tpu.memref_slice %arg12[%dma_start3A_831, %dma_start3A_832, %dma_start3A_833] : memref<5x200x128xf32, #tpu.memory_space<vmem>> -> memref<1x128x128xf32, #tpu.memory_space<vmem>>
    %dma_start3A_835 = tpu.memref_squeeze %dma_start3A_834 : memref<1x128x128xf32, #tpu.memory_space<vmem>> -> memref<128x128xf32, #tpu.memory_space<vmem>>
    %dma_start3A_836 = arith.constant 0 : i32
    %dma_start3A_837 = tpu.memref_slice %arg7[%dma_start3A_836] : memref<200xi32, #tpu.memory_space<vmem>> -> memref<128xi32, #tpu.memory_space<vmem>>
    %dma_start3A_838 = arith.constant 0 : i32
    %dma_start3A_839 = arith.constant 0 : i32
    %dma_start3A_840 = tpu.memref_slice %arg3[%dma_start3A_838, %dma_start3A_839] : memref<100000x128xf32, #tpu.memory_space<hbm>> -> memref<100000x128xf32, #tpu.memory_space<hbm>>
    tpu.enqueue_indirect_dma source(%dma_start3A_840 : memref<100000x128xf32, #tpu.memory_space<hbm>>) target(%dma_start3A_835 : memref<128x128xf32, #tpu.memory_space<vmem>>) offsets(%dma_start3A_837 : memref<128xi32, #tpu.memory_space<vmem>>) semaphore(%arg13 : memref<!tpu.dma_semaphore, #tpu.memory_space<semaphore_mem>>) {add = true}
    %dma_start3A_841 = arith.constant 0 : i32
    %dma_start3A_842 = arith.constant 128 : i32
    %dma_start3A_843 = arith.constant 0 : i32
    %dma_start3A_844 = tpu.memref_slice %arg12[%dma_start3A_841, %dma_start3A_842, %dma_start3A_843] : memref<5x200x128xf32, #tpu.memory_space<vmem>> -> memref<1x72x128xf32, #tpu.memory_space<vmem>>
    %dma_start3A_845 = tpu.memref_squeeze %dma_start3A_844 : memref<1x72x128xf32, #tpu.memory_space<vmem>> -> memref<72x128xf32, #tpu.memory_space<vmem>>
    %dma_start3A_846 = arith.constant 128 : i32
    %dma_start3A_847 = tpu.memref_slice %arg7[%dma_start3A_846] : memref<200xi32, #tpu.memory_space<vmem>> -> memref<72xi32, #tpu.memory_space<vmem>>
    %dma_start3A_848 = arith.constant 0 : i32
    %dma_start3A_849 = arith.constant 0 : i32
    %dma_start3A_850 = tpu.memref_slice %arg3[%dma_start3A_848, %dma_start3A_849] : memref<100000x128xf32, #tpu.memory_space<hbm>> -> memref<100000x128xf32, #tpu.memory_space<hbm>>
    tpu.enqueue_indirect_dma source(%dma_start3A_850 : memref<100000x128xf32, #tpu.memory_space<hbm>>) target(%dma_start3A_845 : memref<72x128xf32, #tpu.memory_space<vmem>>) offsets(%dma_start3A_847 : memref<72xi32, #tpu.memory_space<vmem>>) semaphore(%arg13 : memref<!tpu.dma_semaphore, #tpu.memory_space<semaphore_mem>>) {add = true}
    %dma_wait3A_851 = arith.constant 1 : i32
    %dma_wait3A_852 = arith.constant 0 : i32
    %dma_wait3A_853 = arith.constant 0 : i32
    %dma_wait3A_854 = tpu.memref_slice %arg12[%dma_wait3A_851, %dma_wait3A_852, %dma_wait3A_853] : memref<5x200x128xf32, #tpu.memory_space<vmem>> -> memref<1x200x128xf32, #tpu.memory_space<vmem>>
    %dma_wait3A_855 = tpu.memref_squeeze %dma_wait3A_854 : memref<1x200x128xf32, #tpu.memory_space<vmem>> -> memref<200x128xf32, #tpu.memory_space<vmem>>
    %dma_wait3A_856 = arith.constant 0 : i32
    %dma_wait3A_857 = tpu.memref_slice %arg5[%mul3A_4, %dma_wait3A_856] : memref<819200x128xf32, #tpu.memory_space<hbm>> -> memref<200x128xf32, #tpu.memory_space<hbm>>
    %dma_wait3A_858 = arith.constant 0 : i32
    %dma_wait3A_859 = tpu.memref_slice %arg5[%mul3A_4, %dma_wait3A_858] : memref<819200x128xf32, #tpu.memory_space<hbm>> -> memref<200x128xf32, #tpu.memory_space<hbm>>
    %dma_wait3A_860 = arith.constant 0 : i32
    %dma_wait3A_861 = arith.constant 0 : i32
    %dma_wait3A_862 = tpu.memref_slice %arg12[%dma_wait3A_851, %dma_wait3A_860, %dma_wait3A_861] : memref<5x200x128xf32, #tpu.memory_space<vmem>> -> memref<1x200x128xf32, #tpu.memory_space<vmem>>
    %dma_wait3A_863 = tpu.memref_squeeze %dma_wait3A_862 : memref<1x200x128xf32, #tpu.memory_space<vmem>> -> memref<200x128xf32, #tpu.memory_space<vmem>>
    tpu.wait_dma2 semaphore(%arg15 : memref<!tpu.dma_semaphore, #tpu.memory_space<semaphore_mem>>) src(%dma_wait3A_863 : memref<200x128xf32, #tpu.memory_space<vmem>>) dst(%dma_wait3A_859 : memref<200x128xf32, #tpu.memory_space<hbm>>)
    %dma_start3A_864 = arith.constant 1 : i32
    %dma_start3A_865 = arith.constant 0 : i32
    %dma_start3A_866 = arith.constant 0 : i32
    %dma_start3A_867 = tpu.memref_slice %arg12[%dma_start3A_864, %dma_start3A_865, %dma_start3A_866] : memref<5x200x128xf32, #tpu.memory_space<vmem>> -> memref<1x200x128xf32, #tpu.memory_space<vmem>>
    %dma_start3A_868 = tpu.memref_squeeze %dma_start3A_867 : memref<1x200x128xf32, #tpu.memory_space<vmem>> -> memref<200x128xf32, #tpu.memory_space<vmem>>
    %dma_start3A_869 = arith.constant 0 : i32
    %dma_start3A_870 = arith.constant 0 : i32
    %dma_start3A_871 = tpu.memref_slice %arg12[%dma_start3A_864, %dma_start3A_869, %dma_start3A_870] : memref<5x200x128xf32, #tpu.memory_space<vmem>> -> memref<1x200x128xf32, #tpu.memory_space<vmem>>
    %dma_start3A_872 = tpu.memref_squeeze %dma_start3A_871 : memref<1x200x128xf32, #tpu.memory_space<vmem>> -> memref<200x128xf32, #tpu.memory_space<vmem>>
    tpu.enqueue_dma source(%arg6 : memref<200x128xf32, #tpu.memory_space<vmem_shared>>) target(%dma_start3A_872 : memref<200x128xf32, #tpu.memory_space<vmem>>) target_semaphore(%arg20 : memref<!tpu.dma_semaphore, #tpu.memory_space<semaphore_mem>>)
    %add3A_873 = arith.constant 25200 : i32
    %add3A_874 = arith.addi %mul3A_4, %add3A_873 : i32
    %dma_start3A_875 = tpu.memref_slice %arg2[%add3A_874] : memref<819200xi32, #tpu.memory_space<hbm>> -> memref<200xi32, #tpu.memory_space<hbm>>
    %dma_start3A_876 = tpu.memref_slice %arg2[%add3A_874] : memref<819200xi32, #tpu.memory_space<hbm>> -> memref<200xi32, #tpu.memory_space<hbm>>
    tpu.enqueue_dma source(%dma_start3A_876 : memref<200xi32, #tpu.memory_space<hbm>>) target(%arg8 : memref<200xi32, #tpu.memory_space<vmem>>) target_semaphore(%arg25 : memref<!tpu.dma_semaphore, #tpu.memory_space<semaphore_mem>>)
    %dma_wait3A_877 = arith.constant 3 : i32
    %dma_wait3A_878 = arith.constant 0 : i32
    %dma_wait3A_879 = arith.constant 0 : i32
    %dma_wait3A_880 = tpu.memref_slice %arg12[%dma_wait3A_877, %dma_wait3A_878, %dma_wait3A_879] : memref<5x200x128xf32, #tpu.memory_space<vmem>> -> memref<1x128x128xf32, #tpu.memory_space<vmem>>
    %dma_wait3A_881 = tpu.memref_squeeze %dma_wait3A_880 : memref<1x128x128xf32, #tpu.memory_space<vmem>> -> memref<128x128xf32, #tpu.memory_space<vmem>>
    %dma_wait3A_882 = arith.constant 0 : i32
    %dma_wait3A_883 = tpu.memref_slice %arg10[%dma_wait3A_882] : memref<200xi32, #tpu.memory_space<vmem>> -> memref<128xi32, #tpu.memory_space<vmem>>
    %dma_wait3A_884 = arith.constant 0 : i32
    %dma_wait3A_885 = arith.constant 0 : i32
    %dma_wait3A_886 = tpu.memref_slice %arg3[%dma_wait3A_884, %dma_wait3A_885] : memref<100000x128xf32, #tpu.memory_space<hbm>> -> memref<100000x128xf32, #tpu.memory_space<hbm>>
    tpu.wait_indirect_dma semaphore(%arg13 : memref<!tpu.dma_semaphore, #tpu.memory_space<semaphore_mem>>) src(%dma_wait3A_886 : memref<100000x128xf32, #tpu.memory_space<hbm>>) dst(%dma_wait3A_881 : memref<128x128xf32, #tpu.memory_space<vmem>>)
    %dma_wait3A_887 = arith.constant 3 : i32
    %dma_wait3A_888 = arith.constant 128 : i32
    %dma_wait3A_889 = arith.constant 0 : i32
    %dma_wait3A_890 = tpu.memref_slice %arg12[%dma_wait3A_887, %dma_wait3A_888, %dma_wait3A_889] : memref<5x200x128xf32, #tpu.memory_space<vmem>> -> memref<1x72x128xf32, #tpu.memory_space<vmem>>
    %dma_wait3A_891 = tpu.memref_squeeze %dma_wait3A_890 : memref<1x72x128xf32, #tpu.memory_space<vmem>> -> memref<72x128xf32, #tpu.memory_space<vmem>>
    %dma_wait3A_892 = arith.constant 0 : i32
    %dma_wait3A_893 = tpu.memref_slice %arg10[%dma_wait3A_892] : memref<200xi32, #tpu.memory_space<vmem>> -> memref<72xi32, #tpu.memory_space<vmem>>
    %dma_wait3A_894 = arith.constant 0 : i32
    %dma_wait3A_895 = arith.constant 0 : i32
    %dma_wait3A_896 = tpu.memref_slice %arg3[%dma_wait3A_894, %dma_wait3A_895] : memref<100000x128xf32, #tpu.memory_space<hbm>> -> memref<100000x128xf32, #tpu.memory_space<hbm>>
    tpu.wait_indirect_dma semaphore(%arg13 : memref<!tpu.dma_semaphore, #tpu.memory_space<semaphore_mem>>) src(%dma_wait3A_896 : memref<100000x128xf32, #tpu.memory_space<hbm>>) dst(%dma_wait3A_891 : memref<72x128xf32, #tpu.memory_space<vmem>>)
    %add3A_897 = arith.constant 24600 : i32
    %add3A_898 = arith.addi %mul3A_4, %add3A_897 : i32
    %dma_start3A_899 = arith.constant 3 : i32
    %dma_start3A_900 = arith.constant 0 : i32
    %dma_start3A_901 = arith.constant 0 : i32
    %dma_start3A_902 = tpu.memref_slice %arg12[%dma_start3A_899, %dma_start3A_900, %dma_start3A_901] : memref<5x200x128xf32, #tpu.memory_space<vmem>> -> memref<1x200x128xf32, #tpu.memory_space<vmem>>
    %dma_start3A_903 = tpu.memref_squeeze %dma_start3A_902 : memref<1x200x128xf32, #tpu.memory_space<vmem>> -> memref<200x128xf32, #tpu.memory_space<vmem>>
    %dma_start3A_904 = arith.constant 0 : i32
    %dma_start3A_905 = tpu.memref_slice %arg5[%add3A_898, %dma_start3A_904] : memref<819200x128xf32, #tpu.memory_space<hbm>> -> memref<200x128xf32, #tpu.memory_space<hbm>>
    %dma_start3A_906 = arith.constant 0 : i32
    %dma_start3A_907 = tpu.memref_slice %arg5[%add3A_898, %dma_start3A_906] : memref<819200x128xf32, #tpu.memory_space<hbm>> -> memref<200x128xf32, #tpu.memory_space<hbm>>
    %dma_start3A_908 = arith.constant 0 : i32
    %dma_start3A_909 = arith.constant 0 : i32
    %dma_start3A_910 = tpu.memref_slice %arg12[%dma_start3A_899, %dma_start3A_908, %dma_start3A_909] : memref<5x200x128xf32, #tpu.memory_space<vmem>> -> memref<1x200x128xf32, #tpu.memory_space<vmem>>
    %dma_start3A_911 = tpu.memref_squeeze %dma_start3A_910 : memref<1x200x128xf32, #tpu.memory_space<vmem>> -> memref<200x128xf32, #tpu.memory_space<vmem>>
    tpu.enqueue_dma source(%dma_start3A_911 : memref<200x128xf32, #tpu.memory_space<vmem>>) target(%dma_start3A_907 : memref<200x128xf32, #tpu.memory_space<hbm>>) target_semaphore(%arg17 : memref<!tpu.dma_semaphore, #tpu.memory_space<semaphore_mem>>)
    %dma_wait3A_912 = arith.constant 1 : i32
    %dma_wait3A_913 = arith.constant 0 : i32
    %dma_wait3A_914 = arith.constant 0 : i32
    %dma_wait3A_915 = tpu.memref_slice %arg12[%dma_wait3A_912, %dma_wait3A_913, %dma_wait3A_914] : memref<5x200x128xf32, #tpu.memory_space<vmem>> -> memref<1x200x128xf32, #tpu.memory_space<vmem>>
    %dma_wait3A_916 = tpu.memref_squeeze %dma_wait3A_915 : memref<1x200x128xf32, #tpu.memory_space<vmem>> -> memref<200x128xf32, #tpu.memory_space<vmem>>
    %dma_wait3A_917 = arith.constant 0 : i32
    %dma_wait3A_918 = arith.constant 0 : i32
    %dma_wait3A_919 = tpu.memref_slice %arg12[%dma_wait3A_912, %dma_wait3A_917, %dma_wait3A_918] : memref<5x200x128xf32, #tpu.memory_space<vmem>> -> memref<1x200x128xf32, #tpu.memory_space<vmem>>
    %dma_wait3A_920 = tpu.memref_squeeze %dma_wait3A_919 : memref<1x200x128xf32, #tpu.memory_space<vmem>> -> memref<200x128xf32, #tpu.memory_space<vmem>>
    tpu.wait_dma2 semaphore(%arg20 : memref<!tpu.dma_semaphore, #tpu.memory_space<semaphore_mem>>) src(%arg6 : memref<200x128xf32, #tpu.memory_space<vmem_shared>>) dst(%dma_wait3A_920 : memref<200x128xf32, #tpu.memory_space<vmem>>)
    %dma_wait3A_921 = tpu.memref_slice %arg2[%mul3A_4] : memref<819200xi32, #tpu.memory_space<hbm>> -> memref<200xi32, #tpu.memory_space<hbm>>
    %dma_wait3A_922 = tpu.memref_slice %arg2[%mul3A_4] : memref<819200xi32, #tpu.memory_space<hbm>> -> memref<200xi32, #tpu.memory_space<hbm>>
    tpu.wait_dma2 semaphore(%arg25 : memref<!tpu.dma_semaphore, #tpu.memory_space<semaphore_mem>>) src(%dma_wait3A_922 : memref<200xi32, #tpu.memory_space<hbm>>) dst(%arg8 : memref<200xi32, #tpu.memory_space<vmem>>)
    %dma_start3A_923 = arith.constant 1 : i32
    %dma_start3A_924 = arith.constant 0 : i32
    %dma_start3A_925 = arith.constant 0 : i32
    %dma_start3A_926 = tpu.memref_slice %arg12[%dma_start3A_923, %dma_start3A_924, %dma_start3A_925] : memref<5x200x128xf32, #tpu.memory_space<vmem>> -> memref<1x128x128xf32, #tpu.memory_space<vmem>>
    %dma_start3A_927 = tpu.memref_squeeze %dma_start3A_926 : memref<1x128x128xf32, #tpu.memory_space<vmem>> -> memref<128x128xf32, #tpu.memory_space<vmem>>
    %dma_start3A_928 = arith.constant 0 : i32
    %dma_start3A_929 = tpu.memref_slice %arg8[%dma_start3A_928] : memref<200xi32, #tpu.memory_space<vmem>> -> memref<128xi32, #tpu.memory_space<vmem>>
    %dma_start3A_930 = arith.constant 0 : i32
    %dma_start3A_931 = arith.constant 0 : i32
    %dma_start3A_932 = tpu.memref_slice %arg3[%dma_start3A_930, %dma_start3A_931] : memref<100000x128xf32, #tpu.memory_space<hbm>> -> memref<100000x128xf32, #tpu.memory_space<hbm>>
    tpu.enqueue_indirect_dma source(%dma_start3A_932 : memref<100000x128xf32, #tpu.memory_space<hbm>>) target(%dma_start3A_927 : memref<128x128xf32, #tpu.memory_space<vmem>>) offsets(%dma_start3A_929 : memref<128xi32, #tpu.memory_space<vmem>>) semaphore(%arg13 : memref<!tpu.dma_semaphore, #tpu.memory_space<semaphore_mem>>) {add = true}
    %dma_start3A_933 = arith.constant 1 : i32
    %dma_start3A_934 = arith.constant 128 : i32
    %dma_start3A_935 = arith.constant 0 : i32
    %dma_start3A_936 = tpu.memref_slice %arg12[%dma_start3A_933, %dma_start3A_934, %dma_start3A_935] : memref<5x200x128xf32, #tpu.memory_space<vmem>> -> memref<1x72x128xf32, #tpu.memory_space<vmem>>
    %dma_start3A_937 = tpu.memref_squeeze %dma_start3A_936 : memref<1x72x128xf32, #tpu.memory_space<vmem>> -> memref<72x128xf32, #tpu.memory_space<vmem>>
    %dma_start3A_938 = arith.constant 128 : i32
    %dma_start3A_939 = tpu.memref_slice %arg8[%dma_start3A_938] : memref<200xi32, #tpu.memory_space<vmem>> -> memref<72xi32, #tpu.memory_space<vmem>>
    %dma_start3A_940 = arith.constant 0 : i32
    %dma_start3A_941 = arith.constant 0 : i32
    %dma_start3A_942 = tpu.memref_slice %arg3[%dma_start3A_940, %dma_start3A_941] : memref<100000x128xf32, #tpu.memory_space<hbm>> -> memref<100000x128xf32, #tpu.memory_space<hbm>>
    tpu.enqueue_indirect_dma source(%dma_start3A_942 : memref<100000x128xf32, #tpu.memory_space<hbm>>) target(%dma_start3A_937 : memref<72x128xf32, #tpu.memory_space<vmem>>) offsets(%dma_start3A_939 : memref<72xi32, #tpu.memory_space<vmem>>) semaphore(%arg13 : memref<!tpu.dma_semaphore, #tpu.memory_space<semaphore_mem>>) {add = true}
    %dma_wait3A_943 = arith.constant 2 : i32
    %dma_wait3A_944 = arith.constant 0 : i32
    %dma_wait3A_945 = arith.constant 0 : i32
    %dma_wait3A_946 = tpu.memref_slice %arg12[%dma_wait3A_943, %dma_wait3A_944, %dma_wait3A_945] : memref<5x200x128xf32, #tpu.memory_space<vmem>> -> memref<1x200x128xf32, #tpu.memory_space<vmem>>
    %dma_wait3A_947 = tpu.memref_squeeze %dma_wait3A_946 : memref<1x200x128xf32, #tpu.memory_space<vmem>> -> memref<200x128xf32, #tpu.memory_space<vmem>>
    %dma_wait3A_948 = arith.constant 0 : i32
    %dma_wait3A_949 = tpu.memref_slice %arg5[%mul3A_4, %dma_wait3A_948] : memref<819200x128xf32, #tpu.memory_space<hbm>> -> memref<200x128xf32, #tpu.memory_space<hbm>>
    %dma_wait3A_950 = arith.constant 0 : i32
    %dma_wait3A_951 = tpu.memref_slice %arg5[%mul3A_4, %dma_wait3A_950] : memref<819200x128xf32, #tpu.memory_space<hbm>> -> memref<200x128xf32, #tpu.memory_space<hbm>>
    %dma_wait3A_952 = arith.constant 0 : i32
    %dma_wait3A_953 = arith.constant 0 : i32
    %dma_wait3A_954 = tpu.memref_slice %arg12[%dma_wait3A_943, %dma_wait3A_952, %dma_wait3A_953] : memref<5x200x128xf32, #tpu.memory_space<vmem>> -> memref<1x200x128xf32, #tpu.memory_space<vmem>>
    %dma_wait3A_955 = tpu.memref_squeeze %dma_wait3A_954 : memref<1x200x128xf32, #tpu.memory_space<vmem>> -> memref<200x128xf32, #tpu.memory_space<vmem>>
    tpu.wait_dma2 semaphore(%arg16 : memref<!tpu.dma_semaphore, #tpu.memory_space<semaphore_mem>>) src(%dma_wait3A_955 : memref<200x128xf32, #tpu.memory_space<vmem>>) dst(%dma_wait3A_951 : memref<200x128xf32, #tpu.memory_space<hbm>>)
    %dma_start3A_956 = arith.constant 2 : i32
    %dma_start3A_957 = arith.constant 0 : i32
    %dma_start3A_958 = arith.constant 0 : i32
    %dma_start3A_959 = tpu.memref_slice %arg12[%dma_start3A_956, %dma_start3A_957, %dma_start3A_958] : memref<5x200x128xf32, #tpu.memory_space<vmem>> -> memref<1x200x128xf32, #tpu.memory_space<vmem>>
    %dma_start3A_960 = tpu.memref_squeeze %dma_start3A_959 : memref<1x200x128xf32, #tpu.memory_space<vmem>> -> memref<200x128xf32, #tpu.memory_space<vmem>>
    %dma_start3A_961 = arith.constant 0 : i32
    %dma_start3A_962 = arith.constant 0 : i32
    %dma_start3A_963 = tpu.memref_slice %arg12[%dma_start3A_956, %dma_start3A_961, %dma_start3A_962] : memref<5x200x128xf32, #tpu.memory_space<vmem>> -> memref<1x200x128xf32, #tpu.memory_space<vmem>>
    %dma_start3A_964 = tpu.memref_squeeze %dma_start3A_963 : memref<1x200x128xf32, #tpu.memory_space<vmem>> -> memref<200x128xf32, #tpu.memory_space<vmem>>
    tpu.enqueue_dma source(%arg6 : memref<200x128xf32, #tpu.memory_space<vmem_shared>>) target(%dma_start3A_964 : memref<200x128xf32, #tpu.memory_space<vmem>>) target_semaphore(%arg21 : memref<!tpu.dma_semaphore, #tpu.memory_space<semaphore_mem>>)
    %add3A_965 = arith.constant 25400 : i32
    %add3A_966 = arith.addi %mul3A_4, %add3A_965 : i32
    %dma_start3A_967 = tpu.memref_slice %arg2[%add3A_966] : memref<819200xi32, #tpu.memory_space<hbm>> -> memref<200xi32, #tpu.memory_space<hbm>>
    %dma_start3A_968 = tpu.memref_slice %arg2[%add3A_966] : memref<819200xi32, #tpu.memory_space<hbm>> -> memref<200xi32, #tpu.memory_space<hbm>>
    tpu.enqueue_dma source(%dma_start3A_968 : memref<200xi32, #tpu.memory_space<hbm>>) target(%arg9 : memref<200xi32, #tpu.memory_space<vmem>>) target_semaphore(%arg26 : memref<!tpu.dma_semaphore, #tpu.memory_space<semaphore_mem>>)
    %dma_wait3A_969 = arith.constant 4 : i32
    %dma_wait3A_970 = arith.constant 0 : i32
    %dma_wait3A_971 = arith.constant 0 : i32
    %dma_wait3A_972 = tpu.memref_slice %arg12[%dma_wait3A_969, %dma_wait3A_970, %dma_wait3A_971] : memref<5x200x128xf32, #tpu.memory_space<vmem>> -> memref<1x128x128xf32, #tpu.memory_space<vmem>>
    %dma_wait3A_973 = tpu.memref_squeeze %dma_wait3A_972 : memref<1x128x128xf32, #tpu.memory_space<vmem>> -> memref<128x128xf32, #tpu.memory_space<vmem>>
    %dma_wait3A_974 = arith.constant 0 : i32
    %dma_wait3A_975 = tpu.memref_slice %arg11[%dma_wait3A_974] : memref<200xi32, #tpu.memory_space<vmem>> -> memref<128xi32, #tpu.memory_space<vmem>>
    %dma_wait3A_976 = arith.constant 0 : i32
    %dma_wait3A_977 = arith.constant 0 : i32
    %dma_wait3A_978 = tpu.memref_slice %arg3[%dma_wait3A_976, %dma_wait3A_977] : memref<100000x128xf32, #tpu.memory_space<hbm>> -> memref<100000x128xf32, #tpu.memory_space<hbm>>
    tpu.wait_indirect_dma semaphore(%arg13 : memref<!tpu.dma_semaphore, #tpu.memory_space<semaphore_mem>>) src(%dma_wait3A_978 : memref<100000x128xf32, #tpu.memory_space<hbm>>) dst(%dma_wait3A_973 : memref<128x128xf32, #tpu.memory_space<vmem>>)
    %dma_wait3A_979 = arith.constant 4 : i32
    %dma_wait3A_980 = arith.constant 128 : i32
    %dma_wait3A_981 = arith.constant 0 : i32
    %dma_wait3A_982 = tpu.memref_slice %arg12[%dma_wait3A_979, %dma_wait3A_980, %dma_wait3A_981] : memref<5x200x128xf32, #tpu.memory_space<vmem>> -> memref<1x72x128xf32, #tpu.memory_space<vmem>>
    %dma_wait3A_983 = tpu.memref_squeeze %dma_wait3A_982 : memref<1x72x128xf32, #tpu.memory_space<vmem>> -> memref<72x128xf32, #tpu.memory_space<vmem>>
    %dma_wait3A_984 = arith.constant 0 : i32
    %dma_wait3A_985 = tpu.memref_slice %arg11[%dma_wait3A_984] : memref<200xi32, #tpu.memory_space<vmem>> -> memref<72xi32, #tpu.memory_space<vmem>>
    %dma_wait3A_986 = arith.constant 0 : i32
    %dma_wait3A_987 = arith.constant 0 : i32
    %dma_wait3A_988 = tpu.memref_slice %arg3[%dma_wait3A_986, %dma_wait3A_987] : memref<100000x128xf32, #tpu.memory_space<hbm>> -> memref<100000x128xf32, #tpu.memory_space<hbm>>
    tpu.wait_indirect_dma semaphore(%arg13 : memref<!tpu.dma_semaphore, #tpu.memory_space<semaphore_mem>>) src(%dma_wait3A_988 : memref<100000x128xf32, #tpu.memory_space<hbm>>) dst(%dma_wait3A_983 : memref<72x128xf32, #tpu.memory_space<vmem>>)
    %add3A_989 = arith.constant 24800 : i32
    %add3A_990 = arith.addi %mul3A_4, %add3A_989 : i32
    %dma_start3A_991 = arith.constant 4 : i32
    %dma_start3A_992 = arith.constant 0 : i32
    %dma_start3A_993 = arith.constant 0 : i32
    %dma_start3A_994 = tpu.memref_slice %arg12[%dma_start3A_991, %dma_start3A_992, %dma_start3A_993] : memref<5x200x128xf32, #tpu.memory_space<vmem>> -> memref<1x200x128xf32, #tpu.memory_space<vmem>>
    %dma_start3A_995 = tpu.memref_squeeze %dma_start3A_994 : memref<1x200x128xf32, #tpu.memory_space<vmem>> -> memref<200x128xf32, #tpu.memory_space<vmem>>
    %dma_start3A_996 = arith.constant 0 : i32
    %dma_start3A_997 = tpu.memref_slice %arg5[%add3A_990, %dma_start3A_996] : memref<819200x128xf32, #tpu.memory_space<hbm>> -> memref<200x128xf32, #tpu.memory_space<hbm>>
    %dma_start3A_998 = arith.constant 0 : i32
    %dma_start3A_999 = tpu.memref_slice %arg5[%add3A_990, %dma_start3A_998] : memref<819200x128xf32, #tpu.memory_space<hbm>> -> memref<200x128xf32, #tpu.memory_space<hbm>>
    %dma_start3A_1000 = arith.constant 0 : i32
    %dma_start3A_1001 = arith.constant 0 : i32
    %dma_start3A_1002 = tpu.memref_slice %arg12[%dma_start3A_991, %dma_start3A_1000, %dma_start3A_1001] : memref<5x200x128xf32, #tpu.memory_space<vmem>> -> memref<1x200x128xf32, #tpu.memory_space<vmem>>
    %dma_start3A_1003 = tpu.memref_squeeze %dma_start3A_1002 : memref<1x200x128xf32, #tpu.memory_space<vmem>> -> memref<200x128xf32, #tpu.memory_space<vmem>>
    tpu.enqueue_dma source(%dma_start3A_1003 : memref<200x128xf32, #tpu.memory_space<vmem>>) target(%dma_start3A_999 : memref<200x128xf32, #tpu.memory_space<hbm>>) target_semaphore(%arg18 : memref<!tpu.dma_semaphore, #tpu.memory_space<semaphore_mem>>)
    %dma_wait3A_1004 = arith.constant 2 : i32
    %dma_wait3A_1005 = arith.constant 0 : i32
    %dma_wait3A_1006 = arith.constant 0 : i32
    %dma_wait3A_1007 = tpu.memref_slice %arg12[%dma_wait3A_1004, %dma_wait3A_1005, %dma_wait3A_1006] : memref<5x200x128xf32, #tpu.memory_space<vmem>> -> memref<1x200x128xf32, #tpu.memory_space<vmem>>
    %dma_wait3A_1008 = tpu.memref_squeeze %dma_wait3A_1007 : memref<1x200x128xf32, #tpu.memory_space<vmem>> -> memref<200x128xf32, #tpu.memory_space<vmem>>
    %dma_wait3A_1009 = arith.constant 0 : i32
    %dma_wait3A_1010 = arith.constant 0 : i32
    %dma_wait3A_1011 = tpu.memref_slice %arg12[%dma_wait3A_1004, %dma_wait3A_1009, %dma_wait3A_1010] : memref<5x200x128xf32, #tpu.memory_space<vmem>> -> memref<1x200x128xf32, #tpu.memory_space<vmem>>
    %dma_wait3A_1012 = tpu.memref_squeeze %dma_wait3A_1011 : memref<1x200x128xf32, #tpu.memory_space<vmem>> -> memref<200x128xf32, #tpu.memory_space<vmem>>
    tpu.wait_dma2 semaphore(%arg21 : memref<!tpu.dma_semaphore, #tpu.memory_space<semaphore_mem>>) src(%arg6 : memref<200x128xf32, #tpu.memory_space<vmem_shared>>) dst(%dma_wait3A_1012 : memref<200x128xf32, #tpu.memory_space<vmem>>)
    %dma_wait3A_1013 = tpu.memref_slice %arg2[%mul3A_4] : memref<819200xi32, #tpu.memory_space<hbm>> -> memref<200xi32, #tpu.memory_space<hbm>>
    %dma_wait3A_1014 = tpu.memref_slice %arg2[%mul3A_4] : memref<819200xi32, #tpu.memory_space<hbm>> -> memref<200xi32, #tpu.memory_space<hbm>>
    tpu.wait_dma2 semaphore(%arg26 : memref<!tpu.dma_semaphore, #tpu.memory_space<semaphore_mem>>) src(%dma_wait3A_1014 : memref<200xi32, #tpu.memory_space<hbm>>) dst(%arg9 : memref<200xi32, #tpu.memory_space<vmem>>)
    %dma_start3A_1015 = arith.constant 2 : i32
    %dma_start3A_1016 = arith.constant 0 : i32
    %dma_start3A_1017 = arith.constant 0 : i32
    %dma_start3A_1018 = tpu.memref_slice %arg12[%dma_start3A_1015, %dma_start3A_1016, %dma_start3A_1017] : memref<5x200x128xf32, #tpu.memory_space<vmem>> -> memref<1x128x128xf32, #tpu.memory_space<vmem>>
    %dma_start3A_1019 = tpu.memref_squeeze %dma_start3A_1018 : memref<1x128x128xf32, #tpu.memory_space<vmem>> -> memref<128x128xf32, #tpu.memory_space<vmem>>
    %dma_start3A_1020 = arith.constant 0 : i32
    %dma_start3A_1021 = tpu.memref_slice %arg9[%dma_start3A_1020] : memref<200xi32, #tpu.memory_space<vmem>> -> memref<128xi32, #tpu.memory_space<vmem>>
    %dma_start3A_1022 = arith.constant 0 : i32
    %dma_start3A_1023 = arith.constant 0 : i32
    %dma_start3A_1024 = tpu.memref_slice %arg3[%dma_start3A_1022, %dma_start3A_1023] : memref<100000x128xf32, #tpu.memory_space<hbm>> -> memref<100000x128xf32, #tpu.memory_space<hbm>>
    tpu.enqueue_indirect_dma source(%dma_start3A_1024 : memref<100000x128xf32, #tpu.memory_space<hbm>>) target(%dma_start3A_1019 : memref<128x128xf32, #tpu.memory_space<vmem>>) offsets(%dma_start3A_1021 : memref<128xi32, #tpu.memory_space<vmem>>) semaphore(%arg13 : memref<!tpu.dma_semaphore, #tpu.memory_space<semaphore_mem>>) {add = true}
    %dma_start3A_1025 = arith.constant 2 : i32
    %dma_start3A_1026 = arith.constant 128 : i32
    %dma_start3A_1027 = arith.constant 0 : i32
    %dma_start3A_1028 = tpu.memref_slice %arg12[%dma_start3A_1025, %dma_start3A_1026, %dma_start3A_1027] : memref<5x200x128xf32, #tpu.memory_space<vmem>> -> memref<1x72x128xf32, #tpu.memory_space<vmem>>
    %dma_start3A_1029 = tpu.memref_squeeze %dma_start3A_1028 : memref<1x72x128xf32, #tpu.memory_space<vmem>> -> memref<72x128xf32, #tpu.memory_space<vmem>>
    %dma_start3A_1030 = arith.constant 128 : i32
    %dma_start3A_1031 = tpu.memref_slice %arg9[%dma_start3A_1030] : memref<200xi32, #tpu.memory_space<vmem>> -> memref<72xi32, #tpu.memory_space<vmem>>
    %dma_start3A_1032 = arith.constant 0 : i32
    %dma_start3A_1033 = arith.constant 0 : i32
    %dma_start3A_1034 = tpu.memref_slice %arg3[%dma_start3A_1032, %dma_start3A_1033] : memref<100000x128xf32, #tpu.memory_space<hbm>> -> memref<100000x128xf32, #tpu.memory_space<hbm>>
    tpu.enqueue_indirect_dma source(%dma_start3A_1034 : memref<100000x128xf32, #tpu.memory_space<hbm>>) target(%dma_start3A_1029 : memref<72x128xf32, #tpu.memory_space<vmem>>) offsets(%dma_start3A_1031 : memref<72xi32, #tpu.memory_space<vmem>>) semaphore(%arg13 : memref<!tpu.dma_semaphore, #tpu.memory_space<semaphore_mem>>) {add = true}
    %dma_wait3A_1035 = arith.constant 0 : i32
    %dma_wait3A_1036 = arith.constant 0 : i32
    %dma_wait3A_1037 = arith.constant 0 : i32
    %dma_wait3A_1038 = tpu.memref_slice %arg12[%dma_wait3A_1035, %dma_wait3A_1036, %dma_wait3A_1037] : memref<5x200x128xf32, #tpu.memory_space<vmem>> -> memref<1x128x128xf32, #tpu.memory_space<vmem>>
    %dma_wait3A_1039 = tpu.memref_squeeze %dma_wait3A_1038 : memref<1x128x128xf32, #tpu.memory_space<vmem>> -> memref<128x128xf32, #tpu.memory_space<vmem>>
    %dma_wait3A_1040 = arith.constant 0 : i32
    %dma_wait3A_1041 = tpu.memref_slice %arg7[%dma_wait3A_1040] : memref<200xi32, #tpu.memory_space<vmem>> -> memref<128xi32, #tpu.memory_space<vmem>>
    %dma_wait3A_1042 = arith.constant 0 : i32
    %dma_wait3A_1043 = arith.constant 0 : i32
    %dma_wait3A_1044 = tpu.memref_slice %arg3[%dma_wait3A_1042, %dma_wait3A_1043] : memref<100000x128xf32, #tpu.memory_space<hbm>> -> memref<100000x128xf32, #tpu.memory_space<hbm>>
    tpu.wait_indirect_dma semaphore(%arg13 : memref<!tpu.dma_semaphore, #tpu.memory_space<semaphore_mem>>) src(%dma_wait3A_1044 : memref<100000x128xf32, #tpu.memory_space<hbm>>) dst(%dma_wait3A_1039 : memref<128x128xf32, #tpu.memory_space<vmem>>)
    %dma_wait3A_1045 = arith.constant 0 : i32
    %dma_wait3A_1046 = arith.constant 128 : i32
    %dma_wait3A_1047 = arith.constant 0 : i32
    %dma_wait3A_1048 = tpu.memref_slice %arg12[%dma_wait3A_1045, %dma_wait3A_1046, %dma_wait3A_1047] : memref<5x200x128xf32, #tpu.memory_space<vmem>> -> memref<1x72x128xf32, #tpu.memory_space<vmem>>
    %dma_wait3A_1049 = tpu.memref_squeeze %dma_wait3A_1048 : memref<1x72x128xf32, #tpu.memory_space<vmem>> -> memref<72x128xf32, #tpu.memory_space<vmem>>
    %dma_wait3A_1050 = arith.constant 0 : i32
    %dma_wait3A_1051 = tpu.memref_slice %arg7[%dma_wait3A_1050] : memref<200xi32, #tpu.memory_space<vmem>> -> memref<72xi32, #tpu.memory_space<vmem>>
    %dma_wait3A_1052 = arith.constant 0 : i32
    %dma_wait3A_1053 = arith.constant 0 : i32
    %dma_wait3A_1054 = tpu.memref_slice %arg3[%dma_wait3A_1052, %dma_wait3A_1053] : memref<100000x128xf32, #tpu.memory_space<hbm>> -> memref<100000x128xf32, #tpu.memory_space<hbm>>
    tpu.wait_indirect_dma semaphore(%arg13 : memref<!tpu.dma_semaphore, #tpu.memory_space<semaphore_mem>>) src(%dma_wait3A_1054 : memref<100000x128xf32, #tpu.memory_space<hbm>>) dst(%dma_wait3A_1049 : memref<72x128xf32, #tpu.memory_space<vmem>>)
    %add3A_1055 = arith.constant 25000 : i32
    %add3A_1056 = arith.addi %mul3A_4, %add3A_1055 : i32
    %dma_start3A_1057 = arith.constant 0 : i32
    %dma_start3A_1058 = arith.constant 0 : i32
    %dma_start3A_1059 = arith.constant 0 : i32
    %dma_start3A_1060 = tpu.memref_slice %arg12[%dma_start3A_1057, %dma_start3A_1058, %dma_start3A_1059] : memref<5x200x128xf32, #tpu.memory_space<vmem>> -> memref<1x200x128xf32, #tpu.memory_space<vmem>>
    %dma_start3A_1061 = tpu.memref_squeeze %dma_start3A_1060 : memref<1x200x128xf32, #tpu.memory_space<vmem>> -> memref<200x128xf32, #tpu.memory_space<vmem>>
    %dma_start3A_1062 = arith.constant 0 : i32
    %dma_start3A_1063 = tpu.memref_slice %arg5[%add3A_1056, %dma_start3A_1062] : memref<819200x128xf32, #tpu.memory_space<hbm>> -> memref<200x128xf32, #tpu.memory_space<hbm>>
    %dma_start3A_1064 = arith.constant 0 : i32
    %dma_start3A_1065 = tpu.memref_slice %arg5[%add3A_1056, %dma_start3A_1064] : memref<819200x128xf32, #tpu.memory_space<hbm>> -> memref<200x128xf32, #tpu.memory_space<hbm>>
    %dma_start3A_1066 = arith.constant 0 : i32
    %dma_start3A_1067 = arith.constant 0 : i32
    %dma_start3A_1068 = tpu.memref_slice %arg12[%dma_start3A_1057, %dma_start3A_1066, %dma_start3A_1067] : memref<5x200x128xf32, #tpu.memory_space<vmem>> -> memref<1x200x128xf32, #tpu.memory_space<vmem>>
    %dma_start3A_1069 = tpu.memref_squeeze %dma_start3A_1068 : memref<1x200x128xf32, #tpu.memory_space<vmem>> -> memref<200x128xf32, #tpu.memory_space<vmem>>
    tpu.enqueue_dma source(%dma_start3A_1069 : memref<200x128xf32, #tpu.memory_space<vmem>>) target(%dma_start3A_1065 : memref<200x128xf32, #tpu.memory_space<hbm>>) target_semaphore(%arg14 : memref<!tpu.dma_semaphore, #tpu.memory_space<semaphore_mem>>)
    %dma_wait3A_1070 = arith.constant 1 : i32
    %dma_wait3A_1071 = arith.constant 0 : i32
    %dma_wait3A_1072 = arith.constant 0 : i32
    %dma_wait3A_1073 = tpu.memref_slice %arg12[%dma_wait3A_1070, %dma_wait3A_1071, %dma_wait3A_1072] : memref<5x200x128xf32, #tpu.memory_space<vmem>> -> memref<1x128x128xf32, #tpu.memory_space<vmem>>
    %dma_wait3A_1074 = tpu.memref_squeeze %dma_wait3A_1073 : memref<1x128x128xf32, #tpu.memory_space<vmem>> -> memref<128x128xf32, #tpu.memory_space<vmem>>
    %dma_wait3A_1075 = arith.constant 0 : i32
    %dma_wait3A_1076 = tpu.memref_slice %arg8[%dma_wait3A_1075] : memref<200xi32, #tpu.memory_space<vmem>> -> memref<128xi32, #tpu.memory_space<vmem>>
    %dma_wait3A_1077 = arith.constant 0 : i32
    %dma_wait3A_1078 = arith.constant 0 : i32
    %dma_wait3A_1079 = tpu.memref_slice %arg3[%dma_wait3A_1077, %dma_wait3A_1078] : memref<100000x128xf32, #tpu.memory_space<hbm>> -> memref<100000x128xf32, #tpu.memory_space<hbm>>
    tpu.wait_indirect_dma semaphore(%arg13 : memref<!tpu.dma_semaphore, #tpu.memory_space<semaphore_mem>>) src(%dma_wait3A_1079 : memref<100000x128xf32, #tpu.memory_space<hbm>>) dst(%dma_wait3A_1074 : memref<128x128xf32, #tpu.memory_space<vmem>>)
    %dma_wait3A_1080 = arith.constant 1 : i32
    %dma_wait3A_1081 = arith.constant 128 : i32
    %dma_wait3A_1082 = arith.constant 0 : i32
    %dma_wait3A_1083 = tpu.memref_slice %arg12[%dma_wait3A_1080, %dma_wait3A_1081, %dma_wait3A_1082] : memref<5x200x128xf32, #tpu.memory_space<vmem>> -> memref<1x72x128xf32, #tpu.memory_space<vmem>>
    %dma_wait3A_1084 = tpu.memref_squeeze %dma_wait3A_1083 : memref<1x72x128xf32, #tpu.memory_space<vmem>> -> memref<72x128xf32, #tpu.memory_space<vmem>>
    %dma_wait3A_1085 = arith.constant 0 : i32
    %dma_wait3A_1086 = tpu.memref_slice %arg8[%dma_wait3A_1085] : memref<200xi32, #tpu.memory_space<vmem>> -> memref<72xi32, #tpu.memory_space<vmem>>
    %dma_wait3A_1087 = arith.constant 0 : i32
    %dma_wait3A_1088 = arith.constant 0 : i32
    %dma_wait3A_1089 = tpu.memref_slice %arg3[%dma_wait3A_1087, %dma_wait3A_1088] : memref<100000x128xf32, #tpu.memory_space<hbm>> -> memref<100000x128xf32, #tpu.memory_space<hbm>>
    tpu.wait_indirect_dma semaphore(%arg13 : memref<!tpu.dma_semaphore, #tpu.memory_space<semaphore_mem>>) src(%dma_wait3A_1089 : memref<100000x128xf32, #tpu.memory_space<hbm>>) dst(%dma_wait3A_1084 : memref<72x128xf32, #tpu.memory_space<vmem>>)
    %add3A_1090 = arith.constant 25200 : i32
    %add3A_1091 = arith.addi %mul3A_4, %add3A_1090 : i32
    %dma_start3A_1092 = arith.constant 1 : i32
    %dma_start3A_1093 = arith.constant 0 : i32
    %dma_start3A_1094 = arith.constant 0 : i32
    %dma_start3A_1095 = tpu.memref_slice %arg12[%dma_start3A_1092, %dma_start3A_1093, %dma_start3A_1094] : memref<5x200x128xf32, #tpu.memory_space<vmem>> -> memref<1x200x128xf32, #tpu.memory_space<vmem>>
    %dma_start3A_1096 = tpu.memref_squeeze %dma_start3A_1095 : memref<1x200x128xf32, #tpu.memory_space<vmem>> -> memref<200x128xf32, #tpu.memory_space<vmem>>
    %dma_start3A_1097 = arith.constant 0 : i32
    %dma_start3A_1098 = tpu.memref_slice %arg5[%add3A_1091, %dma_start3A_1097] : memref<819200x128xf32, #tpu.memory_space<hbm>> -> memref<200x128xf32, #tpu.memory_space<hbm>>
    %dma_start3A_1099 = arith.constant 0 : i32
    %dma_start3A_1100 = tpu.memref_slice %arg5[%add3A_1091, %dma_start3A_1099] : memref<819200x128xf32, #tpu.memory_space<hbm>> -> memref<200x128xf32, #tpu.memory_space<hbm>>
    %dma_start3A_1101 = arith.constant 0 : i32
    %dma_start3A_1102 = arith.constant 0 : i32
    %dma_start3A_1103 = tpu.memref_slice %arg12[%dma_start3A_1092, %dma_start3A_1101, %dma_start3A_1102] : memref<5x200x128xf32, #tpu.memory_space<vmem>> -> memref<1x200x128xf32, #tpu.memory_space<vmem>>
    %dma_start3A_1104 = tpu.memref_squeeze %dma_start3A_1103 : memref<1x200x128xf32, #tpu.memory_space<vmem>> -> memref<200x128xf32, #tpu.memory_space<vmem>>
    tpu.enqueue_dma source(%dma_start3A_1104 : memref<200x128xf32, #tpu.memory_space<vmem>>) target(%dma_start3A_1100 : memref<200x128xf32, #tpu.memory_space<hbm>>) target_semaphore(%arg15 : memref<!tpu.dma_semaphore, #tpu.memory_space<semaphore_mem>>)
    %dma_wait3A_1105 = arith.constant 2 : i32
    %dma_wait3A_1106 = arith.constant 0 : i32
    %dma_wait3A_1107 = arith.constant 0 : i32
    %dma_wait3A_1108 = tpu.memref_slice %arg12[%dma_wait3A_1105, %dma_wait3A_1106, %dma_wait3A_1107] : memref<5x200x128xf32, #tpu.memory_space<vmem>> -> memref<1x128x128xf32, #tpu.memory_space<vmem>>
    %dma_wait3A_1109 = tpu.memref_squeeze %dma_wait3A_1108 : memref<1x128x128xf32, #tpu.memory_space<vmem>> -> memref<128x128xf32, #tpu.memory_space<vmem>>
    %dma_wait3A_1110 = arith.constant 0 : i32
    %dma_wait3A_1111 = tpu.memref_slice %arg9[%dma_wait3A_1110] : memref<200xi32, #tpu.memory_space<vmem>> -> memref<128xi32, #tpu.memory_space<vmem>>
    %dma_wait3A_1112 = arith.constant 0 : i32
    %dma_wait3A_1113 = arith.constant 0 : i32
    %dma_wait3A_1114 = tpu.memref_slice %arg3[%dma_wait3A_1112, %dma_wait3A_1113] : memref<100000x128xf32, #tpu.memory_space<hbm>> -> memref<100000x128xf32, #tpu.memory_space<hbm>>
    tpu.wait_indirect_dma semaphore(%arg13 : memref<!tpu.dma_semaphore, #tpu.memory_space<semaphore_mem>>) src(%dma_wait3A_1114 : memref<100000x128xf32, #tpu.memory_space<hbm>>) dst(%dma_wait3A_1109 : memref<128x128xf32, #tpu.memory_space<vmem>>)
    %dma_wait3A_1115 = arith.constant 2 : i32
    %dma_wait3A_1116 = arith.constant 128 : i32
    %dma_wait3A_1117 = arith.constant 0 : i32
    %dma_wait3A_1118 = tpu.memref_slice %arg12[%dma_wait3A_1115, %dma_wait3A_1116, %dma_wait3A_1117] : memref<5x200x128xf32, #tpu.memory_space<vmem>> -> memref<1x72x128xf32, #tpu.memory_space<vmem>>
    %dma_wait3A_1119 = tpu.memref_squeeze %dma_wait3A_1118 : memref<1x72x128xf32, #tpu.memory_space<vmem>> -> memref<72x128xf32, #tpu.memory_space<vmem>>
    %dma_wait3A_1120 = arith.constant 0 : i32
    %dma_wait3A_1121 = tpu.memref_slice %arg9[%dma_wait3A_1120] : memref<200xi32, #tpu.memory_space<vmem>> -> memref<72xi32, #tpu.memory_space<vmem>>
    %dma_wait3A_1122 = arith.constant 0 : i32
    %dma_wait3A_1123 = arith.constant 0 : i32
    %dma_wait3A_1124 = tpu.memref_slice %arg3[%dma_wait3A_1122, %dma_wait3A_1123] : memref<100000x128xf32, #tpu.memory_space<hbm>> -> memref<100000x128xf32, #tpu.memory_space<hbm>>
    tpu.wait_indirect_dma semaphore(%arg13 : memref<!tpu.dma_semaphore, #tpu.memory_space<semaphore_mem>>) src(%dma_wait3A_1124 : memref<100000x128xf32, #tpu.memory_space<hbm>>) dst(%dma_wait3A_1119 : memref<72x128xf32, #tpu.memory_space<vmem>>)
    %add3A_1125 = arith.constant 25400 : i32
    %add3A_1126 = arith.addi %mul3A_4, %add3A_1125 : i32
    %dma_start3A_1127 = arith.constant 2 : i32
    %dma_start3A_1128 = arith.constant 0 : i32
    %dma_start3A_1129 = arith.constant 0 : i32
    %dma_start3A_1130 = tpu.memref_slice %arg12[%dma_start3A_1127, %dma_start3A_1128, %dma_start3A_1129] : memref<5x200x128xf32, #tpu.memory_space<vmem>> -> memref<1x200x128xf32, #tpu.memory_space<vmem>>
    %dma_start3A_1131 = tpu.memref_squeeze %dma_start3A_1130 : memref<1x200x128xf32, #tpu.memory_space<vmem>> -> memref<200x128xf32, #tpu.memory_space<vmem>>
    %dma_start3A_1132 = arith.constant 0 : i32
    %dma_start3A_1133 = tpu.memref_slice %arg5[%add3A_1126, %dma_start3A_1132] : memref<819200x128xf32, #tpu.memory_space<hbm>> -> memref<200x128xf32, #tpu.memory_space<hbm>>
    %dma_start3A_1134 = arith.constant 0 : i32
    %dma_start3A_1135 = tpu.memref_slice %arg5[%add3A_1126, %dma_start3A_1134] : memref<819200x128xf32, #tpu.memory_space<hbm>> -> memref<200x128xf32, #tpu.memory_space<hbm>>
    %dma_start3A_1136 = arith.constant 0 : i32
    %dma_start3A_1137 = arith.constant 0 : i32
    %dma_start3A_1138 = tpu.memref_slice %arg12[%dma_start3A_1127, %dma_start3A_1136, %dma_start3A_1137] : memref<5x200x128xf32, #tpu.memory_space<vmem>> -> memref<1x200x128xf32, #tpu.memory_space<vmem>>
    %dma_start3A_1139 = tpu.memref_squeeze %dma_start3A_1138 : memref<1x200x128xf32, #tpu.memory_space<vmem>> -> memref<200x128xf32, #tpu.memory_space<vmem>>
    tpu.enqueue_dma source(%dma_start3A_1139 : memref<200x128xf32, #tpu.memory_space<vmem>>) target(%dma_start3A_1135 : memref<200x128xf32, #tpu.memory_space<hbm>>) target_semaphore(%arg16 : memref<!tpu.dma_semaphore, #tpu.memory_space<semaphore_mem>>)
    %dma_wait3A_1140 = arith.constant 0 : i32
    %dma_wait3A_1141 = arith.constant 0 : i32
    %dma_wait3A_1142 = arith.constant 0 : i32
    %dma_wait3A_1143 = tpu.memref_slice %arg12[%dma_wait3A_1140, %dma_wait3A_1141, %dma_wait3A_1142] : memref<5x200x128xf32, #tpu.memory_space<vmem>> -> memref<1x200x128xf32, #tpu.memory_space<vmem>>
    %dma_wait3A_1144 = tpu.memref_squeeze %dma_wait3A_1143 : memref<1x200x128xf32, #tpu.memory_space<vmem>> -> memref<200x128xf32, #tpu.memory_space<vmem>>
    %dma_wait3A_1145 = arith.constant 0 : i32
    %dma_wait3A_1146 = tpu.memref_slice %arg5[%mul3A_4, %dma_wait3A_1145] : memref<819200x128xf32, #tpu.memory_space<hbm>> -> memref<200x128xf32, #tpu.memory_space<hbm>>
    %dma_wait3A_1147 = arith.constant 0 : i32
    %dma_wait3A_1148 = tpu.memref_slice %arg5[%mul3A_4, %dma_wait3A_1147] : memref<819200x128xf32, #tpu.memory_space<hbm>> -> memref<200x128xf32, #tpu.memory_space<hbm>>
    %dma_wait3A_1149 = arith.constant 0 : i32
    %dma_wait3A_1150 = arith.constant 0 : i32
    %dma_wait3A_1151 = tpu.memref_slice %arg12[%dma_wait3A_1140, %dma_wait3A_1149, %dma_wait3A_1150] : memref<5x200x128xf32, #tpu.memory_space<vmem>> -> memref<1x200x128xf32, #tpu.memory_space<vmem>>
    %dma_wait3A_1152 = tpu.memref_squeeze %dma_wait3A_1151 : memref<1x200x128xf32, #tpu.memory_space<vmem>> -> memref<200x128xf32, #tpu.memory_space<vmem>>
    tpu.wait_dma2 semaphore(%arg14 : memref<!tpu.dma_semaphore, #tpu.memory_space<semaphore_mem>>) src(%dma_wait3A_1152 : memref<200x128xf32, #tpu.memory_space<vmem>>) dst(%dma_wait3A_1148 : memref<200x128xf32, #tpu.memory_space<hbm>>)
    %dma_wait3A_1153 = arith.constant 1 : i32
    %dma_wait3A_1154 = arith.constant 0 : i32
    %dma_wait3A_1155 = arith.constant 0 : i32
    %dma_wait3A_1156 = tpu.memref_slice %arg12[%dma_wait3A_1153, %dma_wait3A_1154, %dma_wait3A_1155] : memref<5x200x128xf32, #tpu.memory_space<vmem>> -> memref<1x200x128xf32, #tpu.memory_space<vmem>>
    %dma_wait3A_1157 = tpu.memref_squeeze %dma_wait3A_1156 : memref<1x200x128xf32, #tpu.memory_space<vmem>> -> memref<200x128xf32, #tpu.memory_space<vmem>>
    %dma_wait3A_1158 = arith.constant 0 : i32
    %dma_wait3A_1159 = tpu.memref_slice %arg5[%mul3A_4, %dma_wait3A_1158] : memref<819200x128xf32, #tpu.memory_space<hbm>> -> memref<200x128xf32, #tpu.memory_space<hbm>>
    %dma_wait3A_1160 = arith.constant 0 : i32
    %dma_wait3A_1161 = tpu.memref_slice %arg5[%mul3A_4, %dma_wait3A_1160] : memref<819200x128xf32, #tpu.memory_space<hbm>> -> memref<200x128xf32, #tpu.memory_space<hbm>>
    %dma_wait3A_1162 = arith.constant 0 : i32
    %dma_wait3A_1163 = arith.constant 0 : i32
    %dma_wait3A_1164 = tpu.memref_slice %arg12[%dma_wait3A_1153, %dma_wait3A_1162, %dma_wait3A_1163] : memref<5x200x128xf32, #tpu.memory_space<vmem>> -> memref<1x200x128xf32, #tpu.memory_space<vmem>>
    %dma_wait3A_1165 = tpu.memref_squeeze %dma_wait3A_1164 : memref<1x200x128xf32, #tpu.memory_space<vmem>> -> memref<200x128xf32, #tpu.memory_space<vmem>>
    tpu.wait_dma2 semaphore(%arg15 : memref<!tpu.dma_semaphore, #tpu.memory_space<semaphore_mem>>) src(%dma_wait3A_1165 : memref<200x128xf32, #tpu.memory_space<vmem>>) dst(%dma_wait3A_1161 : memref<200x128xf32, #tpu.memory_space<hbm>>)
    %dma_wait3A_1166 = arith.constant 2 : i32
    %dma_wait3A_1167 = arith.constant 0 : i32
    %dma_wait3A_1168 = arith.constant 0 : i32
    %dma_wait3A_1169 = tpu.memref_slice %arg12[%dma_wait3A_1166, %dma_wait3A_1167, %dma_wait3A_1168] : memref<5x200x128xf32, #tpu.memory_space<vmem>> -> memref<1x200x128xf32, #tpu.memory_space<vmem>>
    %dma_wait3A_1170 = tpu.memref_squeeze %dma_wait3A_1169 : memref<1x200x128xf32, #tpu.memory_space<vmem>> -> memref<200x128xf32, #tpu.memory_space<vmem>>
    %dma_wait3A_1171 = arith.constant 0 : i32
    %dma_wait3A_1172 = tpu.memref_slice %arg5[%mul3A_4, %dma_wait3A_1171] : memref<819200x128xf32, #tpu.memory_space<hbm>> -> memref<200x128xf32, #tpu.memory_space<hbm>>
    %dma_wait3A_1173 = arith.constant 0 : i32
    %dma_wait3A_1174 = tpu.memref_slice %arg5[%mul3A_4, %dma_wait3A_1173] : memref<819200x128xf32, #tpu.memory_space<hbm>> -> memref<200x128xf32, #tpu.memory_space<hbm>>
    %dma_wait3A_1175 = arith.constant 0 : i32
    %dma_wait3A_1176 = arith.constant 0 : i32
    %dma_wait3A_1177 = tpu.memref_slice %arg12[%dma_wait3A_1166, %dma_wait3A_1175, %dma_wait3A_1176] : memref<5x200x128xf32, #tpu.memory_space<vmem>> -> memref<1x200x128xf32, #tpu.memory_space<vmem>>
    %dma_wait3A_1178 = tpu.memref_squeeze %dma_wait3A_1177 : memref<1x200x128xf32, #tpu.memory_space<vmem>> -> memref<200x128xf32, #tpu.memory_space<vmem>>
    tpu.wait_dma2 semaphore(%arg16 : memref<!tpu.dma_semaphore, #tpu.memory_space<semaphore_mem>>) src(%dma_wait3A_1178 : memref<200x128xf32, #tpu.memory_space<vmem>>) dst(%dma_wait3A_1174 : memref<200x128xf32, #tpu.memory_space<hbm>>)
    %dma_wait3A_1179 = arith.constant 3 : i32
    %dma_wait3A_1180 = arith.constant 0 : i32
    %dma_wait3A_1181 = arith.constant 0 : i32
    %dma_wait3A_1182 = tpu.memref_slice %arg12[%dma_wait3A_1179, %dma_wait3A_1180, %dma_wait3A_1181] : memref<5x200x128xf32, #tpu.memory_space<vmem>> -> memref<1x200x128xf32, #tpu.memory_space<vmem>>
    %dma_wait3A_1183 = tpu.memref_squeeze %dma_wait3A_1182 : memref<1x200x128xf32, #tpu.memory_space<vmem>> -> memref<200x128xf32, #tpu.memory_space<vmem>>
    %dma_wait3A_1184 = arith.constant 0 : i32
    %dma_wait3A_1185 = tpu.memref_slice %arg5[%mul3A_4, %dma_wait3A_1184] : memref<819200x128xf32, #tpu.memory_space<hbm>> -> memref<200x128xf32, #tpu.memory_space<hbm>>
    %dma_wait3A_1186 = arith.constant 0 : i32
    %dma_wait3A_1187 = tpu.memref_slice %arg5[%mul3A_4, %dma_wait3A_1186] : memref<819200x128xf32, #tpu.memory_space<hbm>> -> memref<200x128xf32, #tpu.memory_space<hbm>>
    %dma_wait3A_1188 = arith.constant 0 : i32
    %dma_wait3A_1189 = arith.constant 0 : i32
    %dma_wait3A_1190 = tpu.memref_slice %arg12[%dma_wait3A_1179, %dma_wait3A_1188, %dma_wait3A_1189] : memref<5x200x128xf32, #tpu.memory_space<vmem>> -> memref<1x200x128xf32, #tpu.memory_space<vmem>>
    %dma_wait3A_1191 = tpu.memref_squeeze %dma_wait3A_1190 : memref<1x200x128xf32, #tpu.memory_space<vmem>> -> memref<200x128xf32, #tpu.memory_space<vmem>>
    tpu.wait_dma2 semaphore(%arg17 : memref<!tpu.dma_semaphore, #tpu.memory_space<semaphore_mem>>) src(%dma_wait3A_1191 : memref<200x128xf32, #tpu.memory_space<vmem>>) dst(%dma_wait3A_1187 : memref<200x128xf32, #tpu.memory_space<hbm>>)
    %dma_wait3A_1192 = arith.constant 4 : i32
    %dma_wait3A_1193 = arith.constant 0 : i32
    %dma_wait3A_1194 = arith.constant 0 : i32
    %dma_wait3A_1195 = tpu.memref_slice %arg12[%dma_wait3A_1192, %dma_wait3A_1193, %dma_wait3A_1194] : memref<5x200x128xf32, #tpu.memory_space<vmem>> -> memref<1x200x128xf32, #tpu.memory_space<vmem>>
    %dma_wait3A_1196 = tpu.memref_squeeze %dma_wait3A_1195 : memref<1x200x128xf32, #tpu.memory_space<vmem>> -> memref<200x128xf32, #tpu.memory_space<vmem>>
    %dma_wait3A_1197 = arith.constant 0 : i32
    %dma_wait3A_1198 = tpu.memref_slice %arg5[%mul3A_4, %dma_wait3A_1197] : memref<819200x128xf32, #tpu.memory_space<hbm>> -> memref<200x128xf32, #tpu.memory_space<hbm>>
    %dma_wait3A_1199 = arith.constant 0 : i32
    %dma_wait3A_1200 = tpu.memref_slice %arg5[%mul3A_4, %dma_wait3A_1199] : memref<819200x128xf32, #tpu.memory_space<hbm>> -> memref<200x128xf32, #tpu.memory_space<hbm>>
    %dma_wait3A_1201 = arith.constant 0 : i32
    %dma_wait3A_1202 = arith.constant 0 : i32
    %dma_wait3A_1203 = tpu.memref_slice %arg12[%dma_wait3A_1192, %dma_wait3A_1201, %dma_wait3A_1202] : memref<5x200x128xf32, #tpu.memory_space<vmem>> -> memref<1x200x128xf32, #tpu.memory_space<vmem>>
    %dma_wait3A_1204 = tpu.memref_squeeze %dma_wait3A_1203 : memref<1x200x128xf32, #tpu.memory_space<vmem>> -> memref<200x128xf32, #tpu.memory_space<vmem>>
    tpu.wait_dma2 semaphore(%arg18 : memref<!tpu.dma_semaphore, #tpu.memory_space<semaphore_mem>>) src(%dma_wait3A_1204 : memref<200x128xf32, #tpu.memory_space<vmem>>) dst(%dma_wait3A_1200 : memref<200x128xf32, #tpu.memory_space<hbm>>)
    return
  }
}

</mosaic_0001>

<sc_bundles>
// kernel: kernel.3.cloned.1.call-start
scs
__scs_entry_jumppad:
0x0: {  	(pc) =	sbr.rel $0x88, $3  }
0x1: {  	(tag) =	ssettag $0x0;
	lr =	simm.s32 $0x1  }
0x2: {  	[smem:$0x3F9E] =	sst lr;
	_ =	strace $0xD0000000  }
0x3: {  	_ = 	snop  }
0x4: {  	_ = 	snop  }
0x5: {  	_ = 	snop  }
0x6: {  	_ = 	snop  }
0x7: {  	_ = 	snop  }
__scs_overlays_trampoline_lowered:
0x8: {  	[smem:$0x3FAD] =	sst s0  }
0x9: {  	[smem:$0x3FAE] =	sst s1  }
0xa: {  	[smem:$0x3FAF] =	sst s2  }
0xb: {  	[smem:$0x3FB0] =	sst s3  }
0xc: {  	[smem:$0x3FB1] =	sst s4  }
0xd: {  	[smem:$0x3FB2] =	sst s5  }
0xe: {  	[smem:$0x3FB3] =	sst s6  }
0xf: {  	[smem:$0x3FB4] =	sst s7  }
0x10: {  	[smem:$0x3FB5] =	sst s8  }
0x11: {  	[smem:$0x3FB6] =	sst s9;
	s0 =	simm.s32 @!p0 $0x0  }
0x12: {  	s1 =	sld [smem:$0x3F9C];
	s0 =	simm.s32 @p0 $0x1  }
0x13: {  	[smem:$0x3FB7] =	sst s0;
	s0 =	simm.s32 @!p1 $0x0  }
0x14: {  	s2 =	sld [smem:$0x3F9B];
	s0 =	simm.s32 @p1 $0x1  }
0x15: {  	[smem:$0x3FB8] =	sst s0;
	s0 =	simm.s32 @!p2 $0x0  }
0x16: {  	s3 =	sld [smem:$0x3FDB];
	s0 =	simm.s32 @p2 $0x1  }
0x17: {  	s4 =	simm.s32 $0x1BF5;
	[smem:$0x3FBA] =	sst s0  }
0x18: {  	s0 =	sld [smem:$0x3F9D];
	_ =	swait.ge [sflag:s4], $0x0  }
0x19: {  	s7 =	sld [smem:$0x3F9E]  }
0x1a: {  	s8 =	sadd.s32 $0xFFFFE003, lr  }
0x1b: {  	s9 =	sadd.s32 $0xFFFFFEF7, lr;
	s5 =	simm.s32 $0xFFFFFFFF;
	p2 =	slt.u32 s8, $0xFFFFF086  }
0x1c: {  	p1 =	slt.u32 s9, $0xF7A;
	s5 =	simm.s32 @!p2 $0x0  }
0x1d: {  	s5 =	simm.s32 @p1 $0x1;
	p0 =	seq.s32 s7, s2  }
0x1e: {  	s7 =	smul.u32 @!p0 $0xF7A, s2;
	p2 =	seq.s32 @!p0 s5, $0x0  }
0x1f: {  	s9 =	smul.u32 $0xF7A, s1;
	s8 =	simm.s32 @!p0 $0x1BF5;
	p2 =	por !p2, p0  }
0x20: {  	[sflag:s8] =	ssyncset.s32 @!p0 $0xFFFFF086;
	s6 =	sadd.s32 @!p0 s3, s7;
	s7 =	simm.s32 @!p0 $0x108  }
0x21: {  	s3 =	sadd.s32 s3, s9;
	s6 =	sadd.s32 @!p0 $0x88, s6;
	s7 =	simm.s32 @p2 $0x1082  }
0x22: {  	[simem:s7], [sflag:s8] =	dma.local @!p0 [hbm:s6], $0xF7A  }
0x23: {  	s9 =	sor.u32 $0xD0000000, s2;
	s6 =	simm.s32 $0x108;
	_ =	swait.ge @!p0 [sflag:s8], $0x0  }
0x24: {  	s3 =	sadd.s32 $0x88, s3;
	s6 =	simm.s32 @!p1 $0x1082;
	[sflag:s4] =	ssyncset.s32 $0xFFFFF086  }
0x25: {  	[simem:s6], [sflag:s4] =	dma.local [hbm:s3], $0xF7A  }
0x26: {  	[smem:$0x3F9E] =	sst s1;
	(tag) =	ssettag s2;
	_ =	strace s9  }
0x27: {  	s1 =	sld [smem:$0x3FAE]  }
0x28: {  	s2 =	sld [smem:$0x3FAF]  }
0x29: {  	s4 =	sld [smem:$0x3FB1]  }
0x2a: {  	p0 =	seq.s32 s5, $0x0;
	s5 =	sld [smem:$0x3FB2]  }
0x2b: {  	s6 =	sld [smem:$0x3FB3]  }
0x2c: {  	s7 =	sld [smem:$0x3FB4]  }
0x2d: {  	s3 =	simm.s32 $0x108;
	s8 =	sld [smem:$0x3FB5]  }
0x2e: {  	s3 =	simm.s32 @!p0 $0x1082;
	s9 =	sld [smem:$0x3FB6]  }
0x2f: {  	lr =	sadd.s32 s0, s3;
	s0 =	sld [smem:$0x3FAD]  }
0x30: {  	s3 =	sld [smem:$0x3FB0]  }
0x31: {  	[smem:$0x3FB9] =	sst s10  }
0x32: {  	s10 =	sld [smem:$0x3FB7];
	_ =	sdelay $0x3  }
0x33: {  	p0 =	seq.s32 s10, $0x1;
	s10 =	sld [smem:$0x3FB9];
	_ =	sdelay $0x3  }
0x34: {  	[smem:$0x3FB9] =	sst s10  }
0x35: {  	s10 =	sld [smem:$0x3FB8];
	_ =	sdelay $0x3  }
0x36: {  	p1 =	seq.s32 s10, $0x1;
	s10 =	sld [smem:$0x3FB9];
	_ =	sdelay $0x3  }
0x37: {  	[smem:$0x3FB9] =	sst s10  }
0x38: {  	s10 =	sld [smem:$0x3FBA]  }
0x39: {  	_ = 	snop;
	(pc) =	sbr.ind lr, $3  }
0x3a: {  	_ = 	snop  }
0x3b: {  	_ = 	snop  }
0x3c: {  	p2 =	seq.s32 s10, $0x1;
	s10 =	sld [smem:$0x3FB9]  }
0x3d: {  	_ =	shalt  }
0x3e: {  	_ =	shalt  }
0x3f: {  	_ =	shalt  }
0x40: {  	_ =	shalt  }
0x41: {  	_ =	shalt  }
0x42: {  	_ =	shalt  }
0x43: {  	_ =	shalt  }
0x44: {  	_ =	shalt  }
0x45: {  	_ =	shalt  }
0x46: {  	_ =	shalt  }
0x47: {  	_ =	shalt  }
0x48: {  	_ =	shalt  }
0x49: {  	_ =	shalt  }
0x4a: {  	_ =	shalt  }
0x4b: {  	_ =	shalt  }
0x4c: {  	_ =	shalt  }
0x4d: {  	_ =	shalt  }
0x4e: {  	_ =	shalt  }
0x4f: {  	_ =	shalt  }
0x50: {  	_ =	shalt  }
0x51: {  	_ =	shalt  }
0x52: {  	_ =	shalt  }
0x53: {  	_ =	shalt  }
0x54: {  	_ =	shalt  }
0x55: {  	_ =	shalt  }
0x56: {  	_ =	shalt  }
0x57: {  	_ =	shalt  }
0x58: {  	_ =	shalt  }
0x59: {  	_ =	shalt  }
0x5a: {  	_ =	shalt  }
0x5b: {  	_ =	shalt  }
0x5c: {  	_ =	shalt  }
0x5d: {  	_ =	shalt  }
0x5e: {  	_ =	shalt  }
0x5f: {  	_ =	shalt  }
0x60: {  	_ =	shalt  }
0x61: {  	_ =	shalt  }
0x62: {  	_ =	shalt  }
0x63: {  	_ =	shalt  }
0x64: {  	_ =	shalt  }
0x65: {  	_ =	shalt  }
0x66: {  	_ =	shalt  }
0x67: {  	_ =	shalt  }
0x68: {  	_ =	shalt  }
0x69: {  	_ =	shalt  }
0x6a: {  	_ =	shalt  }
0x6b: {  	_ =	shalt  }
0x6c: {  	_ =	shalt  }
0x6d: {  	_ =	shalt  }
0x6e: {  	_ =	shalt  }
0x6f: {  	_ =	shalt  }
0x70: {  	_ =	shalt  }
0x71: {  	_ =	shalt  }
0x72: {  	_ =	shalt  }
0x73: {  	_ =	shalt  }
0x74: {  	_ =	shalt  }
0x75: {  	_ =	shalt  }
0x76: {  	_ =	shalt  }
0x77: {  	_ =	shalt  }
0x78: {  	_ =	shalt  }
0x79: {  	_ =	shalt  }
0x7a: {  	_ =	shalt  }
0x7b: {  	_ =	shalt  }
0x7c: {  	_ =	shalt  }
0x7d: {  	_ =	shalt  }
0x7e: {  	_ =	shalt  }
0x7f: {  	_ =	shalt  }
0x80: {  	_ =	shalt  }
0x81: {  	_ =	shalt  }
0x82: {  	_ =	shalt  }
0x83: {  	_ =	shalt  }
0x84: {  	_ =	shalt  }
0x85: {  	_ =	shalt  }
0x86: {  	_ =	shalt  }
0x87: {  	_ =	shalt  }
.Lfunc_end0:
.L_simem_size_0:
called_computation_lowered:
.L_overlay_start_0:
0x88: {  	s2 =	sld [smem:$0x3FD9]  }
0x89: {  	s3 =	sld [smem:$0x3FFE];
	_ =	sdelay $0x1  }
0x8a: {  	s1 =	srdreg.scid  }
0x8b: {  	s0 =	sand.u32 $0x1, s1  }
0x8c: {  	s17 =	sshll.u32 s0, $0xA;
	s2 =	sadd.s32 s3, s2  }
0x8d: {  	s2 =	sadd.s32 s2, s17  }
0x8e: {  	[smem:$0x3FC5] =	sst s2  }
0x8f: {  	_ = 	snop  }
0x90: {  	s2 =	sld [smem:$0x3FC8]  }
0x91: {  	s18 =	sld [smem:$0x3FC7]  }
0x92: {  	s4 =	sld [smem:$0x3FD0];
	(tm) =	ssettm $0x1  }
0x93: {  	s5 =	sld [smem:$0x3FFB];
	_ =	sdelay $0x3  }
0x94: {  	_ =	strace s5  }
0x95: {  	s5 =	sld [smem:$0x3FFC];
	_ =	sdelay $0x3  }
0x96: {  	_ =	strace s5  }
0x97: {  	s5 =	sld [smem:$0x3FFD];
	_ =	sdelay $0x3  }
0x98: {  	_ =	strace s5  }
0x99: {  	_ =	strace $0x8FFFFFFF  }
0x9a: {  	s19 =	sld [smem:$0x3FDB];
	_ =	sdelay $0x1  }
0x9b: {  	s6 =	simm.s32 $_scs_section_size  }
0x9c: {  	s7 =	simm.s32 $_size__tile_overlayer_lowered;
	s8 =	simm.s32 $_tile_overlayer_lowered  }
0x9d: {  	s22 =	simm.s32 $0x1BFF;
	s21 =	sshll.u32 s8, $0x1;
	s5 =	sadd.s32 s6, s19  }
0x9e: {  	s9 =	simm.s32 $0x0;
	s20 =	sshll.u32 s7, $0x1;
	s7 =	sadd.s32 s21, s5  }
0x9f: {  	[timem:s9], [sflag:s22] =	dma.local [hbm:s7], s20  }
0xa0: {  	_ =	swait.ge [sflag:s22], s20  }
0xa1: {  	s6 =	ssub.s32 $0x0, s20;
	[sflag:s22] =	ssyncset.done $0x0  }
0xa2: {  	[sflag:s22] =	ssyncadd.s32 s6;
	_ =	sdelay $0x1  }
0xa3: {  	s23 =	simm.s32 $0x1B8B  }
0xa4: {  	_ =	swait.ge [sflag:s23], $0x1  }
0xa5: {  	[sflag:s23] =	ssyncset.done $0x0  }
0xa6: {  	s25 =	simm.s32 $0x1B8E;
	s24 =	sld [smem:$0x3FFE];
	[sflag:s23] =	ssyncadd.s32 $0xFFFFFFFF  }
0xa7: {  	s26 =	simm.s32 $execute0_lowered;
	[smem:$0x3FD2] =	sst s25  }
0xa8: {  	s7 =	sshll.u32 s26, $0x1;
	_ =	strace $0x80000046;
	[dreg:$0x1] =	wrdreg $0xFFFFFFFF  }
0xa9: {  	s28 =	simm.s32 $_size_execute0_lowered;
	s5 =	sadd.s32 s5, s7;
	[dreg:$0x0] =	wrdreg $0x0  }
0xaa: {  	s7 =	sshll.u32 s28, $0x1;
	[dreg:$0x2] =	wrdreg s5  }
0xab: {  	[dreg:$0x3] =	wrdreg s7  }
0xac: {  	[dreg:$0x4] =	wrdreg $0xC0  }
0xad: {  	_ =	task [dreg:s9], $0x5FFFF  }
0xae: {  	[dreg:$0x1] =	wrdreg $0xFFFFFFFF  }
0xaf: {  	[dreg:$0x0] =	wrdreg $0x60  }
0xb0: {  	[dreg:$0x2] =	wrdreg s24  }
0xb1: {  	[dreg:$0x3] =	wrdreg s2  }
0xb2: {  	[dreg:$0x4] =	wrdreg s18  }
0xb3: {  	[dreg:$0x5] =	wrdreg s4  }
0xb4: {  	[dreg:$0x6] =	wrdreg $0x0  }
0xb5: {  	[dreg:$0x7] =	wrdreg $0x9  }
0xb6: {  	_ =	task.clear_ibuf [dreg:s9], $0x8FFFF;
	_ =	strace $0x90000046  }
0xb7: {  	s29 =	simm.s32 $0x9;
	_ =	strace $0x80000048  }
0xb8: {  	_ =	swait.ge [sflag:s29], $0x1  }
0xb9: {  	[sflag:s29] =	ssyncadd.s32 $0xFFFFFFFF  }
0xba: {  	_ =	strace $0x90000048  }
0xbb: {  	_ =	sfence  }
0xbc: {  	s30 =	sld [smem:$0x0];
	_ =	sdelay $0x2  }
0xbd: {  	s31 =	sshll.u32 s1, $0xD;
	s1 =	sshrl.u32 s1, $0x2  }
0xbe: {  	s3 =	sand.u32 $0x4000, s31;
	s1 =	sadd.s32 s1, s30  }
0xbf: {  	s0 =	sor.u32 s3, s0;
	s1 =	sshll.u32 s1, $0x11  }
0xc0: {  	s0 =	sor.u32 s1, s0  }
0xc1: {  	s0 =	sadd.s32 $0x8F2B, s0  }
0xc2: {  	[sflag:s0] =	ssyncadd.remote.s32 $0x1  }
0xc3: {  	_ =	sfence.sel $0xFFFF  }
0xc4: {  	[dreg:$0x0] =	wrdreg $0xFFFFFFFF;
	(pc) =	sbr.abs _section_cstart, $3  }
0xc5: {  	[dreg:$0x1] =	wrdreg $0xFFFFFFFF  }
0xc6: {  	_ =	task.clear_ibuf [dreg:s9], $0x2FFFF;
	_ =	strace $0x9FFFFFFF  }
0xc7: {  	(tm) =	ssettm $0x7FFFFFFF  }
tec
execute0_lowered:
.L_overlay_start_1:
0x0: {  	(tag) =	ssettag $0x1  }
0x1: {  	s2 =	rddreg [dreg:$0x0]  }
0x2: {  	s1 =	rddreg [dreg:$0x1]  }
0x3: {  	s7 =	rddreg [dreg:$0x3]  }
0x4: {  	s3 =	rddreg [dreg:$0x4]  }
0x5: {  	s5 =	srdreg.scid;
	s0 =	stileid.u32  }
0x6: {  	s4 =	simm.s32 $0x0;
	s29 =	simm.s32 $0x1;
	s5 =	sand.u32 $0x1, s5  }
0x7: {  	s31 =	simm.s32 $0xA;
	s6 =	sshll.u32 s0, $0x1;
	s18 =	smul.u32 $0x6400, s5  }
0x8: {  	s9 =	sor.u32 s5, s6;
	s10 =	ssub.s32 $0x2, s5;
	s5 =	smul.u32 $0x64000, s5  }
0x9: {  	s30 =	simm.s32 $0x19B40;
	s28 =	simm.s32 $0x2;
	s8 =	smul.u32 $0x6400, s9  }
0xa: {  	[smem:$0x7FF] =	sst s4;
	p0 =	sne.s32 s0, $0x0;
	s11 =	smul.u32 $0x64000, s9  }
0xb: {  	_ =	strace $0x80000047;
	s15 =	sshrl.u32 s10, $0x1;
	s9 =	smul.u32 $0x320000, s9  }
0xc: {  	s6 =	sadd.s32 $0x400, s2;
	s2 =	ssub.s32 s10, s15;
	s15 =	smul.u32 $0xC800, s0  }
0xd: {  	s10 =	sor.u32 $0xC8, s8;
	s12 =	sor.u32 $0x190, s8;
	s11 =	sadd.s32 s7, s11  }
0xe: {  	s13 =	sor.u32 $0x258, s8;
	s9 =	sshrl.u32 s9, $0x3;
	[dreg:$0xb] =	wrdreg s11  }
0xf: {  	s11 =	sor.u32 $0x320, s8;
	s14 =	sshll.u32 s10, $0x4;
	s16 =	sshll.u32 s12, $0x4  }
0x10: {  	s17 =	sshll.u32 s13, $0x4;
	s15 =	sadd.s32 s18, s15;
	s9 =	sadd.s32 s7, s9  }
0x11: {  	s10 =	sshrl.u32 s10, $0x3;
	s12 =	sshrl.u32 s12, $0x3;
	s14 =	sadd.s32 s7, s14  }
0x12: {  	s16 =	sadd.s32 s7, s16;
	s19 =	sadd.s32 s7, s17;
	s20 =	sshll.u32 s11, $0x4  }
0x13: {  	s21 =	sadd.s32 $0xA28, s15;
	s22 =	sadd.s32 $0x960, s15;
	[dreg:$0xc] =	wrdreg s14  }
0x14: {  	s18 =	sadd.s32 $0x898, s15;
	s10 =	sadd.s32 s6, s10;
	[dreg:$0xd] =	wrdreg s16  }
0x15: {  	[dreg:$0xe] =	wrdreg s19;
	s14 =	sadd.s32 s7, s20;
	s16 =	sadd.s32 $0x60E0, s8  }
0x16: {  	s17 =	sshrl.u32 s22, $0x3;
	s24 =	sshrl.u32 s18, $0x3;
	s18 =	sadd.s32 $0x61A8, s8  }
0x17: {  	s20 =	sadd.s32 $0x7D0, s15;
	s22 =	smul.u32 $0xC8000, s0;
	[dreg:$0x15] =	wrdreg s10  }
0x18: {  	s15 =	sadd.s32 $0x708, s15;
	s0 =	simm.s32 $0xF;
	[dreg:$0xf] =	wrdreg s14  }
0x19: {  	s14 =	sshrl.u32 s21, $0x3;
	s23 =	sadd.s32 s17, s6;
	s25 =	sadd.s32 s24, s6  }
0x1a: {  	s26 =	sshll.u32 s16, $0x4;
	s19 =	sshll.u32 s18, $0x4;
	[dreg:$0x7] =	wrdreg s23  }
0x1b: {  	s24 =	sshrl.u32 s13, $0x3;
	s14 =	sadd.s32 s14, s6;
	[dreg:$0x8] =	wrdreg s25  }
0x1c: {  	s17 =	sadd.s32 s7, s26;
	s23 =	sadd.s32 s6, s12;
	[dreg:$0x6] =	wrdreg s14  }
0x1d: {  	s10 =	sadd.s32 s6, s24;
	s25 =	sshrl.u32 s11, $0x3;
	[dreg:$0x10] =	wrdreg s17  }
0x1e: {  	s26 =	sshrl.u32 s16, $0x3;
	s12 =	sshrl.u32 s18, $0x3;
	[dreg:$0x16] =	wrdreg s23  }
0x1f: {  	s18 =	sadd.s32 $0x5DC00, s9;
	s14 =	sadd.s32 s7, s19;
	[dreg:$0x17] =	wrdreg s10  }
0x20: {  	s17 =	sadd.s32 $0x6270, s8;
	s19 =	sadd.s32 $0x6338, s8;
	[dreg:$0x1e] =	wrdreg s18  }
0x21: {  	s10 =	sadd.s32 s6, s25;
	s11 =	sadd.s32 s6, s26;
	[dreg:$0x11] =	wrdreg s14  }
0x22: {  	s14 =	sshrl.u32 s20, $0x3;
	s20 =	sshll.u32 s17, $0x4;
	[dreg:$0x18] =	wrdreg s10  }
0x23: {  	s21 =	sshll.u32 s19, $0x4;
	[dreg:$0x1a] =	wrdreg s11;
	s13 =	sshrl.u32 s17, $0x3  }
0x24: {  	s16 =	sshrl.u32 s19, $0x3;
	s10 =	sshrl.u32 s15, $0x3;
	s19 =	sadd.s32 $0x5E880, s9  }
0x25: {  	s11 =	simm.s32 $0x13740;
	s15 =	simm.s32 $0xC;
	s20 =	sadd.s32 s7, s20  }
0x26: {  	s21 =	sadd.s32 s7, s21;
	s14 =	sadd.s32 s14, s6;
	[dreg:$0x1f] =	wrdreg s19  }
0x27: {  	s7 =	sadd.s32 s22, s7;
	s22 =	sshrl.u32 s8, $0x3;
	[dreg:$0x12] =	wrdreg s20  }
0x28: {  	s8 =	sadd.s32 $0x578, s8;
	s17 =	sadd.s32 s6, s16;
	[dreg:$0x13] =	wrdreg s21  }
0x29: {  	s16 =	simm.s32 $0x80;
	s19 =	simm.s32 $0xB;
	[dreg:$0x9] =	wrdreg s14  }
0x2a: {  	s14 =	sadd.s32 s6, s22;
	s8 =	sshrl.u32 s8, $0x3;
	[dreg:$0x1d] =	wrdreg s17  }
0x2b: {  	s5 =	sadd.s32 s5, s7;
	s20 =	sadd.s32 $0x5F500, s9;
	s21 =	sadd.s32 $0x60180, s9  }
0x2c: {  	s22 =	smax.u32 s2, $0x1;
	s7 =	simm.s32 $0x6F40;
	[smem:$0x7F7] =	sst s20  }
0x2d: {  	s9 =	simm.s32 $0xD340;
	s17 =	simm.s32 $0x48;
	[smem:$0x7F8] =	sst s21  }
0x2e: {  	s2 =	simm.s32 $0x3;
	s8 =	sadd.s32 s6, s8;
	[smem:$0x7F9] =	sst s22  }
0x2f: {  	s23 =	sadd.s32 $0x7080, s5;
	s24 =	sadd.s32 $0x7D, s14;
	[dreg:$0x14] =	wrdreg s14  }
0x30: {  	s25 =	sadd.s32 $0x96, s14;
	s26 =	sadd.s32 $0xC8, s14;
	[dreg:$0x19] =	wrdreg s8  }
0x31: {  	s5 =	simm.s32 $0xB40;
	s20 =	simm.s32 $0x8;
	[smem:$0x7FA] =	sst s23  }
0x32: {  	s21 =	simm.s32 $0xD;
	s22 =	simm.s32 $0x10;
	[smem:$0x7FB] =	sst s24  }
0x33: {  	s14 =	simm.s32 $0x4;
	s8 =	sadd.s32 s6, s12;
	[smem:$0x7FC] =	sst s25  }
0x34: {  	[smem:$0x7FD] =	sst s26;
	s24 =	simm.s32 $0x9;
	s25 =	simm.s32 $0xE  }
0x35: {  	s23 =	simm.s32 $0x5;
	[dreg:$0x1b] =	wrdreg s8;
	s8 =	sadd.s32 s6, s13  }
0x36: {  	s26 =	simm.s32 $0x6;
	s6 =	sadd.s32 s10, s6;
	[dreg:$0x1c] =	wrdreg s8  }
0x37: {  	s13 =	simm.s32 $0x7;
	[dreg:$0xa] =	wrdreg s6;
	s8 =	simm.s32 $0x0  }
.LBB2_1:
0x38: {  	[smem:$0x7F6] =	sst s8  }
0x39: {  	s6 =	simm.s32 @!p0 $0x0;
	s8 =	simm.s32 @!p0 $0xB40;
	s10 =	rddreg [dreg:$0x2]  }
0x3a: {  	[tilespmem:s8], [sflag:$0x11] =	stream.linear.gather @!p0 [hbm4b:s10+s6], $0x6400, $0x38;
	[tilespmem:$0x1FF40] =	vst v63  }
0x3b: {  	s6 =	simm.s32 @!p0 $0x11  }
0x3c: {  	_ =	swait.ge @!p0 [sflag:s6], $0x6400  }
0x3d: {  	[sflag:s6] =	ssyncset.done @!p0 $0x0  }
0x3e: {  	[sflag:s6] =	ssyncadd.s32 @!p0 $0xFFFF9C00  }
0x3f: {  	[spmem:s3] =	stream.linear.scatter @!p0 [tilespmem:s8], [sflag:$0x11], $0x6400, $0x38;
	[tilespmem:$0x1FF40] =	vst v63  }
0x40: {  	_ =	swait.ge @!p0 [sflag:s6], $0x6400  }
0x41: {  	[sflag:s6] =	ssyncset.done @!p0 $0x0  }
0x42: {  	[sflag:s6] =	ssyncadd.s32 @!p0 $0xFFFF9C00  }
0x43: {  	[bflag:$0x0] =	sbarrier.arrive $0xFFFF  }
0x44: {  	[tilespmem:s5], [sflag:$0x7] =	stream.linear.gather [spmem:s3], $0x6400, $0x38;
	[tilespmem:$0x1FF40] =	vst v63  }
0x45: {  	s10 =	simm.s32 $0x640;
	s8 =	rddreg [dreg:$0x14]  }
0x46: {  	[tilespmem:s10], [sflag:$0xC] =	stream.linear.gather [hbm4b:s8+s4], $0xC8, $0x38;
	[tilespmem:$0x1FF40] =	vst v63  }
0x47: {  	_ = 	snop  }
0x48: {  	[tilespmem:s7], [sflag:$0x8] =	stream.linear.gather [spmem:s3], $0x6400, $0x38;
	[tilespmem:$0x1FF40] =	vst v63  }
0x49: {  	s18 =	simm.s32 $0x740;
	s12 =	rddreg [dreg:$0x15]  }
0x4a: {  	[tilespmem:s18], [sflag:$0xD] =	stream.linear.gather [hbm4b:s12+s4], $0xC8, $0x38;
	[tilespmem:$0x1FF40] =	vst v63  }
0x4b: {  	_ = 	snop  }
0x4c: {  	[tilespmem:s9], [sflag:$0x9] =	stream.linear.gather [spmem:s3], $0x6400, $0x38;
	[tilespmem:$0x1FF40] =	vst v63  }
0x4d: {  	s8 =	rddreg [dreg:$0x16];
	s18 =	simm.s32 $0x840  }
0x4e: {  	[tilespmem:s18], [sflag:$0xE] =	stream.linear.gather [hbm4b:s8+s4], $0xC8, $0x38;
	[tilespmem:$0x1FF40] =	vst v63  }
0x4f: {  	_ = 	snop  }
0x50: {  	[tilespmem:s11], [sflag:$0xA] =	stream.linear.gather [spmem:s3], $0x6400, $0x38;
	[tilespmem:$0x1FF40] =	vst v63  }
0x51: {  	s6 =	rddreg [dreg:$0x17];
	s18 =	simm.s32 $0x940  }
0x52: {  	[tilespmem:s18], [sflag:$0xF] =	stream.linear.gather [hbm4b:s6+s4], $0xC8, $0x38;
	[tilespmem:$0x1FF40] =	vst v63  }
0x53: {  	_ =	swait.ge [sflag:s13], $0x6400  }
0x54: {  	[sflag:s13] =	ssyncset.done $0x0  }
0x55: {  	[sflag:s13] =	ssyncadd.s32 $0xFFFF9C00  }
0x56: {  	_ =	swait.ge [sflag:s15], $0xC8  }
0x57: {  	[sflag:s15] =	ssyncset.done $0x0  }
0x58: {  	[sflag:s15] =	ssyncadd.s32 $0xFFFFFF38  }
0x59: {  	[tilespmem:s5], [sflag:$0x1] =	stream.indirect.gather.add.f32 [hbm:s1], $0x80, s10, s16, $0xb8;
	[tilespmem:$0x1FF40] =	vst v63  }
0x5a: {  	s6 =	simm.s32 $0x6C0;
	s18 =	simm.s32 $0x4B40  }
0x5b: {  	[tilespmem:s18], [sflag:$0x1] =	stream.indirect.gather.add.f32 [hbm:s1], $0x80, s6, s17, $0xb8;
	[tilespmem:$0x1FF40] =	vst v63  }
0x5c: {  	_ =	swait.ge [sflag:s20], $0x6400  }
0x5d: {  	[sflag:s20] =	ssyncset.done $0x0  }
0x5e: {  	[sflag:s20] =	ssyncadd.s32 $0xFFFF9C00  }
0x5f: {  	_ =	swait.ge [sflag:s21], $0xC8  }
0x60: {  	[sflag:s21] =	ssyncset.done $0x0  }
0x61: {  	s12 =	simm.s32 $0x740;
	[sflag:s21] =	ssyncadd.s32 $0xFFFFFF38  }
0x62: {  	[tilespmem:s7], [sflag:$0x1] =	stream.indirect.gather.add.f32 [hbm:s1], $0x80, s12, s16, $0xb8;
	[tilespmem:$0x1FF40] =	vst v63  }
0x63: {  	s18 =	simm.s32 $0xAF40;
	s12 =	simm.s32 $0x7C0  }
0x64: {  	[tilespmem:s18], [sflag:$0x1] =	stream.indirect.gather.add.f32 [hbm:s1], $0x80, s12, s17, $0xb8;
	[tilespmem:$0x1FF40] =	vst v63  }
0x65: {  	_ =	swait.ge [sflag:s24], $0x6400  }
0x66: {  	[sflag:s24] =	ssyncset.done $0x0  }
0x67: {  	[sflag:s24] =	ssyncadd.s32 $0xFFFF9C00  }
0x68: {  	_ =	swait.ge [sflag:s25], $0xC8  }
0x69: {  	[sflag:s25] =	ssyncset.done $0x0  }
0x6a: {  	s8 =	simm.s32 $0x840;
	[sflag:s25] =	ssyncadd.s32 $0xFFFFFF38  }
0x6b: {  	[tilespmem:s9], [sflag:$0x1] =	stream.indirect.gather.add.f32 [hbm:s1], $0x80, s8, s16, $0xb8;
	[tilespmem:$0x1FF40] =	vst v63  }
0x6c: {  	s12 =	simm.s32 $0x8C0;
	s18 =	simm.s32 $0x11340  }
0x6d: {  	[tilespmem:s18], [sflag:$0x1] =	stream.indirect.gather.add.f32 [hbm:s1], $0x80, s12, s17, $0xb8;
	[tilespmem:$0x1FF40] =	vst v63  }
0x6e: {  	_ =	swait.ge [sflag:s29], $0x4000  }
0x6f: {  	[sflag:s29] =	ssyncset.done $0x0  }
0x70: {  	[sflag:s29] =	ssyncadd.s32 $0xFFFFC000  }
0x71: {  	_ =	swait.ge [sflag:s29], $0x2400  }
0x72: {  	[sflag:s29] =	ssyncset.done $0x0  }
0x73: {  	s12 =	rddreg [dreg:$0xb];
	[sflag:s29] =	ssyncadd.s32 $0xFFFFDC00  }
0x74: {  	[hbm4b:s12+s4] =	stream.linear.scatter [tilespmem:s5], [sflag:$0x2], $0x6400, $0x38;
	[tilespmem:$0x1FF40] =	vst v63  }
0x75: {  	_ =	swait.ge [sflag:s31], $0x6400  }
0x76: {  	[sflag:s31] =	ssyncset.done $0x0  }
0x77: {  	[sflag:s31] =	ssyncadd.s32 $0xFFFF9C00  }
0x78: {  	_ =	swait.ge [sflag:s0], $0xC8  }
0x79: {  	[sflag:s0] =	ssyncset.done $0x0  }
0x7a: {  	s18 =	simm.s32 $0x940;
	[sflag:s0] =	ssyncadd.s32 $0xFFFFFF38  }
0x7b: {  	[tilespmem:s11], [sflag:$0x1] =	stream.indirect.gather.add.f32 [hbm:s1], $0x80, s18, s16, $0xb8;
	[tilespmem:$0x1FF40] =	vst v63  }
0x7c: {  	s8 =	simm.s32 $0x9C0;
	s12 =	simm.s32 $0x17740  }
0x7d: {  	[tilespmem:s12], [sflag:$0x1] =	stream.indirect.gather.add.f32 [hbm:s1], $0x80, s8, s17, $0xb8;
	[tilespmem:$0x1FF40] =	vst v63  }
0x7e: {  	_ = 	snop  }
0x7f: {  	[tilespmem:s30], [sflag:$0xB] =	stream.linear.gather [spmem:s3], $0x6400, $0x38;
	[tilespmem:$0x1FF40] =	vst v63  }
0x80: {  	s12 =	rddreg [dreg:$0x18];
	s8 =	simm.s32 $0xA40  }
0x81: {  	[tilespmem:s8], [sflag:$0x10] =	stream.linear.gather [hbm4b:s12+s4], $0xC8, $0x38;
	[tilespmem:$0x1FF40] =	vst v63  }
0x82: {  	_ =	swait.ge [sflag:s29], $0x4000  }
0x83: {  	[sflag:s29] =	ssyncset.done $0x0  }
0x84: {  	[sflag:s29] =	ssyncadd.s32 $0xFFFFC000  }
0x85: {  	_ =	swait.ge [sflag:s29], $0x2400  }
0x86: {  	[sflag:s29] =	ssyncset.done $0x0  }
0x87: {  	s12 =	rddreg [dreg:$0xc];
	[sflag:s29] =	ssyncadd.s32 $0xFFFFDC00  }
0x88: {  	[hbm4b:s12+s4] =	stream.linear.scatter [tilespmem:s7], [sflag:$0x3], $0x6400, $0x38;
	[tilespmem:$0x1FF40] =	vst v63  }
0x89: {  	_ =	swait.ge [sflag:s19], $0x6400  }
0x8a: {  	[sflag:s19] =	ssyncset.done $0x0  }
0x8b: {  	[sflag:s19] =	ssyncadd.s32 $0xFFFF9C00  }
0x8c: {  	_ =	swait.ge [sflag:s22], $0xC8  }
0x8d: {  	[sflag:s22] =	ssyncset.done $0x0  }
0x8e: {  	[sflag:s22] =	ssyncadd.s32 $0xFFFFFF38  }
0x8f: {  	[tilespmem:s30], [sflag:$0x1] =	stream.indirect.gather.add.f32 [hbm:s1], $0x80, s8, s16, $0xb8;
	[tilespmem:$0x1FF40] =	vst v63  }
0x90: {  	s6 =	simm.s32 $0xAC0;
	s12 =	simm.s32 $0x1DB40  }
0x91: {  	[tilespmem:s12], [sflag:$0x1] =	stream.indirect.gather.add.f32 [hbm:s1], $0x80, s6, s17, $0xb8;
	[tilespmem:$0x1FF40] =	vst v63  }
0x92: {  	_ =	swait.ge [sflag:s28], $0x6400  }
0x93: {  	[sflag:s28] =	ssyncset.done $0x0  }
0x94: {  	s12 =	sld [smem:$0x7FB];
	[sflag:s28] =	ssyncadd.s32 $0xFFFF9C00  }
0x95: {  	[tilespmem:s5], [sflag:$0x7] =	stream.linear.gather [spmem:s3], $0x6400, $0x38;
	[tilespmem:$0x1FF40] =	vst v63  }
0x96: {  	_ = 	snop  }
0x97: {  	[tilespmem:s10], [sflag:$0xC] =	stream.linear.gather [hbm4b:s12+s4], $0xC8, $0x38;
	[tilespmem:$0x1FF40] =	vst v63  }
0x98: {  	_ =	swait.ge [sflag:s29], $0x4000  }
0x99: {  	[sflag:s29] =	ssyncset.done $0x0  }
0x9a: {  	[sflag:s29] =	ssyncadd.s32 $0xFFFFC000  }
0x9b: {  	_ =	swait.ge [sflag:s29], $0x2400  }
0x9c: {  	[sflag:s29] =	ssyncset.done $0x0  }
0x9d: {  	s12 =	rddreg [dreg:$0xd];
	[sflag:s29] =	ssyncadd.s32 $0xFFFFDC00  }
0x9e: {  	[hbm4b:s12+s4] =	stream.linear.scatter [tilespmem:s9], [sflag:$0x4], $0x6400, $0x38;
	[tilespmem:$0x1FF40] =	vst v63  }
0x9f: {  	_ =	swait.ge [sflag:s13], $0x6400  }
0xa0: {  	[sflag:s13] =	ssyncset.done $0x0  }
0xa1: {  	[sflag:s13] =	ssyncadd.s32 $0xFFFF9C00  }
0xa2: {  	_ =	swait.ge [sflag:s15], $0xC8  }
0xa3: {  	[sflag:s15] =	ssyncset.done $0x0  }
0xa4: {  	[sflag:s15] =	ssyncadd.s32 $0xFFFFFF38  }
0xa5: {  	[tilespmem:s5], [sflag:$0x1] =	stream.indirect.gather.add.f32 [hbm:s1], $0x80, s10, s16, $0xb8;
	[tilespmem:$0x1FF40] =	vst v63  }
0xa6: {  	s6 =	simm.s32 $0x4B40;
	s12 =	simm.s32 $0x6C0  }
0xa7: {  	[tilespmem:s6], [sflag:$0x1] =	stream.indirect.gather.add.f32 [hbm:s1], $0x80, s12, s17, $0xb8;
	[tilespmem:$0x1FF40] =	vst v63  }
0xa8: {  	_ =	swait.ge [sflag:s2], $0x6400  }
0xa9: {  	[sflag:s2] =	ssyncset.done $0x0  }
0xaa: {  	s6 =	sld [smem:$0x7FC];
	[sflag:s2] =	ssyncadd.s32 $0xFFFF9C00  }
0xab: {  	[tilespmem:s7], [sflag:$0x8] =	stream.linear.gather [spmem:s3], $0x6400, $0x38;
	[tilespmem:$0x1FF40] =	vst v63  }
0xac: {  	s12 =	simm.s32 $0x740  }
0xad: {  	[tilespmem:s12], [sflag:$0xD] =	stream.linear.gather [hbm4b:s6+s4], $0xC8, $0x38;
	[tilespmem:$0x1FF40] =	vst v63  }
0xae: {  	_ =	swait.ge [sflag:s29], $0x4000  }
0xaf: {  	[sflag:s29] =	ssyncset.done $0x0  }
0xb0: {  	[sflag:s29] =	ssyncadd.s32 $0xFFFFC000  }
0xb1: {  	_ =	swait.ge [sflag:s29], $0x2400  }
0xb2: {  	[sflag:s29] =	ssyncset.done $0x0  }
0xb3: {  	s6 =	rddreg [dreg:$0xe];
	[sflag:s29] =	ssyncadd.s32 $0xFFFFDC00  }
0xb4: {  	[hbm4b:s6+s4] =	stream.linear.scatter [tilespmem:s11], [sflag:$0x5], $0x6400, $0x38;
	[tilespmem:$0x1FF40] =	vst v63  }
0xb5: {  	_ =	swait.ge [sflag:s20], $0x6400  }
0xb6: {  	[sflag:s20] =	ssyncset.done $0x0  }
0xb7: {  	[sflag:s20] =	ssyncadd.s32 $0xFFFF9C00  }
0xb8: {  	_ =	swait.ge [sflag:s21], $0xC8  }
0xb9: {  	[sflag:s21] =	ssyncset.done $0x0  }
0xba: {  	[sflag:s21] =	ssyncadd.s32 $0xFFFFFF38  }
0xbb: {  	[tilespmem:s7], [sflag:$0x1] =	stream.indirect.gather.add.f32 [hbm:s1], $0x80, s12, s16, $0xb8;
	[tilespmem:$0x1FF40] =	vst v63  }
0xbc: {  	s6 =	simm.s32 $0xAF40;
	s12 =	simm.s32 $0x7C0  }
0xbd: {  	[tilespmem:s6], [sflag:$0x1] =	stream.indirect.gather.add.f32 [hbm:s1], $0x80, s12, s17, $0xb8;
	[tilespmem:$0x1FF40] =	vst v63  }
0xbe: {  	_ =	swait.ge [sflag:s14], $0x6400  }
0xbf: {  	[sflag:s14] =	ssyncset.done $0x0  }
0xc0: {  	[sflag:s14] =	ssyncadd.s32 $0xFFFF9C00  }
0xc1: {  	[tilespmem:s9], [sflag:$0x9] =	stream.linear.gather [spmem:s3], $0x6400, $0x38;
	[tilespmem:$0x1FF40] =	vst v63  }
0xc2: {  	s12 =	simm.s32 $0x840;
	s6 =	rddreg [dreg:$0x19]  }
0xc3: {  	[tilespmem:s12], [sflag:$0xE] =	stream.linear.gather [hbm4b:s6+s4], $0xC8, $0x38;
	[tilespmem:$0x1FF40] =	vst v63  }
0xc4: {  	_ =	swait.ge [sflag:s29], $0x4000  }
0xc5: {  	[sflag:s29] =	ssyncset.done $0x0  }
0xc6: {  	[sflag:s29] =	ssyncadd.s32 $0xFFFFC000  }
0xc7: {  	_ =	swait.ge [sflag:s29], $0x2400  }
0xc8: {  	[sflag:s29] =	ssyncset.done $0x0  }
0xc9: {  	s6 =	rddreg [dreg:$0xf];
	[sflag:s29] =	ssyncadd.s32 $0xFFFFDC00  }
0xca: {  	[hbm4b:s6+s4] =	stream.linear.scatter [tilespmem:s30], [sflag:$0x6], $0x6400, $0x38;
	[tilespmem:$0x1FF40] =	vst v63  }
0xcb: {  	_ =	swait.ge [sflag:s24], $0x6400  }
0xcc: {  	[sflag:s24] =	ssyncset.done $0x0  }
0xcd: {  	[sflag:s24] =	ssyncadd.s32 $0xFFFF9C00  }
0xce: {  	_ =	swait.ge [sflag:s25], $0xC8  }
0xcf: {  	[sflag:s25] =	ssyncset.done $0x0  }
0xd0: {  	[sflag:s25] =	ssyncadd.s32 $0xFFFFFF38  }
0xd1: {  	[tilespmem:s9], [sflag:$0x1] =	stream.indirect.gather.add.f32 [hbm:s1], $0x80, s12, s16, $0xb8;
	[tilespmem:$0x1FF40] =	vst v63  }
0xd2: {  	s6 =	simm.s32 $0x11340;
	s12 =	simm.s32 $0x8C0  }
0xd3: {  	[tilespmem:s6], [sflag:$0x1] =	stream.indirect.gather.add.f32 [hbm:s1], $0x80, s12, s17, $0xb8;
	[tilespmem:$0x1FF40] =	vst v63  }
0xd4: {  	_ =	swait.ge [sflag:s23], $0x6400  }
0xd5: {  	[sflag:s23] =	ssyncset.done $0x0  }
0xd6: {  	s12 =	sld [smem:$0x7FD];
	[sflag:s23] =	ssyncadd.s32 $0xFFFF9C00  }
0xd7: {  	[tilespmem:s11], [sflag:$0xA] =	stream.linear.gather [spmem:s3], $0x6400, $0x38;
	[tilespmem:$0x1FF40] =	vst v63  }
0xd8: {  	s18 =	simm.s32 $0x940  }
0xd9: {  	[tilespmem:s18], [sflag:$0xF] =	stream.linear.gather [hbm4b:s12+s4], $0xC8, $0x38;
	[tilespmem:$0x1FF40] =	vst v63  }
0xda: {  	_ =	swait.ge [sflag:s29], $0x4000  }
0xdb: {  	[sflag:s29] =	ssyncset.done $0x0  }
0xdc: {  	[sflag:s29] =	ssyncadd.s32 $0xFFFFC000  }
0xdd: {  	_ =	swait.ge [sflag:s29], $0x2400  }
0xde: {  	s12 =	sld [smem:$0x7FA];
	_ =	sdelay $0x1  }
0xdf: {  	[sflag:s29] =	ssyncset.done $0x0  }
0xe0: {  	[sflag:s29] =	ssyncadd.s32 $0xFFFFDC00;
	s6 =	sadd.s32 $0xFFFFCE00, s12  }
0xe1: {  	[hbm4b:s6+s4] =	stream.linear.scatter [tilespmem:s5], [sflag:$0x2], $0x6400, $0x38;
	[tilespmem:$0x1FF40] =	vst v63  }
0xe2: {  	_ =	swait.ge [sflag:s31], $0x6400  }
0xe3: {  	[sflag:s31] =	ssyncset.done $0x0  }
0xe4: {  	[sflag:s31] =	ssyncadd.s32 $0xFFFF9C00  }
0xe5: {  	_ =	swait.ge [sflag:s0], $0xC8  }
0xe6: {  	[sflag:s0] =	ssyncset.done $0x0  }
0xe7: {  	[sflag:s0] =	ssyncadd.s32 $0xFFFFFF38  }
0xe8: {  	[tilespmem:s11], [sflag:$0x1] =	stream.indirect.gather.add.f32 [hbm:s1], $0x80, s18, s16, $0xb8;
	[tilespmem:$0x1FF40] =	vst v63  }
0xe9: {  	s6 =	simm.s32 $0x17740;
	s18 =	simm.s32 $0x9C0  }
0xea: {  	[tilespmem:s6], [sflag:$0x1] =	stream.indirect.gather.add.f32 [hbm:s1], $0x80, s18, s17, $0xb8;
	[tilespmem:$0x1FF40] =	vst v63  }
0xeb: {  	_ =	swait.ge [sflag:s26], $0x6400  }
0xec: {  	[sflag:s26] =	ssyncset.done $0x0  }
0xed: {  	s18 =	rddreg [dreg:$0xa];
	[sflag:s26] =	ssyncadd.s32 $0xFFFF9C00  }
0xee: {  	[tilespmem:s30], [sflag:$0xB] =	stream.linear.gather [spmem:s3], $0x6400, $0x38;
	[tilespmem:$0x1FF40] =	vst v63  }
0xef: {  	s6 =	sadd.s32 $0x0, s18  }
0xf0: {  	[tilespmem:s8], [sflag:$0x10] =	stream.linear.gather [hbm4b:s6+s4], $0xC8, $0x38;
	[tilespmem:$0x1FF40] =	vst v63  }
0xf1: {  	_ =	swait.ge [sflag:s29], $0x4000  }
0xf2: {  	[sflag:s29] =	ssyncset.done $0x0  }
0xf3: {  	[sflag:s29] =	ssyncadd.s32 $0xFFFFC000  }
0xf4: {  	_ =	swait.ge [sflag:s29], $0x2400  }
0xf5: {  	[sflag:s29] =	ssyncset.done $0x0  }
0xf6: {  	s18 =	sadd.s32 $0xFFFFDA80, s12;
	[sflag:s29] =	ssyncadd.s32 $0xFFFFDC00  }
0xf7: {  	[hbm4b:s18+s4] =	stream.linear.scatter [tilespmem:s7], [sflag:$0x3], $0x6400, $0x38;
	[tilespmem:$0x1FF40] =	vst v63  }
0xf8: {  	_ =	swait.ge [sflag:s19], $0x6400  }
0xf9: {  	[sflag:s19] =	ssyncset.done $0x0  }
0xfa: {  	[sflag:s19] =	ssyncadd.s32 $0xFFFF9C00  }
0xfb: {  	_ =	swait.ge [sflag:s22], $0xC8  }
0xfc: {  	[sflag:s22] =	ssyncset.done $0x0  }
0xfd: {  	[sflag:s22] =	ssyncadd.s32 $0xFFFFFF38  }
0xfe: {  	[tilespmem:s30], [sflag:$0x1] =	stream.indirect.gather.add.f32 [hbm:s1], $0x80, s8, s16, $0xb8;
	[tilespmem:$0x1FF40] =	vst v63  }
0xff: {  	s18 =	simm.s32 $0xAC0;
	s8 =	simm.s32 $0x1DB40  }
0x100: {  	[tilespmem:s8], [sflag:$0x1] =	stream.indirect.gather.add.f32 [hbm:s1], $0x80, s18, s17, $0xb8;
	[tilespmem:$0x1FF40] =	vst v63  }
0x101: {  	_ =	swait.ge [sflag:s28], $0x6400  }
0x102: {  	[sflag:s28] =	ssyncset.done $0x0  }
0x103: {  	s18 =	rddreg [dreg:$0x9];
	[sflag:s28] =	ssyncadd.s32 $0xFFFF9C00  }
0x104: {  	[tilespmem:s5], [sflag:$0x7] =	stream.linear.gather [spmem:s3], $0x6400, $0x38;
	[tilespmem:$0x1FF40] =	vst v63  }
0x105: {  	s6 =	sadd.s32 $0x0, s18  }
0x106: {  	[tilespmem:s10], [sflag:$0xC] =	stream.linear.gather [hbm4b:s6+s4], $0xC8, $0x38;
	[tilespmem:$0x1FF40] =	vst v63  }
0x107: {  	_ =	swait.ge [sflag:s29], $0x4000  }
0x108: {  	[sflag:s29] =	ssyncset.done $0x0  }
0x109: {  	[sflag:s29] =	ssyncadd.s32 $0xFFFFC000  }
0x10a: {  	_ =	swait.ge [sflag:s29], $0x2400  }
0x10b: {  	[sflag:s29] =	ssyncset.done $0x0  }
0x10c: {  	s8 =	sadd.s32 $0xFFFFE700, s12;
	[sflag:s29] =	ssyncadd.s32 $0xFFFFDC00  }
0x10d: {  	[hbm4b:s8+s4] =	stream.linear.scatter [tilespmem:s9], [sflag:$0x4], $0x6400, $0x38;
	[tilespmem:$0x1FF40] =	vst v63  }
0x10e: {  	_ =	swait.ge [sflag:s13], $0x6400  }
0x10f: {  	[sflag:s13] =	ssyncset.done $0x0  }
0x110: {  	[sflag:s13] =	ssyncadd.s32 $0xFFFF9C00  }
0x111: {  	_ =	swait.ge [sflag:s15], $0xC8  }
0x112: {  	[sflag:s15] =	ssyncset.done $0x0  }
0x113: {  	[sflag:s15] =	ssyncadd.s32 $0xFFFFFF38  }
0x114: {  	[tilespmem:s5], [sflag:$0x1] =	stream.indirect.gather.add.f32 [hbm:s1], $0x80, s10, s16, $0xb8;
	[tilespmem:$0x1FF40] =	vst v63  }
0x115: {  	s18 =	simm.s32 $0x6C0;
	s10 =	simm.s32 $0x4B40  }
0x116: {  	[tilespmem:s10], [sflag:$0x1] =	stream.indirect.gather.add.f32 [hbm:s1], $0x80, s18, s17, $0xb8;
	[tilespmem:$0x1FF40] =	vst v63  }
0x117: {  	_ =	swait.ge [sflag:s2], $0x6400  }
0x118: {  	[sflag:s2] =	ssyncset.done $0x0  }
0x119: {  	s8 =	rddreg [dreg:$0x8];
	[sflag:s2] =	ssyncadd.s32 $0xFFFF9C00  }
0x11a: {  	[tilespmem:s7], [sflag:$0x8] =	stream.linear.gather [spmem:s3], $0x6400, $0x38;
	[tilespmem:$0x1FF40] =	vst v63  }
0x11b: {  	s10 =	simm.s32 $0x740;
	s6 =	sadd.s32 $0x0, s8  }
0x11c: {  	[tilespmem:s10], [sflag:$0xD] =	stream.linear.gather [hbm4b:s6+s4], $0xC8, $0x38;
	[tilespmem:$0x1FF40] =	vst v63  }
0x11d: {  	_ =	swait.ge [sflag:s29], $0x4000  }
0x11e: {  	[sflag:s29] =	ssyncset.done $0x0  }
0x11f: {  	[sflag:s29] =	ssyncadd.s32 $0xFFFFC000  }
0x120: {  	_ =	swait.ge [sflag:s29], $0x2400  }
0x121: {  	[sflag:s29] =	ssyncset.done $0x0  }
0x122: {  	s18 =	sadd.s32 $0xFFFFF380, s12;
	[sflag:s29] =	ssyncadd.s32 $0xFFFFDC00  }
0x123: {  	[hbm4b:s18+s4] =	stream.linear.scatter [tilespmem:s11], [sflag:$0x5], $0x6400, $0x38;
	[tilespmem:$0x1FF40] =	vst v63  }
0x124: {  	_ =	swait.ge [sflag:s20], $0x6400  }
0x125: {  	[sflag:s20] =	ssyncset.done $0x0  }
0x126: {  	[sflag:s20] =	ssyncadd.s32 $0xFFFF9C00  }
0x127: {  	_ =	swait.ge [sflag:s21], $0xC8  }
0x128: {  	[sflag:s21] =	ssyncset.done $0x0  }
0x129: {  	[sflag:s21] =	ssyncadd.s32 $0xFFFFFF38  }
0x12a: {  	[tilespmem:s7], [sflag:$0x1] =	stream.indirect.gather.add.f32 [hbm:s1], $0x80, s10, s16, $0xb8;
	[tilespmem:$0x1FF40] =	vst v63  }
0x12b: {  	s18 =	simm.s32 $0xAF40;
	s10 =	simm.s32 $0x7C0  }
0x12c: {  	[tilespmem:s18], [sflag:$0x1] =	stream.indirect.gather.add.f32 [hbm:s1], $0x80, s10, s17, $0xb8;
	[tilespmem:$0x1FF40] =	vst v63  }
0x12d: {  	_ =	swait.ge [sflag:s14], $0x6400  }
0x12e: {  	[sflag:s14] =	ssyncset.done $0x0  }
0x12f: {  	s10 =	rddreg [dreg:$0x7];
	[sflag:s14] =	ssyncadd.s32 $0xFFFF9C00  }
0x130: {  	[tilespmem:s9], [sflag:$0x9] =	stream.linear.gather [spmem:s3], $0x6400, $0x38;
	[tilespmem:$0x1FF40] =	vst v63  }
0x131: {  	s18 =	simm.s32 $0x840;
	s6 =	sadd.s32 $0x0, s10  }
0x132: {  	[tilespmem:s18], [sflag:$0xE] =	stream.linear.gather [hbm4b:s6+s4], $0xC8, $0x38;
	[tilespmem:$0x1FF40] =	vst v63  }
0x133: {  	_ =	swait.ge [sflag:s29], $0x4000  }
0x134: {  	[sflag:s29] =	ssyncset.done $0x0  }
0x135: {  	[sflag:s29] =	ssyncadd.s32 $0xFFFFC000  }
0x136: {  	_ =	swait.ge [sflag:s29], $0x2400  }
0x137: {  	[sflag:s29] =	ssyncset.done $0x0  }
0x138: {  	[sflag:s29] =	ssyncadd.s32 $0xFFFFDC00  }
0x139: {  	[hbm4b:s12+s4] =	stream.linear.scatter [tilespmem:s30], [sflag:$0x6], $0x6400, $0x38;
	[tilespmem:$0x1FF40] =	vst v63  }
0x13a: {  	_ =	swait.ge [sflag:s24], $0x6400  }
0x13b: {  	[sflag:s24] =	ssyncset.done $0x0  }
0x13c: {  	[sflag:s24] =	ssyncadd.s32 $0xFFFF9C00  }
0x13d: {  	_ =	swait.ge [sflag:s25], $0xC8  }
0x13e: {  	[sflag:s25] =	ssyncset.done $0x0  }
0x13f: {  	[sflag:s25] =	ssyncadd.s32 $0xFFFFFF38  }
0x140: {  	[tilespmem:s9], [sflag:$0x1] =	stream.indirect.gather.add.f32 [hbm:s1], $0x80, s18, s16, $0xb8;
	[tilespmem:$0x1FF40] =	vst v63  }
0x141: {  	s8 =	simm.s32 $0x8C0;
	s10 =	simm.s32 $0x11340  }
0x142: {  	[tilespmem:s10], [sflag:$0x1] =	stream.indirect.gather.add.f32 [hbm:s1], $0x80, s8, s17, $0xb8;
	[tilespmem:$0x1FF40] =	vst v63  }
0x143: {  	_ =	swait.ge [sflag:s23], $0x6400  }
0x144: {  	s6 =	simm.s32 $0x7D;
	[sflag:s23] =	ssyncset.done $0x0;
	s18 =	rddreg [dreg:$0x6]  }
0x145: {  	s8 =	sadd.s32 $0x3E80, s12;
	[sflag:s23] =	ssyncadd.s32 $0xFFFF9C00;
	s10 =	sadd.s32 $0x0, s18  }
0x146: {  	[tilespmem:s11], [sflag:$0xA] =	stream.linear.gather [spmem:s3], $0x6400, $0x38;
	[tilespmem:$0x1FF40] =	vst v63  }
.LBB2_2:
0x147: {  	s18 =	simm.s32 $0x940  }
0x148: {  	[tilespmem:s18], [sflag:$0xF] =	stream.linear.gather [hbm4b:s10+s4], $0xC8, $0x38;
	[tilespmem:$0x1FF40] =	vst v63  }
0x149: {  	_ =	swait.ge [sflag:s29], $0x4000  }
0x14a: {  	[sflag:s29] =	ssyncset.done $0x0  }
0x14b: {  	[sflag:s29] =	ssyncadd.s32 $0xFFFFC000  }
0x14c: {  	_ =	swait.ge [sflag:s29], $0x2400  }
0x14d: {  	[sflag:s29] =	ssyncset.done $0x0  }
0x14e: {  	s12 =	sadd.s32 $0xFFFFCE00, s8;
	[sflag:s29] =	ssyncadd.s32 $0xFFFFDC00  }
0x14f: {  	[hbm4b:s12+s4] =	stream.linear.scatter [tilespmem:s5], [sflag:$0x2], $0x6400, $0x38;
	[tilespmem:$0x1FF40] =	vst v63  }
0x150: {  	_ =	swait.ge [sflag:s31], $0x6400  }
0x151: {  	[sflag:s31] =	ssyncset.done $0x0  }
0x152: {  	[sflag:s31] =	ssyncadd.s32 $0xFFFF9C00  }
0x153: {  	_ =	swait.ge [sflag:s0], $0xC8  }
0x154: {  	[sflag:s0] =	ssyncset.done $0x0  }
0x155: {  	[sflag:s0] =	ssyncadd.s32 $0xFFFFFF38  }
0x156: {  	[tilespmem:s11], [sflag:$0x1] =	stream.indirect.gather.add.f32 [hbm:s1], $0x80, s18, s16, $0xb8;
	[tilespmem:$0x1FF40] =	vst v63  }
0x157: {  	s12 =	simm.s32 $0x9C0;
	s18 =	simm.s32 $0x17740  }
0x158: {  	[tilespmem:s18], [sflag:$0x1] =	stream.indirect.gather.add.f32 [hbm:s1], $0x80, s12, s17, $0xb8;
	[tilespmem:$0x1FF40] =	vst v63  }
0x159: {  	_ =	swait.ge [sflag:s26], $0x6400  }
0x15a: {  	[sflag:s26] =	ssyncset.done $0x0  }
0x15b: {  	s10 =	smov.u32 s6;
	s18 =	rddreg [dreg:$0xa];
	[sflag:s26] =	ssyncadd.s32 $0xFFFF9C00  }
0x15c: {  	[tilespmem:s30], [sflag:$0xB] =	stream.linear.gather [spmem:s3], $0x6400, $0x38;
	[tilespmem:$0x1FF40] =	vst v63  }
0x15d: {  	s12 =	sadd.s32 s10, s18;
	s18 =	simm.s32 $0xA40  }
0x15e: {  	[tilespmem:s18], [sflag:$0x10] =	stream.linear.gather [hbm4b:s12+s4], $0xC8, $0x38;
	[tilespmem:$0x1FF40] =	vst v63  }
0x15f: {  	_ =	swait.ge [sflag:s29], $0x4000  }
0x160: {  	[sflag:s29] =	ssyncset.done $0x0  }
0x161: {  	[sflag:s29] =	ssyncadd.s32 $0xFFFFC000  }
0x162: {  	_ =	swait.ge [sflag:s29], $0x2400  }
0x163: {  	[sflag:s29] =	ssyncset.done $0x0  }
0x164: {  	s12 =	sadd.s32 $0xFFFFDA80, s8;
	[sflag:s29] =	ssyncadd.s32 $0xFFFFDC00  }
0x165: {  	[hbm4b:s12+s4] =	stream.linear.scatter [tilespmem:s7], [sflag:$0x3], $0x6400, $0x38;
	[tilespmem:$0x1FF40] =	vst v63  }
0x166: {  	_ =	swait.ge [sflag:s19], $0x6400  }
0x167: {  	[sflag:s19] =	ssyncset.done $0x0  }
0x168: {  	[sflag:s19] =	ssyncadd.s32 $0xFFFF9C00  }
0x169: {  	_ =	swait.ge [sflag:s22], $0xC8  }
0x16a: {  	[sflag:s22] =	ssyncset.done $0x0  }
0x16b: {  	[sflag:s22] =	ssyncadd.s32 $0xFFFFFF38  }
0x16c: {  	[tilespmem:s30], [sflag:$0x1] =	stream.indirect.gather.add.f32 [hbm:s1], $0x80, s18, s16, $0xb8;
	[tilespmem:$0x1FF40] =	vst v63  }
0x16d: {  	s12 =	simm.s32 $0xAC0;
	s18 =	simm.s32 $0x1DB40  }
0x16e: {  	[tilespmem:s18], [sflag:$0x1] =	stream.indirect.gather.add.f32 [hbm:s1], $0x80, s12, s17, $0xb8;
	[tilespmem:$0x1FF40] =	vst v63  }
0x16f: {  	_ =	swait.ge [sflag:s28], $0x6400  }
0x170: {  	[sflag:s28] =	ssyncset.done $0x0  }
0x171: {  	s18 =	rddreg [dreg:$0x9];
	[sflag:s28] =	ssyncadd.s32 $0xFFFF9C00  }
0x172: {  	[tilespmem:s5], [sflag:$0x7] =	stream.linear.gather [spmem:s3], $0x6400, $0x38;
	[tilespmem:$0x1FF40] =	vst v63  }
0x173: {  	s12 =	sadd.s32 s10, s18;
	s18 =	simm.s32 $0x640  }
0x174: {  	[tilespmem:s18], [sflag:$0xC] =	stream.linear.gather [hbm4b:s12+s4], $0xC8, $0x38;
	[tilespmem:$0x1FF40] =	vst v63  }
0x175: {  	_ =	swait.ge [sflag:s29], $0x4000  }
0x176: {  	[sflag:s29] =	ssyncset.done $0x0  }
0x177: {  	[sflag:s29] =	ssyncadd.s32 $0xFFFFC000  }
0x178: {  	_ =	swait.ge [sflag:s29], $0x2400  }
0x179: {  	[sflag:s29] =	ssyncset.done $0x0  }
0x17a: {  	s12 =	sadd.s32 $0xFFFFE700, s8;
	[sflag:s29] =	ssyncadd.s32 $0xFFFFDC00  }
0x17b: {  	[hbm4b:s12+s4] =	stream.linear.scatter [tilespmem:s9], [sflag:$0x4], $0x6400, $0x38;
	[tilespmem:$0x1FF40] =	vst v63  }
0x17c: {  	_ =	swait.ge [sflag:s13], $0x6400  }
0x17d: {  	[sflag:s13] =	ssyncset.done $0x0  }
0x17e: {  	[sflag:s13] =	ssyncadd.s32 $0xFFFF9C00  }
0x17f: {  	_ =	swait.ge [sflag:s15], $0xC8  }
0x180: {  	[sflag:s15] =	ssyncset.done $0x0  }
0x181: {  	[sflag:s15] =	ssyncadd.s32 $0xFFFFFF38  }
0x182: {  	[tilespmem:s5], [sflag:$0x1] =	stream.indirect.gather.add.f32 [hbm:s1], $0x80, s18, s16, $0xb8;
	[tilespmem:$0x1FF40] =	vst v63  }
0x183: {  	s12 =	simm.s32 $0x6C0;
	s18 =	simm.s32 $0x4B40  }
0x184: {  	[tilespmem:s18], [sflag:$0x1] =	stream.indirect.gather.add.f32 [hbm:s1], $0x80, s12, s17, $0xb8;
	[tilespmem:$0x1FF40] =	vst v63  }
0x185: {  	_ =	swait.ge [sflag:s2], $0x6400  }
0x186: {  	[sflag:s2] =	ssyncset.done $0x0  }
0x187: {  	s18 =	rddreg [dreg:$0x8];
	[sflag:s2] =	ssyncadd.s32 $0xFFFF9C00  }
0x188: {  	[tilespmem:s7], [sflag:$0x8] =	stream.linear.gather [spmem:s3], $0x6400, $0x38;
	[tilespmem:$0x1FF40] =	vst v63  }
0x189: {  	s12 =	sadd.s32 s10, s18;
	s18 =	simm.s32 $0x740  }
0x18a: {  	[tilespmem:s18], [sflag:$0xD] =	stream.linear.gather [hbm4b:s12+s4], $0xC8, $0x38;
	[tilespmem:$0x1FF40] =	vst v63  }
0x18b: {  	_ =	swait.ge [sflag:s29], $0x4000  }
0x18c: {  	[sflag:s29] =	ssyncset.done $0x0  }
0x18d: {  	[sflag:s29] =	ssyncadd.s32 $0xFFFFC000  }
0x18e: {  	_ =	swait.ge [sflag:s29], $0x2400  }
0x18f: {  	[sflag:s29] =	ssyncset.done $0x0  }
0x190: {  	s12 =	sadd.s32 $0xFFFFF380, s8;
	[sflag:s29] =	ssyncadd.s32 $0xFFFFDC00  }
0x191: {  	[hbm4b:s12+s4] =	stream.linear.scatter [tilespmem:s11], [sflag:$0x5], $0x6400, $0x38;
	[tilespmem:$0x1FF40] =	vst v63  }
0x192: {  	_ =	swait.ge [sflag:s20], $0x6400  }
0x193: {  	[sflag:s20] =	ssyncset.done $0x0  }
0x194: {  	[sflag:s20] =	ssyncadd.s32 $0xFFFF9C00  }
0x195: {  	_ =	swait.ge [sflag:s21], $0xC8  }
0x196: {  	[sflag:s21] =	ssyncset.done $0x0  }
0x197: {  	[sflag:s21] =	ssyncadd.s32 $0xFFFFFF38  }
0x198: {  	[tilespmem:s7], [sflag:$0x1] =	stream.indirect.gather.add.f32 [hbm:s1], $0x80, s18, s16, $0xb8;
	[tilespmem:$0x1FF40] =	vst v63  }
0x199: {  	s12 =	simm.s32 $0x7C0;
	s18 =	simm.s32 $0xAF40  }
0x19a: {  	[tilespmem:s18], [sflag:$0x1] =	stream.indirect.gather.add.f32 [hbm:s1], $0x80, s12, s17, $0xb8;
	[tilespmem:$0x1FF40] =	vst v63  }
0x19b: {  	_ =	swait.ge [sflag:s14], $0x6400  }
0x19c: {  	[sflag:s14] =	ssyncset.done $0x0  }
0x19d: {  	s18 =	rddreg [dreg:$0x7];
	[sflag:s14] =	ssyncadd.s32 $0xFFFF9C00  }
0x19e: {  	[tilespmem:s9], [sflag:$0x9] =	stream.linear.gather [spmem:s3], $0x6400, $0x38;
	[tilespmem:$0x1FF40] =	vst v63  }
0x19f: {  	s12 =	sadd.s32 s10, s18;
	s18 =	simm.s32 $0x840  }
0x1a0: {  	[tilespmem:s18], [sflag:$0xE] =	stream.linear.gather [hbm4b:s12+s4], $0xC8, $0x38;
	[tilespmem:$0x1FF40] =	vst v63  }
0x1a1: {  	_ =	swait.ge [sflag:s29], $0x4000  }
0x1a2: {  	[sflag:s29] =	ssyncset.done $0x0  }
0x1a3: {  	[sflag:s29] =	ssyncadd.s32 $0xFFFFC000  }
0x1a4: {  	_ =	swait.ge [sflag:s29], $0x2400  }
0x1a5: {  	[sflag:s29] =	ssyncset.done $0x0  }
0x1a6: {  	[sflag:s29] =	ssyncadd.s32 $0xFFFFDC00  }
0x1a7: {  	[hbm4b:s8+s4] =	stream.linear.scatter [tilespmem:s30], [sflag:$0x6], $0x6400, $0x38;
	[tilespmem:$0x1FF40] =	vst v63  }
0x1a8: {  	_ =	swait.ge [sflag:s24], $0x6400  }
0x1a9: {  	[sflag:s24] =	ssyncset.done $0x0  }
0x1aa: {  	[sflag:s24] =	ssyncadd.s32 $0xFFFF9C00  }
0x1ab: {  	_ =	swait.ge [sflag:s25], $0xC8  }
0x1ac: {  	[sflag:s25] =	ssyncset.done $0x0  }
0x1ad: {  	[sflag:s25] =	ssyncadd.s32 $0xFFFFFF38  }
0x1ae: {  	[tilespmem:s9], [sflag:$0x1] =	stream.indirect.gather.add.f32 [hbm:s1], $0x80, s18, s16, $0xb8;
	[tilespmem:$0x1FF40] =	vst v63  }
0x1af: {  	p1 =	sne.s32 s6, $0xABE;
	s12 =	simm.s32 $0x8C0;
	s18 =	simm.s32 $0x11340  }
0x1b0: {  	[tilespmem:s18], [sflag:$0x1] =	stream.indirect.gather.add.f32 [hbm:s1], $0x80, s12, s17, $0xb8;
	[tilespmem:$0x1FF40] =	vst v63  }
.Ltmp0:
0x1b1: {  	_ = 	snop;
	(pc) =	sbr.rel @p1 .LBB2_2-.Ltmp0, $4  }
0x1b2: {  	_ =	swait.ge [sflag:s23], $0x6400  }
0x1b3: {  	s6 =	sadd.s32 $0x7D, s6;
	[sflag:s23] =	ssyncset.done $0x0;
	s18 =	rddreg [dreg:$0x6]  }
0x1b4: {  	s8 =	sadd.s32 $0x3E80, s8;
	[sflag:s23] =	ssyncadd.s32 $0xFFFF9C00;
	s10 =	sadd.s32 s10, s18  }
0x1b5: {  	[tilespmem:s11], [sflag:$0xA] =	stream.linear.gather [spmem:s3], $0x6400, $0x38;
	[tilespmem:$0x1FF40] =	vst v63  }
0x1b6: {  	s8 =	simm.s32 $0x940  }
0x1b7: {  	[tilespmem:s8], [sflag:$0xF] =	stream.linear.gather [hbm4b:s10+s4], $0xC8, $0x38;
	[tilespmem:$0x1FF40] =	vst v63  }
0x1b8: {  	_ =	swait.ge [sflag:s29], $0x4000  }
0x1b9: {  	[sflag:s29] =	ssyncset.done $0x0  }
0x1ba: {  	[sflag:s29] =	ssyncadd.s32 $0xFFFFC000  }
0x1bb: {  	_ =	swait.ge [sflag:s29], $0x2400  }
0x1bc: {  	[sflag:s29] =	ssyncset.done $0x0  }
0x1bd: {  	s6 =	rddreg [dreg:$0x1e];
	[sflag:s29] =	ssyncadd.s32 $0xFFFFDC00  }
0x1be: {  	[hbm4b:s6+s4] =	stream.linear.scatter [tilespmem:s5], [sflag:$0x2], $0x6400, $0x38;
	[tilespmem:$0x1FF40] =	vst v63  }
0x1bf: {  	_ =	swait.ge [sflag:s31], $0x6400  }
0x1c0: {  	[sflag:s31] =	ssyncset.done $0x0  }
0x1c1: {  	[sflag:s31] =	ssyncadd.s32 $0xFFFF9C00  }
0x1c2: {  	_ =	swait.ge [sflag:s0], $0xC8  }
0x1c3: {  	[sflag:s0] =	ssyncset.done $0x0  }
0x1c4: {  	[sflag:s0] =	ssyncadd.s32 $0xFFFFFF38  }
0x1c5: {  	[tilespmem:s11], [sflag:$0x1] =	stream.indirect.gather.add.f32 [hbm:s1], $0x80, s8, s16, $0xb8;
	[tilespmem:$0x1FF40] =	vst v63  }
0x1c6: {  	s10 =	simm.s32 $0x17740;
	s8 =	simm.s32 $0x9C0  }
0x1c7: {  	[tilespmem:s10], [sflag:$0x1] =	stream.indirect.gather.add.f32 [hbm:s1], $0x80, s8, s17, $0xb8;
	[tilespmem:$0x1FF40] =	vst v63  }
0x1c8: {  	_ =	swait.ge [sflag:s26], $0x6400  }
0x1c9: {  	[sflag:s26] =	ssyncset.done $0x0  }
0x1ca: {  	[sflag:s26] =	ssyncadd.s32 $0xFFFF9C00  }
0x1cb: {  	[tilespmem:s30], [sflag:$0xB] =	stream.linear.gather [spmem:s3], $0x6400, $0x38;
	[tilespmem:$0x1FF40] =	vst v63  }
0x1cc: {  	s18 =	simm.s32 $0xA40;
	s12 =	rddreg [dreg:$0x1a]  }
0x1cd: {  	[tilespmem:s18], [sflag:$0x10] =	stream.linear.gather [hbm4b:s12+s4], $0xC8, $0x38;
	[tilespmem:$0x1FF40] =	vst v63  }
0x1ce: {  	_ =	swait.ge [sflag:s29], $0x4000  }
0x1cf: {  	[sflag:s29] =	ssyncset.done $0x0  }
0x1d0: {  	[sflag:s29] =	ssyncadd.s32 $0xFFFFC000  }
0x1d1: {  	_ =	swait.ge [sflag:s29], $0x2400  }
0x1d2: {  	[sflag:s29] =	ssyncset.done $0x0  }
0x1d3: {  	s10 =	rddreg [dreg:$0x1f];
	[sflag:s29] =	ssyncadd.s32 $0xFFFFDC00  }
0x1d4: {  	[hbm4b:s10+s4] =	stream.linear.scatter [tilespmem:s7], [sflag:$0x3], $0x6400, $0x38;
	[tilespmem:$0x1FF40] =	vst v63  }
0x1d5: {  	_ =	swait.ge [sflag:s19], $0x6400  }
0x1d6: {  	[sflag:s19] =	ssyncset.done $0x0  }
0x1d7: {  	[sflag:s19] =	ssyncadd.s32 $0xFFFF9C00  }
0x1d8: {  	_ =	swait.ge [sflag:s22], $0xC8  }
0x1d9: {  	[sflag:s22] =	ssyncset.done $0x0  }
0x1da: {  	[sflag:s22] =	ssyncadd.s32 $0xFFFFFF38  }
0x1db: {  	[tilespmem:s30], [sflag:$0x1] =	stream.indirect.gather.add.f32 [hbm:s1], $0x80, s18, s16, $0xb8;
	[tilespmem:$0x1FF40] =	vst v63  }
0x1dc: {  	s12 =	simm.s32 $0xAC0;
	s18 =	simm.s32 $0x1DB40  }
0x1dd: {  	[tilespmem:s18], [sflag:$0x1] =	stream.indirect.gather.add.f32 [hbm:s1], $0x80, s12, s17, $0xb8;
	[tilespmem:$0x1FF40] =	vst v63  }
0x1de: {  	_ =	swait.ge [sflag:s28], $0x6400  }
0x1df: {  	[sflag:s28] =	ssyncset.done $0x0  }
0x1e0: {  	[sflag:s28] =	ssyncadd.s32 $0xFFFF9C00  }
0x1e1: {  	[tilespmem:s5], [sflag:$0x7] =	stream.linear.gather [spmem:s3], $0x6400, $0x38;
	[tilespmem:$0x1FF40] =	vst v63  }
0x1e2: {  	s12 =	simm.s32 $0x640;
	s10 =	rddreg [dreg:$0x1b]  }
0x1e3: {  	[tilespmem:s12], [sflag:$0xC] =	stream.linear.gather [hbm4b:s10+s4], $0xC8, $0x38;
	[tilespmem:$0x1FF40] =	vst v63  }
0x1e4: {  	_ =	swait.ge [sflag:s29], $0x4000  }
0x1e5: {  	[sflag:s29] =	ssyncset.done $0x0  }
0x1e6: {  	[sflag:s29] =	ssyncadd.s32 $0xFFFFC000  }
0x1e7: {  	_ =	swait.ge [sflag:s29], $0x2400  }
0x1e8: {  	s18 =	sld [smem:$0x7F7]  }
0x1e9: {  	[sflag:s29] =	ssyncset.done $0x0  }
0x1ea: {  	[sflag:s29] =	ssyncadd.s32 $0xFFFFDC00  }
0x1eb: {  	[hbm4b:s18+s4] =	stream.linear.scatter [tilespmem:s9], [sflag:$0x4], $0x6400, $0x38;
	[tilespmem:$0x1FF40] =	vst v63  }
0x1ec: {  	_ =	swait.ge [sflag:s13], $0x6400  }
0x1ed: {  	[sflag:s13] =	ssyncset.done $0x0  }
0x1ee: {  	[sflag:s13] =	ssyncadd.s32 $0xFFFF9C00  }
0x1ef: {  	_ =	swait.ge [sflag:s15], $0xC8  }
0x1f0: {  	[sflag:s15] =	ssyncset.done $0x0  }
0x1f1: {  	[sflag:s15] =	ssyncadd.s32 $0xFFFFFF38  }
0x1f2: {  	[tilespmem:s5], [sflag:$0x1] =	stream.indirect.gather.add.f32 [hbm:s1], $0x80, s12, s16, $0xb8;
	[tilespmem:$0x1FF40] =	vst v63  }
0x1f3: {  	s8 =	simm.s32 $0x6C0;
	s10 =	simm.s32 $0x4B40  }
0x1f4: {  	[tilespmem:s10], [sflag:$0x1] =	stream.indirect.gather.add.f32 [hbm:s1], $0x80, s8, s17, $0xb8;
	[tilespmem:$0x1FF40] =	vst v63  }
0x1f5: {  	_ =	swait.ge [sflag:s2], $0x6400  }
0x1f6: {  	[sflag:s2] =	ssyncset.done $0x0  }
0x1f7: {  	[sflag:s2] =	ssyncadd.s32 $0xFFFF9C00  }
0x1f8: {  	[tilespmem:s7], [sflag:$0x8] =	stream.linear.gather [spmem:s3], $0x6400, $0x38;
	[tilespmem:$0x1FF40] =	vst v63  }
0x1f9: {  	s18 =	simm.s32 $0x740;
	s12 =	rddreg [dreg:$0x1c]  }
0x1fa: {  	[tilespmem:s18], [sflag:$0xD] =	stream.linear.gather [hbm4b:s12+s4], $0xC8, $0x38;
	[tilespmem:$0x1FF40] =	vst v63  }
0x1fb: {  	_ =	swait.ge [sflag:s29], $0x4000  }
0x1fc: {  	[sflag:s29] =	ssyncset.done $0x0  }
0x1fd: {  	[sflag:s29] =	ssyncadd.s32 $0xFFFFC000  }
0x1fe: {  	_ =	swait.ge [sflag:s29], $0x2400  }
0x1ff: {  	s10 =	sld [smem:$0x7F8]  }
0x200: {  	[sflag:s29] =	ssyncset.done $0x0  }
0x201: {  	[sflag:s29] =	ssyncadd.s32 $0xFFFFDC00  }
0x202: {  	[hbm4b:s10+s4] =	stream.linear.scatter [tilespmem:s11], [sflag:$0x5], $0x6400, $0x38;
	[tilespmem:$0x1FF40] =	vst v63  }
0x203: {  	_ =	swait.ge [sflag:s20], $0x6400  }
0x204: {  	[sflag:s20] =	ssyncset.done $0x0  }
0x205: {  	[sflag:s20] =	ssyncadd.s32 $0xFFFF9C00  }
0x206: {  	_ =	swait.ge [sflag:s21], $0xC8  }
0x207: {  	[sflag:s21] =	ssyncset.done $0x0  }
0x208: {  	[sflag:s21] =	ssyncadd.s32 $0xFFFFFF38  }
0x209: {  	[tilespmem:s7], [sflag:$0x1] =	stream.indirect.gather.add.f32 [hbm:s1], $0x80, s18, s16, $0xb8;
	[tilespmem:$0x1FF40] =	vst v63  }
0x20a: {  	s12 =	simm.s32 $0x7C0;
	s18 =	simm.s32 $0xAF40  }
0x20b: {  	[tilespmem:s18], [sflag:$0x1] =	stream.indirect.gather.add.f32 [hbm:s1], $0x80, s12, s17, $0xb8;
	[tilespmem:$0x1FF40] =	vst v63  }
0x20c: {  	_ =	swait.ge [sflag:s14], $0x6400  }
0x20d: {  	[sflag:s14] =	ssyncset.done $0x0  }
0x20e: {  	[sflag:s14] =	ssyncadd.s32 $0xFFFF9C00  }
0x20f: {  	[tilespmem:s9], [sflag:$0x9] =	stream.linear.gather [spmem:s3], $0x6400, $0x38;
	[tilespmem:$0x1FF40] =	vst v63  }
0x210: {  	s12 =	simm.s32 $0x840;
	s10 =	rddreg [dreg:$0x1d]  }
0x211: {  	[tilespmem:s12], [sflag:$0xE] =	stream.linear.gather [hbm4b:s10+s4], $0xC8, $0x38;
	[tilespmem:$0x1FF40] =	vst v63  }
0x212: {  	_ =	swait.ge [sflag:s29], $0x4000  }
0x213: {  	[sflag:s29] =	ssyncset.done $0x0  }
0x214: {  	[sflag:s29] =	ssyncadd.s32 $0xFFFFC000  }
0x215: {  	_ =	swait.ge [sflag:s29], $0x2400  }
0x216: {  	[sflag:s29] =	ssyncset.done $0x0  }
0x217: {  	s18 =	rddreg [dreg:$0x10];
	[sflag:s29] =	ssyncadd.s32 $0xFFFFDC00  }
0x218: {  	[hbm4b:s18+s4] =	stream.linear.scatter [tilespmem:s30], [sflag:$0x6], $0x6400, $0x38;
	[tilespmem:$0x1FF40] =	vst v63  }
0x219: {  	_ =	swait.ge [sflag:s24], $0x6400  }
0x21a: {  	[sflag:s24] =	ssyncset.done $0x0  }
0x21b: {  	[sflag:s24] =	ssyncadd.s32 $0xFFFF9C00  }
0x21c: {  	_ =	swait.ge [sflag:s25], $0xC8  }
0x21d: {  	[sflag:s25] =	ssyncset.done $0x0  }
0x21e: {  	[sflag:s25] =	ssyncadd.s32 $0xFFFFFF38  }
0x21f: {  	[tilespmem:s9], [sflag:$0x1] =	stream.indirect.gather.add.f32 [hbm:s1], $0x80, s12, s16, $0xb8;
	[tilespmem:$0x1FF40] =	vst v63  }
0x220: {  	s10 =	simm.s32 $0x8C0;
	s12 =	simm.s32 $0x11340  }
0x221: {  	[tilespmem:s12], [sflag:$0x1] =	stream.indirect.gather.add.f32 [hbm:s1], $0x80, s10, s17, $0xb8;
	[tilespmem:$0x1FF40] =	vst v63  }
0x222: {  	_ =	swait.ge [sflag:s29], $0x4000  }
0x223: {  	[sflag:s29] =	ssyncset.done $0x0  }
0x224: {  	[sflag:s29] =	ssyncadd.s32 $0xFFFFC000  }
0x225: {  	_ =	swait.ge [sflag:s29], $0x2400  }
0x226: {  	[sflag:s29] =	ssyncset.done $0x0  }
0x227: {  	s18 =	rddreg [dreg:$0x11];
	[sflag:s29] =	ssyncadd.s32 $0xFFFFDC00  }
0x228: {  	[hbm4b:s18+s4] =	stream.linear.scatter [tilespmem:s5], [sflag:$0x2], $0x6400, $0x38;
	[tilespmem:$0x1FF40] =	vst v63  }
0x229: {  	_ =	swait.ge [sflag:s29], $0x4000  }
0x22a: {  	[sflag:s29] =	ssyncset.done $0x0  }
0x22b: {  	[sflag:s29] =	ssyncadd.s32 $0xFFFFC000  }
0x22c: {  	_ =	swait.ge [sflag:s29], $0x2400  }
0x22d: {  	[sflag:s29] =	ssyncset.done $0x0  }
0x22e: {  	s8 =	rddreg [dreg:$0x12];
	[sflag:s29] =	ssyncadd.s32 $0xFFFFDC00  }
0x22f: {  	[hbm4b:s8+s4] =	stream.linear.scatter [tilespmem:s7], [sflag:$0x3], $0x6400, $0x38;
	[tilespmem:$0x1FF40] =	vst v63  }
0x230: {  	_ =	swait.ge [sflag:s29], $0x4000  }
0x231: {  	[sflag:s29] =	ssyncset.done $0x0  }
0x232: {  	[sflag:s29] =	ssyncadd.s32 $0xFFFFC000  }
0x233: {  	_ =	swait.ge [sflag:s29], $0x2400  }
0x234: {  	[sflag:s29] =	ssyncset.done $0x0  }
0x235: {  	s10 =	rddreg [dreg:$0x13];
	[sflag:s29] =	ssyncadd.s32 $0xFFFFDC00  }
0x236: {  	[hbm4b:s10+s4] =	stream.linear.scatter [tilespmem:s9], [sflag:$0x4], $0x6400, $0x38;
	[tilespmem:$0x1FF40] =	vst v63  }
0x237: {  	_ =	swait.ge [sflag:s28], $0x6400  }
0x238: {  	[sflag:s28] =	ssyncset.done $0x0  }
0x239: {  	[sflag:s28] =	ssyncadd.s32 $0xFFFF9C00  }
0x23a: {  	_ =	swait.ge [sflag:s2], $0x6400  }
0x23b: {  	[sflag:s2] =	ssyncset.done $0x0  }
0x23c: {  	[sflag:s2] =	ssyncadd.s32 $0xFFFF9C00  }
0x23d: {  	_ =	swait.ge [sflag:s14], $0x6400  }
0x23e: {  	[sflag:s14] =	ssyncset.done $0x0  }
0x23f: {  	[sflag:s14] =	ssyncadd.s32 $0xFFFF9C00  }
0x240: {  	_ =	swait.ge [sflag:s23], $0x6400  }
0x241: {  	[sflag:s23] =	ssyncset.done $0x0  }
0x242: {  	[sflag:s23] =	ssyncadd.s32 $0xFFFF9C00  }
0x243: {  	_ =	swait.ge [sflag:s26], $0x6400  }
0x244: {  	s12 =	sld [smem:$0x7F6]  }
0x245: {  	s18 =	sld [smem:$0x7F9];
	_ =	sdelay $0x1  }
0x246: {  	s8 =	sadd.s32 $0x1, s12  }
0x247: {  	p1 =	sne.s32 s8, s18  }
.Ltmp1:
0x248: {  	_ = 	snop;
	(pc) =	sbr.rel @p1 .LBB2_1-.Ltmp1, $3  }
0x249: {  	_ =	sdelay $0x1  }
0x24a: {  	[sflag:s26] =	ssyncset.done $0x0  }
0x24b: {  	[sflag:s26] =	ssyncadd.s32 $0xFFFF9C00  }
0x24c: {  	_ =	sfence.sel $0x180000  }
0x24d: {  	[bflag:$0x0] =	sbarrier.arrive $0xFFFF  }
0x24e: {  	_ =	strace $0x90000047  }
0x24f: {  	[bflag:$0x2] =	sbarrier.arrive $0xFFFF  }
0x250: {  	s0 =	rddreg [dreg:$0x5]  }
0x251: {  	s0 =	sadd.s32 @!p0 $0x100000, s0  }
0x252: {  	[sflag:s0] =	ssyncadd.tile.s32 @!p0 $0x1;
	_ =	shalt  }
.Lfunc_end2:
_tile_overlayer_lowered:
.L_overlay_start_2:
0x253: {  	(tag) =	ssettag $0x2  }
0x254: {  	s0 =	rddreg [dreg:$0x0];
	s2 =	stileid.u32  }
0x255: {  	s1 =	rddreg [dreg:$0x1];
	p0 =	sne.s32 s2, $0x0  }
0x256: {  	s3 =	rddreg [dreg:$0x2];
	[bflag:$0x3] =	sbarrier.arrive $0xFFFF;
	s2 =	simm.s32 @!p0 $0x1C11  }
0x257: {  	[timem:s3], [sflag:s2] =	dma.local @!p0 [hbm:s0], s1  }
0x258: {  	s0 =	simm.s32 @!p0 $0x11  }
0x259: {  	_ =	swait.ge @!p0 [sflag:s0], s1  }
0x25a: {  	s1 =	ssub.s32 @!p0 $0x0, s1;
	[sflag:s0] =	ssyncset.done @!p0 $0x0  }
0x25b: {  	[sflag:s0] =	ssyncadd.s32 @!p0 s1  }
0x25c: {  	[bflag:$0x3] =	sbarrier.arrive $0xFFFF  }
0x25d: {  	_ =	shalt  }

</sc_bundles>
